<compile_context>
chip_gen: v7x
topology: tpu7x:2x2x1
jax: 0.10.2.dev20260603
libtpu: 0.0.44.dev20260713+nightly
codegen_flags: <defaults>
</compile_context>

<pallas_src>
import functools

import jax
import jax.numpy as jnp
from jax import lax
from jax.experimental import pallas as pl
from jax.experimental.pallas import tpu as pltpu
from jax.experimental.pallas import tpu_sc as plsc

CHUNK = 40
LANES = 16


def _hw_body(h_ref, w_ref, b_ref, o_ref):
    o_ref[...] = (
        jnp.dot(h_ref[...], w_ref[...], preferred_element_type=jnp.float32)
        + b_ref[...]
    )


def _xew_body(xe_ref, w_ref, o_ref):
    o_ref[...] = jnp.dot(xe_ref[...], w_ref[...], preferred_element_type=jnp.float32)


def _upd_body(h_ref, z0_ref, z1_ref, wh_ref, wz_ref, b_ref, o_ref):
    acc = jnp.dot(h_ref[...], wh_ref[...], preferred_element_type=jnp.float32)
    acc = acc + jnp.dot(
        z0_ref[...] + z1_ref[...], wz_ref[...], preferred_element_type=jnp.float32
    )
    o_ref[...] = jnp.maximum(acc + b_ref[...], 0.0)


@functools.cache
def _make_sc_edge_kernel(e_pad: int, nz: int, d: int):
    info = plsc.get_sparse_core_info()
    nc, ns = info.num_cores, info.num_subcores
    nw = nc * ns
    n_chunks = e_pad // CHUNK
    chunks_per_w = n_chunks // nw
    n_pairs = chunks_per_w // 2
    rows_per_tile = nz // ns
    d_slices = d // LANES
    mesh = plsc.VectorSubcoreMesh(core_axis_name="c", subcore_axis_name="s")

    @functools.partial(
        pl.kernel,
        out_type=jax.ShapeDtypeStruct((nc, nz, d), jnp.float32),
        mesh=mesh,
        scratch_types=[
            pltpu.VMEM((CHUNK,), jnp.int32),
            pltpu.VMEM((CHUNK,), jnp.int32),
            pltpu.VMEM((CHUNK,), jnp.int32),
            pltpu.VMEM((CHUNK,), jnp.int32),
            pltpu.VMEM((CHUNK, d), jnp.float32),
            pltpu.VMEM((CHUNK, d), jnp.float32),
            pltpu.VMEM((CHUNK, d), jnp.float32),
            pltpu.VMEM((CHUNK, d), jnp.float32),
            pltpu.VMEM((CHUNK, d), jnp.float32),
            pltpu.VMEM((CHUNK, d), jnp.float32),
            pltpu.VMEM_SHARED((nz, d), jnp.float32),
            pltpu.SemaphoreType.DMA,
            pltpu.SemaphoreType.DMA,
            pltpu.SemaphoreType.DMA,
            pltpu.SemaphoreType.DMA,
            pltpu.SemaphoreType.DMA,
            pltpu.SemaphoreType.DMA,
            pltpu.SemaphoreType.DMA,
            pltpu.SemaphoreType.DMA,
            pltpu.SemaphoreType.DMA,
            pltpu.SemaphoreType.DMA,
        ],
    )
    def sc_edge_kernel(hw_hbm, xew_hbm, src_hbm, dst_hbm, zpart_hbm,
                       srcb0, srcb1, dstb0, dstb1, rows0, rows1, xb0, xb1,
                       yb0, yb1, z_sh,
                       si0, si1, di0, di1, sg0, sg1, sx0, sx1, ss0, ss1):
        cid = lax.axis_index("c")
        sid = lax.axis_index("s")
        wid = sid * nc + cid
        c0 = wid * chunks_per_w
        srcb = (srcb0, srcb1)
        dstb = (dstb0, dstb1)
        rows = (rows0, rows1)
        xb = (xb0, xb1)
        yb = (yb0, yb1)
        si = (si0, si1)
        di = (di0, di1)
        sg = (sg0, sg1)
        sx = (sx0, sx1)
        ss = (ss0, ss1)

        def _issue_src(c, b):
            pltpu.async_copy(src_hbm.at[pl.ds((c0 + c) * CHUNK, CHUNK)], srcb[b], si[b])

        def _wait_src(c, b):
            pltpu.make_async_copy(
                src_hbm.at[pl.ds((c0 + c) * CHUNK, CHUNK)], srcb[b], si[b]
            ).wait()

        def _issue_dst(c, b):
            pltpu.async_copy(dst_hbm.at[pl.ds((c0 + c) * CHUNK, CHUNK)], dstb[b], di[b])

        def _wait_dst(c, b):
            pltpu.make_async_copy(
                dst_hbm.at[pl.ds((c0 + c) * CHUNK, CHUNK)], dstb[b], di[b]
            ).wait()

        def _issue_gather(b):
            pltpu.async_copy(hw_hbm.at[srcb[b]], rows[b], sg[b])

        def _wait_gather(b):
            pltpu.make_async_copy(hw_hbm.at[srcb[b]], rows[b], sg[b]).wait()

        def _issue_xew(c, b):
            pltpu.async_copy(xew_hbm.at[pl.ds((c0 + c) * CHUNK, CHUNK)], xb[b], sx[b])

        def _wait_xew(c, b):
            pltpu.make_async_copy(
                xew_hbm.at[pl.ds((c0 + c) * CHUNK, CHUNK)], xb[b], sx[b]
            ).wait()

        def _compute(b):
            rows_b, x_b, y_b = rows[b], xb[b], yb[b]

            def _edge(j):
                for k in range(d_slices):
                    sl = pl.ds(k * LANES, LANES)
                    y_b[j, sl] = jnp.maximum(rows_b[j, sl] + x_b[j, sl], 0.0)

            plsc.parallel_loop(0, CHUNK, unroll=2)(_edge)

        def _issue_scatter(b):
            pltpu.async_copy(yb[b], z_sh.at[dstb[b]], ss[b], add=True)

        def _wait_scatter(b):
            pltpu.make_async_copy(yb[b], z_sh.at[dstb[b]], ss[b]).wait()

        zvec = jnp.zeros((LANES,), jnp.float32)

        def _zero_y(j, _):
            for k in range(d_slices):
                yb0[j, pl.ds(k * LANES, LANES)] = zvec
                yb1[j, pl.ds(k * LANES, LANES)] = zvec
            return 0

        lax.fori_loop(0, CHUNK, _zero_y, 0)

        def _zero_z(r, _):
            pltpu.sync_copy(
                yb0, z_sh.at[pl.ds(sid * rows_per_tile + r * CHUNK, CHUNK)]
            )
            return 0

        lax.fori_loop(0, rows_per_tile // CHUNK, _zero_z, 0)
        plsc.subcore_barrier()

        last = chunks_per_w - 1
        for b in (0, 1):
            _issue_src(b, b)
            _issue_dst(b, b)
        for b in (0, 1):
            _wait_src(b, b)
            _issue_gather(b)
            _issue_xew(b, b)
        _wait_gather(0)
        _wait_xew(0, 0)
        _issue_src(2, 0)
        _compute(0)
        _wait_dst(0, 0)
        _issue_scatter(0)
        _wait_src(2, 0)
        _issue_gather(0)
        _issue_xew(2, 0)
        _wait_gather(1)
        _wait_xew(1, 1)
        _issue_src(3, 1)
        _wait_scatter(0)
        _issue_dst(2, 0)
        _compute(1)
        _wait_dst(1, 1)
        _issue_scatter(1)
        _wait_src(3, 1)
        _issue_gather(1)
        _issue_xew(3, 1)

        def _step(c, cn1, cn2, b):
            _wait_gather(b)
            _wait_xew(c, b)
            _issue_src(cn2, b)
            _wait_scatter(1 - b)
            _issue_dst(cn1, 1 - b)
            _compute(b)
            _wait_dst(c, b)
            _issue_scatter(b)
            _wait_src(cn2, b)
            _issue_gather(b)
            _issue_xew(cn2, b)

        def _pair(p, _):
            ca = 2 * p
            _step(ca, jnp.minimum(ca + 1, last), jnp.minimum(ca + 2, last), 0)
            _step(ca + 1, jnp.minimum(ca + 2, last), jnp.minimum(ca + 3, last), 1)
            return 0

        lax.fori_loop(1, n_pairs, _pair, 0)
        _wait_scatter(1)
        for b in (0, 1):
            _wait_gather(b)
            _wait_xew(last, b)
        _wait_dst(last, 0)
        plsc.subcore_barrier()

        pltpu.sync_copy(
            z_sh.at[pl.ds(sid * rows_per_tile, rows_per_tile)],
            zpart_hbm.at[cid, pl.ds(sid * rows_per_tile, rows_per_tile)],
        )

    return sc_edge_kernel


def _round_up(x: int, m: int) -> int:
    return (x + m - 1) // m * m


def kernel(H, Xe, id_Xe, W_M, b_M, W_U, b_U):
    n, d = H.shape
    e, de = Xe.shape
    info = plsc.get_sparse_core_info()
    nw = info.num_cores * info.num_subcores

    e_pad = _round_up(e, 2 * CHUNK * nw)
    nz = _round_up(n + 1, info.num_subcores * CHUNK)

    src = id_Xe[0].astype(jnp.int32)
    dst = id_Xe[1].astype(jnp.int32)
    n_pad = e_pad - e
    if n_pad:
        src = jnp.concatenate([src, jnp.zeros((n_pad,), jnp.int32)])
        pad_dst = n + jnp.arange(n_pad, dtype=jnp.int32) % (nz - n)
        dst = jnp.concatenate([dst, pad_dst])
        Xe = jnp.concatenate([Xe, jnp.zeros((n_pad, de), Xe.dtype)])

    w_mh, w_me = W_M[:d], W_M[d:]
    w_uh, w_uz = W_U[:d], W_U[d:]
    b_m2 = b_M.reshape(1, d)
    b_u2 = b_U.reshape(1, d)

    hw = pl.pallas_call(
        _hw_body,
        out_shape=jax.ShapeDtypeStruct((n, d), jnp.float32),
    )(H, w_mh, b_m2)

    xew_blk = next(blk for blk in (4000, 4096, 2048, 1280, 2 * CHUNK)
                   if e_pad % blk == 0)
    xew = pl.pallas_call(
        _xew_body,
        grid=(e_pad // xew_blk,),
        in_specs=[
            pl.BlockSpec((xew_blk, de), lambda i: (i, 0)),
            pl.BlockSpec((de, d), lambda i: (0, 0)),
        ],
        out_specs=pl.BlockSpec((xew_blk, d), lambda i: (i, 0)),
        out_shape=jax.ShapeDtypeStruct((e_pad, d), jnp.float32),
    )(Xe, w_me)

    zpart = _make_sc_edge_kernel(e_pad, nz, d)(hw, xew, src, dst)

    z0 = lax.slice(zpart, (0, 0, 0), (1, n, d)).reshape(n, d)
    z1 = lax.slice(zpart, (1, 0, 0), (2, n, d)).reshape(n, d)

    out = pl.pallas_call(
        _upd_body,
        out_shape=jax.ShapeDtypeStruct((n, d), jnp.float32),
    )(H, z0, z1, w_uh, w_uz, b_u2)
    return out

# --- scband reference (transcript-rebuilt; emitter-appended) ---
"""Pipeline reference for scband-sparse-gnnlayer-5128190951731 (READ-ONLY COPY).

The authoritative reference and input builder live on the scoring server;
editing this copy changes nothing except your own understanding.
"""

import jax, jax.numpy as jnp
import numpy as np

N_NODES = 10000
N_EDGES = 320000
D_FEAT = 128
D_EDGE = 16
M_DIM_IN = D_FEAT + D_EDGE
M_DIM_OUT = 128
U_DIM_IN = D_FEAT + M_DIM_OUT
U_DIM_OUT = 128


def setup_inputs(seed: int = 0) -> dict:
    key = jax.random.key(seed)
    k_h, k_xe, k_idx, k_wm, k_bm, k_wu, k_bu = jax.random.split(key, 7)
    H = jax.random.normal(k_h, (N_NODES, D_FEAT), dtype=jnp.float32)
    Xe = jax.random.normal(k_xe, (N_EDGES, D_EDGE), dtype=jnp.float32)
    id_Xe = jax.random.randint(k_idx, (2, N_EDGES), 0, N_NODES, dtype=jnp.int64 if jax.config.jax_enable_x64 else jnp.int32)
    # Linear layer params (Kaiming-uniform-ish init, stored as [in, out] for x @ W)
    lim_m = 1.0 / np.sqrt(M_DIM_IN)
    W_M = jax.random.uniform(k_wm, (M_DIM_IN, M_DIM_OUT), dtype=jnp.float32, minval=-lim_m, maxval=lim_m)
    b_M = jax.random.uniform(k_bm, (M_DIM_OUT,), dtype=jnp.float32, minval=-lim_m, maxval=lim_m)
    lim_u = 1.0 / np.sqrt(U_DIM_IN)
    W_U = jax.random.uniform(k_wu, (U_DIM_IN, U_DIM_OUT), dtype=jnp.float32, minval=-lim_u, maxval=lim_u)
    b_U = jax.random.uniform(k_bu, (U_DIM_OUT,), dtype=jnp.float32, minval=-lim_u, maxval=lim_u)
    return {"H": H, "Xe": Xe, "id_Xe": id_Xe, "W_M": W_M, "b_M": b_M, "W_U": W_U, "b_U": b_U}


def reference(H, Xe, id_Xe, W_M, b_M, W_U, b_U):
    # features = index_select(H, 0, id_Xe[0])  -> gather
    features = jnp.take(H, id_Xe[0], axis=0)
    M_con_cat = jnp.concatenate([features, Xe], axis=1)
    # M = Linear + ReLU
    Y = jax.nn.relu(M_con_cat @ W_M + b_M)
    # aggregation == 'SUM': scatter_add over destination nodes
    Z = jax.ops.segment_sum(Y, id_Xe[1], num_segments=H.shape[0])
    U_con_cat = jnp.concatenate([H, Z], axis=1)
    H_next = jax.nn.relu(U_con_cat @ W_U + b_U)
    # dropout with p=0.0 (and eval semantics) is identity
    return H_next

if __name__ == "__main__":
    import jax
    _d = setup_inputs()
    print(jax.jit(kernel)(*tuple(_d.values())))

</pallas_src>

<mosaic_0001>
#map = affine_map<(d0, d1) -> (0, 0)>
#map1 = affine_map<(d0, d1) -> (0)>
#map2 = affine_map<(d0, d1) -> (0, 0, 0)>
module attributes {stable_mosaic.version = 14 : i64} {
  func.func @sc_edge_kernel(%arg0: i32, %arg1: i32, %arg2: memref<10000x128xf32, #tpu.memory_space<hbm>>, %arg3: memref<320000x128xf32, #tpu.memory_space<hbm>>, %arg4: memref<320000xi32, #tpu.memory_space<hbm>>, %arg5: memref<320000xi32, #tpu.memory_space<hbm>>, %arg6: memref<2x10240x128xf32, #tpu.memory_space<hbm>>, %arg7: memref<40xi32, #tpu.memory_space<vmem>>, %arg8: memref<40xi32, #tpu.memory_space<vmem>>, %arg9: memref<40xi32, #tpu.memory_space<vmem>>, %arg10: memref<40xi32, #tpu.memory_space<vmem>>, %arg11: memref<40x128xf32, #tpu.memory_space<vmem>>, %arg12: memref<40x128xf32, #tpu.memory_space<vmem>>, %arg13: memref<40x128xf32, #tpu.memory_space<vmem>>, %arg14: memref<40x128xf32, #tpu.memory_space<vmem>>, %arg15: memref<40x128xf32, #tpu.memory_space<vmem>>, %arg16: memref<40x128xf32, #tpu.memory_space<vmem>>, %arg17: memref<10240x128xf32, #tpu.memory_space<vmem_shared>>, %arg18: memref<!tpu.dma_semaphore, #tpu.memory_space<semaphore_mem>>, %arg19: memref<!tpu.dma_semaphore, #tpu.memory_space<semaphore_mem>>, %arg20: memref<!tpu.dma_semaphore, #tpu.memory_space<semaphore_mem>>, %arg21: memref<!tpu.dma_semaphore, #tpu.memory_space<semaphore_mem>>, %arg22: memref<!tpu.dma_semaphore, #tpu.memory_space<semaphore_mem>>, %arg23: memref<!tpu.dma_semaphore, #tpu.memory_space<semaphore_mem>>, %arg24: memref<!tpu.dma_semaphore, #tpu.memory_space<semaphore_mem>>, %arg25: memref<!tpu.dma_semaphore, #tpu.memory_space<semaphore_mem>>, %arg26: memref<!tpu.dma_semaphore, #tpu.memory_space<semaphore_mem>>, %arg27: memref<!tpu.dma_semaphore, #tpu.memory_space<semaphore_mem>>) attributes {dimension_semantics = [#tpu.dimension_semantics<core_parallel>, #tpu.dimension_semantics<subcore_parallel>], iteration_bounds = array<i64: 2, 16>, scalar_prefetch = 0 : i64, scratch_operands = 21 : i64, tpu.core_type = #tpu.core_type<sc_vector_subcore>, window_params = [{transform_indices = #map}, {transform_indices = #map}, {transform_indices = #map1}, {transform_indices = #map1}, {transform_indices = #map2}]} {
    %mul3A = arith.constant 2 : i32
    %mul3A_0 = arith.muli %arg1, %mul3A : i32
    %add3A = arith.addi %mul3A_0, %arg0 : i32
    %mul3A_1 = arith.constant 250 : i32
    %mul3A_2 = arith.muli %add3A, %mul3A_1 : i32
    %broadcast_in_dim3A = arith.constant 0.000000e+00 : f32
    %broadcast_in_dim3A_3 = vector.broadcast %broadcast_in_dim3A : f32 to vector<16xf32>
    %scan3A = arith.constant 0 : i32
    %scan3A_4 = arith.constant 0 : i32
    %scan3A_5 = arith.constant 40 : i32
    %scan3A_6 = arith.addi %scan3A_4, %scan3A_5 : i32
    %scan3A_7 = arith.constant 1 : i32
    %scan3A_8 = scf.for %scan3A_216 = %scan3A_4 to %scan3A_6 step %scan3A_7 iter_args(%scan3A_217 = %scan3A) -> (i32)  : i32 {
      %swap3A = arith.index_cast %scan3A_216 : i32 to index
      %swap3A_218 = arith.constant 0 : index
      %swap3A_219 = tpu.vector_load %arg15[%swap3A, %swap3A_218] {strides = array<i32>} : memref<40x128xf32, #tpu.memory_space<vmem>>, vector<1x16xf32>,
      %swap3A_220 = vector.shape_cast %swap3A_219 : vector<1x16xf32> to vector<16xf32>
      %swap3A_221 = vector.shape_cast %broadcast_in_dim3A_3 : vector<16xf32> to vector<1x16xf32>
      tpu.vector_store %arg15[%swap3A, %swap3A_218], %swap3A_221 {strides = array<i32>} : memref<40x128xf32, #tpu.memory_space<vmem>>, vector<1x16xf32>,
      %swap3A_222 = arith.index_cast %scan3A_216 : i32 to index
      %swap3A_223 = arith.constant 0 : index
      %swap3A_224 = tpu.vector_load %arg16[%swap3A_222, %swap3A_223] {strides = array<i32>} : memref<40x128xf32, #tpu.memory_space<vmem>>, vector<1x16xf32>,
      %swap3A_225 = vector.shape_cast %swap3A_224 : vector<1x16xf32> to vector<16xf32>
      %swap3A_226 = vector.shape_cast %broadcast_in_dim3A_3 : vector<16xf32> to vector<1x16xf32>
      tpu.vector_store %arg16[%swap3A_222, %swap3A_223], %swap3A_226 {strides = array<i32>} : memref<40x128xf32, #tpu.memory_space<vmem>>, vector<1x16xf32>,
      %swap3A_227 = arith.index_cast %scan3A_216 : i32 to index
      %swap3A_228 = arith.constant 16 : index
      %swap3A_229 = tpu.vector_load %arg15[%swap3A_227, %swap3A_228] {strides = array<i32>} : memref<40x128xf32, #tpu.memory_space<vmem>>, vector<1x16xf32>,
      %swap3A_230 = vector.shape_cast %swap3A_229 : vector<1x16xf32> to vector<16xf32>
      %swap3A_231 = vector.shape_cast %broadcast_in_dim3A_3 : vector<16xf32> to vector<1x16xf32>
      tpu.vector_store %arg15[%swap3A_227, %swap3A_228], %swap3A_231 {strides = array<i32>} : memref<40x128xf32, #tpu.memory_space<vmem>>, vector<1x16xf32>,
      %swap3A_232 = arith.index_cast %scan3A_216 : i32 to index
      %swap3A_233 = arith.constant 16 : index
      %swap3A_234 = tpu.vector_load %arg16[%swap3A_232, %swap3A_233] {strides = array<i32>} : memref<40x128xf32, #tpu.memory_space<vmem>>, vector<1x16xf32>,
      %swap3A_235 = vector.shape_cast %swap3A_234 : vector<1x16xf32> to vector<16xf32>
      %swap3A_236 = vector.shape_cast %broadcast_in_dim3A_3 : vector<16xf32> to vector<1x16xf32>
      tpu.vector_store %arg16[%swap3A_232, %swap3A_233], %swap3A_236 {strides = array<i32>} : memref<40x128xf32, #tpu.memory_space<vmem>>, vector<1x16xf32>,
      %swap3A_237 = arith.index_cast %scan3A_216 : i32 to index
      %swap3A_238 = arith.constant 32 : index
      %swap3A_239 = tpu.vector_load %arg15[%swap3A_237, %swap3A_238] {strides = array<i32>} : memref<40x128xf32, #tpu.memory_space<vmem>>, vector<1x16xf32>,
      %swap3A_240 = vector.shape_cast %swap3A_239 : vector<1x16xf32> to vector<16xf32>
      %swap3A_241 = vector.shape_cast %broadcast_in_dim3A_3 : vector<16xf32> to vector<1x16xf32>
      tpu.vector_store %arg15[%swap3A_237, %swap3A_238], %swap3A_241 {strides = array<i32>} : memref<40x128xf32, #tpu.memory_space<vmem>>, vector<1x16xf32>,
      %swap3A_242 = arith.index_cast %scan3A_216 : i32 to index
      %swap3A_243 = arith.constant 32 : index
      %swap3A_244 = tpu.vector_load %arg16[%swap3A_242, %swap3A_243] {strides = array<i32>} : memref<40x128xf32, #tpu.memory_space<vmem>>, vector<1x16xf32>,
      %swap3A_245 = vector.shape_cast %swap3A_244 : vector<1x16xf32> to vector<16xf32>
      %swap3A_246 = vector.shape_cast %broadcast_in_dim3A_3 : vector<16xf32> to vector<1x16xf32>
      tpu.vector_store %arg16[%swap3A_242, %swap3A_243], %swap3A_246 {strides = array<i32>} : memref<40x128xf32, #tpu.memory_space<vmem>>, vector<1x16xf32>,
      %swap3A_247 = arith.index_cast %scan3A_216 : i32 to index
      %swap3A_248 = arith.constant 48 : index
      %swap3A_249 = tpu.vector_load %arg15[%swap3A_247, %swap3A_248] {strides = array<i32>} : memref<40x128xf32, #tpu.memory_space<vmem>>, vector<1x16xf32>,
      %swap3A_250 = vector.shape_cast %swap3A_249 : vector<1x16xf32> to vector<16xf32>
      %swap3A_251 = vector.shape_cast %broadcast_in_dim3A_3 : vector<16xf32> to vector<1x16xf32>
      tpu.vector_store %arg15[%swap3A_247, %swap3A_248], %swap3A_251 {strides = array<i32>} : memref<40x128xf32, #tpu.memory_space<vmem>>, vector<1x16xf32>,
      %swap3A_252 = arith.index_cast %scan3A_216 : i32 to index
      %swap3A_253 = arith.constant 48 : index
      %swap3A_254 = tpu.vector_load %arg16[%swap3A_252, %swap3A_253] {strides = array<i32>} : memref<40x128xf32, #tpu.memory_space<vmem>>, vector<1x16xf32>,
      %swap3A_255 = vector.shape_cast %swap3A_254 : vector<1x16xf32> to vector<16xf32>
      %swap3A_256 = vector.shape_cast %broadcast_in_dim3A_3 : vector<16xf32> to vector<1x16xf32>
      tpu.vector_store %arg16[%swap3A_252, %swap3A_253], %swap3A_256 {strides = array<i32>} : memref<40x128xf32, #tpu.memory_space<vmem>>, vector<1x16xf32>,
      %swap3A_257 = arith.index_cast %scan3A_216 : i32 to index
      %swap3A_258 = arith.constant 64 : index
      %swap3A_259 = tpu.vector_load %arg15[%swap3A_257, %swap3A_258] {strides = array<i32>} : memref<40x128xf32, #tpu.memory_space<vmem>>, vector<1x16xf32>,
      %swap3A_260 = vector.shape_cast %swap3A_259 : vector<1x16xf32> to vector<16xf32>
      %swap3A_261 = vector.shape_cast %broadcast_in_dim3A_3 : vector<16xf32> to vector<1x16xf32>
      tpu.vector_store %arg15[%swap3A_257, %swap3A_258], %swap3A_261 {strides = array<i32>} : memref<40x128xf32, #tpu.memory_space<vmem>>, vector<1x16xf32>,
      %swap3A_262 = arith.index_cast %scan3A_216 : i32 to index
      %swap3A_263 = arith.constant 64 : index
      %swap3A_264 = tpu.vector_load %arg16[%swap3A_262, %swap3A_263] {strides = array<i32>} : memref<40x128xf32, #tpu.memory_space<vmem>>, vector<1x16xf32>,
      %swap3A_265 = vector.shape_cast %swap3A_264 : vector<1x16xf32> to vector<16xf32>
      %swap3A_266 = vector.shape_cast %broadcast_in_dim3A_3 : vector<16xf32> to vector<1x16xf32>
      tpu.vector_store %arg16[%swap3A_262, %swap3A_263], %swap3A_266 {strides = array<i32>} : memref<40x128xf32, #tpu.memory_space<vmem>>, vector<1x16xf32>,
      %swap3A_267 = arith.index_cast %scan3A_216 : i32 to index
      %swap3A_268 = arith.constant 80 : index
      %swap3A_269 = tpu.vector_load %arg15[%swap3A_267, %swap3A_268] {strides = array<i32>} : memref<40x128xf32, #tpu.memory_space<vmem>>, vector<1x16xf32>,
      %swap3A_270 = vector.shape_cast %swap3A_269 : vector<1x16xf32> to vector<16xf32>
      %swap3A_271 = vector.shape_cast %broadcast_in_dim3A_3 : vector<16xf32> to vector<1x16xf32>
      tpu.vector_store %arg15[%swap3A_267, %swap3A_268], %swap3A_271 {strides = array<i32>} : memref<40x128xf32, #tpu.memory_space<vmem>>, vector<1x16xf32>,
      %swap3A_272 = arith.index_cast %scan3A_216 : i32 to index
      %swap3A_273 = arith.constant 80 : index
      %swap3A_274 = tpu.vector_load %arg16[%swap3A_272, %swap3A_273] {strides = array<i32>} : memref<40x128xf32, #tpu.memory_space<vmem>>, vector<1x16xf32>,
      %swap3A_275 = vector.shape_cast %swap3A_274 : vector<1x16xf32> to vector<16xf32>
      %swap3A_276 = vector.shape_cast %broadcast_in_dim3A_3 : vector<16xf32> to vector<1x16xf32>
      tpu.vector_store %arg16[%swap3A_272, %swap3A_273], %swap3A_276 {strides = array<i32>} : memref<40x128xf32, #tpu.memory_space<vmem>>, vector<1x16xf32>,
      %swap3A_277 = arith.index_cast %scan3A_216 : i32 to index
      %swap3A_278 = arith.constant 96 : index
      %swap3A_279 = tpu.vector_load %arg15[%swap3A_277, %swap3A_278] {strides = array<i32>} : memref<40x128xf32, #tpu.memory_space<vmem>>, vector<1x16xf32>,
      %swap3A_280 = vector.shape_cast %swap3A_279 : vector<1x16xf32> to vector<16xf32>
      %swap3A_281 = vector.shape_cast %broadcast_in_dim3A_3 : vector<16xf32> to vector<1x16xf32>
      tpu.vector_store %arg15[%swap3A_277, %swap3A_278], %swap3A_281 {strides = array<i32>} : memref<40x128xf32, #tpu.memory_space<vmem>>, vector<1x16xf32>,
      %swap3A_282 = arith.index_cast %scan3A_216 : i32 to index
      %swap3A_283 = arith.constant 96 : index
      %swap3A_284 = tpu.vector_load %arg16[%swap3A_282, %swap3A_283] {strides = array<i32>} : memref<40x128xf32, #tpu.memory_space<vmem>>, vector<1x16xf32>,
      %swap3A_285 = vector.shape_cast %swap3A_284 : vector<1x16xf32> to vector<16xf32>
      %swap3A_286 = vector.shape_cast %broadcast_in_dim3A_3 : vector<16xf32> to vector<1x16xf32>
      tpu.vector_store %arg16[%swap3A_282, %swap3A_283], %swap3A_286 {strides = array<i32>} : memref<40x128xf32, #tpu.memory_space<vmem>>, vector<1x16xf32>,
      %swap3A_287 = arith.index_cast %scan3A_216 : i32 to index
      %swap3A_288 = arith.constant 112 : index
      %swap3A_289 = tpu.vector_load %arg15[%swap3A_287, %swap3A_288] {strides = array<i32>} : memref<40x128xf32, #tpu.memory_space<vmem>>, vector<1x16xf32>,
      %swap3A_290 = vector.shape_cast %swap3A_289 : vector<1x16xf32> to vector<16xf32>
      %swap3A_291 = vector.shape_cast %broadcast_in_dim3A_3 : vector<16xf32> to vector<1x16xf32>
      tpu.vector_store %arg15[%swap3A_287, %swap3A_288], %swap3A_291 {strides = array<i32>} : memref<40x128xf32, #tpu.memory_space<vmem>>, vector<1x16xf32>,
      %swap3A_292 = arith.index_cast %scan3A_216 : i32 to index
      %swap3A_293 = arith.constant 112 : index
      %swap3A_294 = tpu.vector_load %arg16[%swap3A_292, %swap3A_293] {strides = array<i32>} : memref<40x128xf32, #tpu.memory_space<vmem>>, vector<1x16xf32>,
      %swap3A_295 = vector.shape_cast %swap3A_294 : vector<1x16xf32> to vector<16xf32>
      %swap3A_296 = vector.shape_cast %broadcast_in_dim3A_3 : vector<16xf32> to vector<1x16xf32>
      tpu.vector_store %arg16[%swap3A_292, %swap3A_293], %swap3A_296 {strides = array<i32>} : memref<40x128xf32, #tpu.memory_space<vmem>>, vector<1x16xf32>,
      %scan3A_297 = arith.constant 0 : i32
      scf.yield %scan3A_297 : i32
    }
    %scan3A_9 = arith.constant 40 : i32
    %scan3A_10 = arith.constant 0 : i32
    %scan3A_11 = arith.constant 0 : i32
    %scan3A_12 = arith.constant 16 : i32
    %scan3A_13 = arith.addi %scan3A_11, %scan3A_12 : i32
    %scan3A_14 = arith.constant 1 : i32
    %scan3A_15 = scf.for %scan3A_216 = %scan3A_11 to %scan3A_13 step %scan3A_14 iter_args(%scan3A_217 = %scan3A_10) -> (i32)  : i32 {
      %mul3A_218 = arith.constant 640 : i32
      %mul3A_219 = arith.muli %arg1, %mul3A_218 : i32
      %mul3A_220 = arith.constant 40 : i32
      %mul3A_221 = arith.muli %scan3A_216, %mul3A_220 : i32
      %add3A_222 = arith.addi %mul3A_219, %mul3A_221 : i32
      "tpu.region"() ({
        %run_scoped3A = tpu.sem_alloc : memref<!tpu.dma_semaphore, #tpu.memory_space<semaphore_mem>>
        %dma_start3A_224 = arith.constant 0 : i32
        %dma_start3A_225 = tpu.memref_slice %arg17[%add3A_222, %dma_start3A_224] : memref<10240x128xf32, #tpu.memory_space<vmem_shared>> -> memref<40x128xf32, #tpu.memory_space<vmem_shared>>
        %dma_start3A_226 = arith.constant 0 : i32
        %dma_start3A_227 = tpu.memref_slice %arg17[%add3A_222, %dma_start3A_226] : memref<10240x128xf32, #tpu.memory_space<vmem_shared>> -> memref<40x128xf32, #tpu.memory_space<vmem_shared>>
        tpu.enqueue_dma source(%arg15 : memref<40x128xf32, #tpu.memory_space<vmem>>) target(%dma_start3A_227 : memref<40x128xf32, #tpu.memory_space<vmem_shared>>) target_semaphore(%run_scoped3A : memref<!tpu.dma_semaphore, #tpu.memory_space<semaphore_mem>>)
        %dma_wait3A_228 = arith.constant 0 : i32
        %dma_wait3A_229 = tpu.memref_slice %arg17[%add3A_222, %dma_wait3A_228] : memref<10240x128xf32, #tpu.memory_space<vmem_shared>> -> memref<40x128xf32, #tpu.memory_space<vmem_shared>>
        %dma_wait3A_230 = arith.constant 0 : i32
        %dma_wait3A_231 = tpu.memref_slice %arg17[%add3A_222, %dma_wait3A_230] : memref<10240x128xf32, #tpu.memory_space<vmem_shared>> -> memref<40x128xf32, #tpu.memory_space<vmem_shared>>
        tpu.wait_dma2 semaphore(%run_scoped3A : memref<!tpu.dma_semaphore, #tpu.memory_space<semaphore_mem>>) src(%arg15 : memref<40x128xf32, #tpu.memory_space<vmem>>) dst(%dma_wait3A_231 : memref<40x128xf32, #tpu.memory_space<vmem_shared>>)
        tpu.yield
      }) : () -> ()
      %scan3A_223 = arith.constant 0 : i32
      scf.yield %scan3A_223 : i32
    }
    %scan3A_16 = arith.constant 16 : i32
    %barrier3A = arith.constant 0 : index
    tpu.barrier barrier_id(%barrier3A)
    %add3A_17 = arith.constant 0 : i32
    %add3A_18 = arith.addi %mul3A_2, %add3A_17 : i32
    %mul3A_19 = arith.constant 40 : i32
    %mul3A_20 = arith.muli %add3A_18, %mul3A_19 : i32
    %dma_start3A = tpu.memref_slice %arg4[%mul3A_20] : memref<320000xi32, #tpu.memory_space<hbm>> -> memref<40xi32, #tpu.memory_space<hbm>>
    %dma_start3A_21 = tpu.memref_slice %arg4[%mul3A_20] : memref<320000xi32, #tpu.memory_space<hbm>> -> memref<40xi32, #tpu.memory_space<hbm>>
    tpu.enqueue_dma source(%dma_start3A_21 : memref<40xi32, #tpu.memory_space<hbm>>) target(%arg7 : memref<40xi32, #tpu.memory_space<vmem>>) target_semaphore(%arg18 : memref<!tpu.dma_semaphore, #tpu.memory_space<semaphore_mem>>)
    %add3A_22 = arith.constant 0 : i32
    %add3A_23 = arith.addi %mul3A_2, %add3A_22 : i32
    %mul3A_24 = arith.constant 40 : i32
    %mul3A_25 = arith.muli %add3A_23, %mul3A_24 : i32
    %dma_start3A_26 = tpu.memref_slice %arg5[%mul3A_25] : memref<320000xi32, #tpu.memory_space<hbm>> -> memref<40xi32, #tpu.memory_space<hbm>>
    %dma_start3A_27 = tpu.memref_slice %arg5[%mul3A_25] : memref<320000xi32, #tpu.memory_space<hbm>> -> memref<40xi32, #tpu.memory_space<hbm>>
    tpu.enqueue_dma source(%dma_start3A_27 : memref<40xi32, #tpu.memory_space<hbm>>) target(%arg9 : memref<40xi32, #tpu.memory_space<vmem>>) target_semaphore(%arg20 : memref<!tpu.dma_semaphore, #tpu.memory_space<semaphore_mem>>)
    %add3A_28 = arith.constant 1 : i32
    %add3A_29 = arith.addi %mul3A_2, %add3A_28 : i32
    %mul3A_30 = arith.constant 40 : i32
    %mul3A_31 = arith.muli %add3A_29, %mul3A_30 : i32
    %dma_start3A_32 = tpu.memref_slice %arg4[%mul3A_31] : memref<320000xi32, #tpu.memory_space<hbm>> -> memref<40xi32, #tpu.memory_space<hbm>>
    %dma_start3A_33 = tpu.memref_slice %arg4[%mul3A_31] : memref<320000xi32, #tpu.memory_space<hbm>> -> memref<40xi32, #tpu.memory_space<hbm>>
    tpu.enqueue_dma source(%dma_start3A_33 : memref<40xi32, #tpu.memory_space<hbm>>) target(%arg8 : memref<40xi32, #tpu.memory_space<vmem>>) target_semaphore(%arg19 : memref<!tpu.dma_semaphore, #tpu.memory_space<semaphore_mem>>)
    %add3A_34 = arith.constant 1 : i32
    %add3A_35 = arith.addi %mul3A_2, %add3A_34 : i32
    %mul3A_36 = arith.constant 40 : i32
    %mul3A_37 = arith.muli %add3A_35, %mul3A_36 : i32
    %dma_start3A_38 = tpu.memref_slice %arg5[%mul3A_37] : memref<320000xi32, #tpu.memory_space<hbm>> -> memref<40xi32, #tpu.memory_space<hbm>>
    %dma_start3A_39 = tpu.memref_slice %arg5[%mul3A_37] : memref<320000xi32, #tpu.memory_space<hbm>> -> memref<40xi32, #tpu.memory_space<hbm>>
    tpu.enqueue_dma source(%dma_start3A_39 : memref<40xi32, #tpu.memory_space<hbm>>) target(%arg10 : memref<40xi32, #tpu.memory_space<vmem>>) target_semaphore(%arg21 : memref<!tpu.dma_semaphore, #tpu.memory_space<semaphore_mem>>)
    %add3A_40 = arith.constant 0 : i32
    %add3A_41 = arith.addi %mul3A_2, %add3A_40 : i32
    %mul3A_42 = arith.constant 40 : i32
    %mul3A_43 = arith.muli %add3A_41, %mul3A_42 : i32
    %dma_wait3A = tpu.memref_slice %arg4[%mul3A_43] : memref<320000xi32, #tpu.memory_space<hbm>> -> memref<40xi32, #tpu.memory_space<hbm>>
    %dma_wait3A_44 = tpu.memref_slice %arg4[%mul3A_43] : memref<320000xi32, #tpu.memory_space<hbm>> -> memref<40xi32, #tpu.memory_space<hbm>>
    tpu.wait_dma2 semaphore(%arg18 : memref<!tpu.dma_semaphore, #tpu.memory_space<semaphore_mem>>) src(%dma_wait3A_44 : memref<40xi32, #tpu.memory_space<hbm>>) dst(%arg7 : memref<40xi32, #tpu.memory_space<vmem>>)
    %dma_start3A_45 = arith.constant 0 : i32
    %dma_start3A_46 = arith.constant 0 : i32
    %dma_start3A_47 = tpu.memref_slice %arg2[%dma_start3A_45, %dma_start3A_46] : memref<10000x128xf32, #tpu.memory_space<hbm>> -> memref<10000x128xf32, #tpu.memory_space<hbm>>
    tpu.enqueue_indirect_dma source(%dma_start3A_47 : memref<10000x128xf32, #tpu.memory_space<hbm>>) target(%arg11 : memref<40x128xf32, #tpu.memory_space<vmem>>) offsets(%arg7 : memref<40xi32, #tpu.memory_space<vmem>>) semaphore(%arg22 : memref<!tpu.dma_semaphore, #tpu.memory_space<semaphore_mem>>)
    %add3A_48 = arith.constant 0 : i32
    %add3A_49 = arith.addi %mul3A_2, %add3A_48 : i32
    %mul3A_50 = arith.constant 40 : i32
    %mul3A_51 = arith.muli %add3A_49, %mul3A_50 : i32
    %dma_start3A_52 = arith.constant 0 : i32
    %dma_start3A_53 = tpu.memref_slice %arg3[%mul3A_51, %dma_start3A_52] : memref<320000x128xf32, #tpu.memory_space<hbm>> -> memref<40x128xf32, #tpu.memory_space<hbm>>
    %dma_start3A_54 = arith.constant 0 : i32
    %dma_start3A_55 = tpu.memref_slice %arg3[%mul3A_51, %dma_start3A_54] : memref<320000x128xf32, #tpu.memory_space<hbm>> -> memref<40x128xf32, #tpu.memory_space<hbm>>
    tpu.enqueue_dma source(%dma_start3A_55 : memref<40x128xf32, #tpu.memory_space<hbm>>) target(%arg13 : memref<40x128xf32, #tpu.memory_space<vmem>>) target_semaphore(%arg24 : memref<!tpu.dma_semaphore, #tpu.memory_space<semaphore_mem>>)
    %add3A_56 = arith.constant 1 : i32
    %add3A_57 = arith.addi %mul3A_2, %add3A_56 : i32
    %mul3A_58 = arith.constant 40 : i32
    %mul3A_59 = arith.muli %add3A_57, %mul3A_58 : i32
    %dma_wait3A_60 = tpu.memref_slice %arg4[%mul3A_59] : memref<320000xi32, #tpu.memory_space<hbm>> -> memref<40xi32, #tpu.memory_space<hbm>>
    %dma_wait3A_61 = tpu.memref_slice %arg4[%mul3A_59] : memref<320000xi32, #tpu.memory_space<hbm>> -> memref<40xi32, #tpu.memory_space<hbm>>
    tpu.wait_dma2 semaphore(%arg19 : memref<!tpu.dma_semaphore, #tpu.memory_space<semaphore_mem>>) src(%dma_wait3A_61 : memref<40xi32, #tpu.memory_space<hbm>>) dst(%arg8 : memref<40xi32, #tpu.memory_space<vmem>>)
    %dma_start3A_62 = arith.constant 0 : i32
    %dma_start3A_63 = arith.constant 0 : i32
    %dma_start3A_64 = tpu.memref_slice %arg2[%dma_start3A_62, %dma_start3A_63] : memref<10000x128xf32, #tpu.memory_space<hbm>> -> memref<10000x128xf32, #tpu.memory_space<hbm>>
    tpu.enqueue_indirect_dma source(%dma_start3A_64 : memref<10000x128xf32, #tpu.memory_space<hbm>>) target(%arg12 : memref<40x128xf32, #tpu.memory_space<vmem>>) offsets(%arg8 : memref<40xi32, #tpu.memory_space<vmem>>) semaphore(%arg23 : memref<!tpu.dma_semaphore, #tpu.memory_space<semaphore_mem>>)
    %add3A_65 = arith.constant 1 : i32
    %add3A_66 = arith.addi %mul3A_2, %add3A_65 : i32
    %mul3A_67 = arith.constant 40 : i32
    %mul3A_68 = arith.muli %add3A_66, %mul3A_67 : i32
    %dma_start3A_69 = arith.constant 0 : i32
    %dma_start3A_70 = tpu.memref_slice %arg3[%mul3A_68, %dma_start3A_69] : memref<320000x128xf32, #tpu.memory_space<hbm>> -> memref<40x128xf32, #tpu.memory_space<hbm>>
    %dma_start3A_71 = arith.constant 0 : i32
    %dma_start3A_72 = tpu.memref_slice %arg3[%mul3A_68, %dma_start3A_71] : memref<320000x128xf32, #tpu.memory_space<hbm>> -> memref<40x128xf32, #tpu.memory_space<hbm>>
    tpu.enqueue_dma source(%dma_start3A_72 : memref<40x128xf32, #tpu.memory_space<hbm>>) target(%arg14 : memref<40x128xf32, #tpu.memory_space<vmem>>) target_semaphore(%arg25 : memref<!tpu.dma_semaphore, #tpu.memory_space<semaphore_mem>>)
    %dma_wait3A_73 = arith.constant 0 : i32
    %dma_wait3A_74 = arith.constant 0 : i32
    %dma_wait3A_75 = tpu.memref_slice %arg2[%dma_wait3A_73, %dma_wait3A_74] : memref<10000x128xf32, #tpu.memory_space<hbm>> -> memref<10000x128xf32, #tpu.memory_space<hbm>>
    tpu.wait_indirect_dma semaphore(%arg22 : memref<!tpu.dma_semaphore, #tpu.memory_space<semaphore_mem>>) src(%dma_wait3A_75 : memref<10000x128xf32, #tpu.memory_space<hbm>>) dst(%arg11 : memref<40x128xf32, #tpu.memory_space<vmem>>)
    %add3A_76 = arith.constant 0 : i32
    %add3A_77 = arith.addi %mul3A_2, %add3A_76 : i32
    %mul3A_78 = arith.constant 40 : i32
    %mul3A_79 = arith.muli %add3A_77, %mul3A_78 : i32
    %dma_wait3A_80 = arith.constant 0 : i32
    %dma_wait3A_81 = tpu.memref_slice %arg3[%mul3A_79, %dma_wait3A_80] : memref<320000x128xf32, #tpu.memory_space<hbm>> -> memref<40x128xf32, #tpu.memory_space<hbm>>
    %dma_wait3A_82 = arith.constant 0 : i32
    %dma_wait3A_83 = tpu.memref_slice %arg3[%mul3A_79, %dma_wait3A_82] : memref<320000x128xf32, #tpu.memory_space<hbm>> -> memref<40x128xf32, #tpu.memory_space<hbm>>
    tpu.wait_dma2 semaphore(%arg24 : memref<!tpu.dma_semaphore, #tpu.memory_space<semaphore_mem>>) src(%dma_wait3A_83 : memref<40x128xf32, #tpu.memory_space<hbm>>) dst(%arg13 : memref<40x128xf32, #tpu.memory_space<vmem>>)
    %add3A_84 = arith.constant 2 : i32
    %add3A_85 = arith.addi %mul3A_2, %add3A_84 : i32
    %mul3A_86 = arith.constant 40 : i32
    %mul3A_87 = arith.muli %add3A_85, %mul3A_86 : i32
    %dma_start3A_88 = tpu.memref_slice %arg4[%mul3A_87] : memref<320000xi32, #tpu.memory_space<hbm>> -> memref<40xi32, #tpu.memory_space<hbm>>
    %dma_start3A_89 = tpu.memref_slice %arg4[%mul3A_87] : memref<320000xi32, #tpu.memory_space<hbm>> -> memref<40xi32, #tpu.memory_space<hbm>>
    tpu.enqueue_dma source(%dma_start3A_89 : memref<40xi32, #tpu.memory_space<hbm>>) target(%arg7 : memref<40xi32, #tpu.memory_space<vmem>>) target_semaphore(%arg18 : memref<!tpu.dma_semaphore, #tpu.memory_space<semaphore_mem>>)
    %parallel_loop3A = arith.constant 0 : i32
    %parallel_loop3A_90 = arith.constant 40 : i32
    %parallel_loop3A_91 = arith.constant 1 : i32
    scf.for %parallel_loop3A_216 = %parallel_loop3A to %parallel_loop3A_90 step %parallel_loop3A_91  : i32 {
      %parallel_loop3A_217 = arith.index_cast %parallel_loop3A_216 : i32 to index
      %parallel_loop3A_218 = arith.constant 0 : index
      %parallel_loop3A_219 = tpu.vector_load %arg11[%parallel_loop3A_217, %parallel_loop3A_218] {strides = array<i32>} : memref<40x128xf32, #tpu.memory_space<vmem>>, vector<1x16xf32>,
      %parallel_loop3A_220 = vector.shape_cast %parallel_loop3A_219 : vector<1x16xf32> to vector<16xf32>
      %parallel_loop3A_221 = arith.index_cast %parallel_loop3A_216 : i32 to index
      %parallel_loop3A_222 = arith.constant 0 : index
      %parallel_loop3A_223 = tpu.vector_load %arg13[%parallel_loop3A_221, %parallel_loop3A_222] {strides = array<i32>} : memref<40x128xf32, #tpu.memory_space<vmem>>, vector<1x16xf32>,
      %parallel_loop3A_224 = vector.shape_cast %parallel_loop3A_223 : vector<1x16xf32> to vector<16xf32>
      %parallel_loop3A_225 = arith.addf %parallel_loop3A_220, %parallel_loop3A_224 : vector<16xf32>
      %parallel_loop3A_226 = arith.constant 0.000000e+00 : f32
      %parallel_loop3A_227 = vector.broadcast %parallel_loop3A_226 : f32 to vector<16xf32>
      %parallel_loop3A_228 = arith.maximumf %parallel_loop3A_225, %parallel_loop3A_227 : vector<16xf32>
      %parallel_loop3A_229 = arith.index_cast %parallel_loop3A_216 : i32 to index
      %parallel_loop3A_230 = arith.constant 0 : index
      %parallel_loop3A_231 = tpu.vector_load %arg15[%parallel_loop3A_229, %parallel_loop3A_230] {strides = array<i32>} : memref<40x128xf32, #tpu.memory_space<vmem>>, vector<1x16xf32>,
      %parallel_loop3A_232 = vector.shape_cast %parallel_loop3A_231 : vector<1x16xf32> to vector<16xf32>
      %parallel_loop3A_233 = vector.shape_cast %parallel_loop3A_228 : vector<16xf32> to vector<1x16xf32>
      tpu.vector_store %arg15[%parallel_loop3A_229, %parallel_loop3A_230], %parallel_loop3A_233 {strides = array<i32>} : memref<40x128xf32, #tpu.memory_space<vmem>>, vector<1x16xf32>,
      %parallel_loop3A_234 = arith.index_cast %parallel_loop3A_216 : i32 to index
      %parallel_loop3A_235 = arith.constant 16 : index
      %parallel_loop3A_236 = tpu.vector_load %arg11[%parallel_loop3A_234, %parallel_loop3A_235] {strides = array<i32>} : memref<40x128xf32, #tpu.memory_space<vmem>>, vector<1x16xf32>,
      %parallel_loop3A_237 = vector.shape_cast %parallel_loop3A_236 : vector<1x16xf32> to vector<16xf32>
      %parallel_loop3A_238 = arith.index_cast %parallel_loop3A_216 : i32 to index
      %parallel_loop3A_239 = arith.constant 16 : index
      %parallel_loop3A_240 = tpu.vector_load %arg13[%parallel_loop3A_238, %parallel_loop3A_239] {strides = array<i32>} : memref<40x128xf32, #tpu.memory_space<vmem>>, vector<1x16xf32>,
      %parallel_loop3A_241 = vector.shape_cast %parallel_loop3A_240 : vector<1x16xf32> to vector<16xf32>
      %parallel_loop3A_242 = arith.addf %parallel_loop3A_237, %parallel_loop3A_241 : vector<16xf32>
      %parallel_loop3A_243 = arith.constant 0.000000e+00 : f32
      %parallel_loop3A_244 = vector.broadcast %parallel_loop3A_243 : f32 to vector<16xf32>
      %parallel_loop3A_245 = arith.maximumf %parallel_loop3A_242, %parallel_loop3A_244 : vector<16xf32>
      %parallel_loop3A_246 = arith.index_cast %parallel_loop3A_216 : i32 to index
      %parallel_loop3A_247 = arith.constant 16 : index
      %parallel_loop3A_248 = tpu.vector_load %arg15[%parallel_loop3A_246, %parallel_loop3A_247] {strides = array<i32>} : memref<40x128xf32, #tpu.memory_space<vmem>>, vector<1x16xf32>,
      %parallel_loop3A_249 = vector.shape_cast %parallel_loop3A_248 : vector<1x16xf32> to vector<16xf32>
      %parallel_loop3A_250 = vector.shape_cast %parallel_loop3A_245 : vector<16xf32> to vector<1x16xf32>
      tpu.vector_store %arg15[%parallel_loop3A_246, %parallel_loop3A_247], %parallel_loop3A_250 {strides = array<i32>} : memref<40x128xf32, #tpu.memory_space<vmem>>, vector<1x16xf32>,
      %parallel_loop3A_251 = arith.index_cast %parallel_loop3A_216 : i32 to index
      %parallel_loop3A_252 = arith.constant 32 : index
      %parallel_loop3A_253 = tpu.vector_load %arg11[%parallel_loop3A_251, %parallel_loop3A_252] {strides = array<i32>} : memref<40x128xf32, #tpu.memory_space<vmem>>, vector<1x16xf32>,
      %parallel_loop3A_254 = vector.shape_cast %parallel_loop3A_253 : vector<1x16xf32> to vector<16xf32>
      %parallel_loop3A_255 = arith.index_cast %parallel_loop3A_216 : i32 to index
      %parallel_loop3A_256 = arith.constant 32 : index
      %parallel_loop3A_257 = tpu.vector_load %arg13[%parallel_loop3A_255, %parallel_loop3A_256] {strides = array<i32>} : memref<40x128xf32, #tpu.memory_space<vmem>>, vector<1x16xf32>,
      %parallel_loop3A_258 = vector.shape_cast %parallel_loop3A_257 : vector<1x16xf32> to vector<16xf32>
      %parallel_loop3A_259 = arith.addf %parallel_loop3A_254, %parallel_loop3A_258 : vector<16xf32>
      %parallel_loop3A_260 = arith.constant 0.000000e+00 : f32
      %parallel_loop3A_261 = vector.broadcast %parallel_loop3A_260 : f32 to vector<16xf32>
      %parallel_loop3A_262 = arith.maximumf %parallel_loop3A_259, %parallel_loop3A_261 : vector<16xf32>
      %parallel_loop3A_263 = arith.index_cast %parallel_loop3A_216 : i32 to index
      %parallel_loop3A_264 = arith.constant 32 : index
      %parallel_loop3A_265 = tpu.vector_load %arg15[%parallel_loop3A_263, %parallel_loop3A_264] {strides = array<i32>} : memref<40x128xf32, #tpu.memory_space<vmem>>, vector<1x16xf32>,
      %parallel_loop3A_266 = vector.shape_cast %parallel_loop3A_265 : vector<1x16xf32> to vector<16xf32>
      %parallel_loop3A_267 = vector.shape_cast %parallel_loop3A_262 : vector<16xf32> to vector<1x16xf32>
      tpu.vector_store %arg15[%parallel_loop3A_263, %parallel_loop3A_264], %parallel_loop3A_267 {strides = array<i32>} : memref<40x128xf32, #tpu.memory_space<vmem>>, vector<1x16xf32>,
      %parallel_loop3A_268 = arith.index_cast %parallel_loop3A_216 : i32 to index
      %parallel_loop3A_269 = arith.constant 48 : index
      %parallel_loop3A_270 = tpu.vector_load %arg11[%parallel_loop3A_268, %parallel_loop3A_269] {strides = array<i32>} : memref<40x128xf32, #tpu.memory_space<vmem>>, vector<1x16xf32>,
      %parallel_loop3A_271 = vector.shape_cast %parallel_loop3A_270 : vector<1x16xf32> to vector<16xf32>
      %parallel_loop3A_272 = arith.index_cast %parallel_loop3A_216 : i32 to index
      %parallel_loop3A_273 = arith.constant 48 : index
      %parallel_loop3A_274 = tpu.vector_load %arg13[%parallel_loop3A_272, %parallel_loop3A_273] {strides = array<i32>} : memref<40x128xf32, #tpu.memory_space<vmem>>, vector<1x16xf32>,
      %parallel_loop3A_275 = vector.shape_cast %parallel_loop3A_274 : vector<1x16xf32> to vector<16xf32>
      %parallel_loop3A_276 = arith.addf %parallel_loop3A_271, %parallel_loop3A_275 : vector<16xf32>
      %parallel_loop3A_277 = arith.constant 0.000000e+00 : f32
      %parallel_loop3A_278 = vector.broadcast %parallel_loop3A_277 : f32 to vector<16xf32>
      %parallel_loop3A_279 = arith.maximumf %parallel_loop3A_276, %parallel_loop3A_278 : vector<16xf32>
      %parallel_loop3A_280 = arith.index_cast %parallel_loop3A_216 : i32 to index
      %parallel_loop3A_281 = arith.constant 48 : index
      %parallel_loop3A_282 = tpu.vector_load %arg15[%parallel_loop3A_280, %parallel_loop3A_281] {strides = array<i32>} : memref<40x128xf32, #tpu.memory_space<vmem>>, vector<1x16xf32>,
      %parallel_loop3A_283 = vector.shape_cast %parallel_loop3A_282 : vector<1x16xf32> to vector<16xf32>
      %parallel_loop3A_284 = vector.shape_cast %parallel_loop3A_279 : vector<16xf32> to vector<1x16xf32>
      tpu.vector_store %arg15[%parallel_loop3A_280, %parallel_loop3A_281], %parallel_loop3A_284 {strides = array<i32>} : memref<40x128xf32, #tpu.memory_space<vmem>>, vector<1x16xf32>,
      %parallel_loop3A_285 = arith.index_cast %parallel_loop3A_216 : i32 to index
      %parallel_loop3A_286 = arith.constant 64 : index
      %parallel_loop3A_287 = tpu.vector_load %arg11[%parallel_loop3A_285, %parallel_loop3A_286] {strides = array<i32>} : memref<40x128xf32, #tpu.memory_space<vmem>>, vector<1x16xf32>,
      %parallel_loop3A_288 = vector.shape_cast %parallel_loop3A_287 : vector<1x16xf32> to vector<16xf32>
      %parallel_loop3A_289 = arith.index_cast %parallel_loop3A_216 : i32 to index
      %parallel_loop3A_290 = arith.constant 64 : index
      %parallel_loop3A_291 = tpu.vector_load %arg13[%parallel_loop3A_289, %parallel_loop3A_290] {strides = array<i32>} : memref<40x128xf32, #tpu.memory_space<vmem>>, vector<1x16xf32>,
      %parallel_loop3A_292 = vector.shape_cast %parallel_loop3A_291 : vector<1x16xf32> to vector<16xf32>
      %parallel_loop3A_293 = arith.addf %parallel_loop3A_288, %parallel_loop3A_292 : vector<16xf32>
      %parallel_loop3A_294 = arith.constant 0.000000e+00 : f32
      %parallel_loop3A_295 = vector.broadcast %parallel_loop3A_294 : f32 to vector<16xf32>
      %parallel_loop3A_296 = arith.maximumf %parallel_loop3A_293, %parallel_loop3A_295 : vector<16xf32>
      %parallel_loop3A_297 = arith.index_cast %parallel_loop3A_216 : i32 to index
      %parallel_loop3A_298 = arith.constant 64 : index
      %parallel_loop3A_299 = tpu.vector_load %arg15[%parallel_loop3A_297, %parallel_loop3A_298] {strides = array<i32>} : memref<40x128xf32, #tpu.memory_space<vmem>>, vector<1x16xf32>,
      %parallel_loop3A_300 = vector.shape_cast %parallel_loop3A_299 : vector<1x16xf32> to vector<16xf32>
      %parallel_loop3A_301 = vector.shape_cast %parallel_loop3A_296 : vector<16xf32> to vector<1x16xf32>
      tpu.vector_store %arg15[%parallel_loop3A_297, %parallel_loop3A_298], %parallel_loop3A_301 {strides = array<i32>} : memref<40x128xf32, #tpu.memory_space<vmem>>, vector<1x16xf32>,
      %parallel_loop3A_302 = arith.index_cast %parallel_loop3A_216 : i32 to index
      %parallel_loop3A_303 = arith.constant 80 : index
      %parallel_loop3A_304 = tpu.vector_load %arg11[%parallel_loop3A_302, %parallel_loop3A_303] {strides = array<i32>} : memref<40x128xf32, #tpu.memory_space<vmem>>, vector<1x16xf32>,
      %parallel_loop3A_305 = vector.shape_cast %parallel_loop3A_304 : vector<1x16xf32> to vector<16xf32>
      %parallel_loop3A_306 = arith.index_cast %parallel_loop3A_216 : i32 to index
      %parallel_loop3A_307 = arith.constant 80 : index
      %parallel_loop3A_308 = tpu.vector_load %arg13[%parallel_loop3A_306, %parallel_loop3A_307] {strides = array<i32>} : memref<40x128xf32, #tpu.memory_space<vmem>>, vector<1x16xf32>,
      %parallel_loop3A_309 = vector.shape_cast %parallel_loop3A_308 : vector<1x16xf32> to vector<16xf32>
      %parallel_loop3A_310 = arith.addf %parallel_loop3A_305, %parallel_loop3A_309 : vector<16xf32>
      %parallel_loop3A_311 = arith.constant 0.000000e+00 : f32
      %parallel_loop3A_312 = vector.broadcast %parallel_loop3A_311 : f32 to vector<16xf32>
      %parallel_loop3A_313 = arith.maximumf %parallel_loop3A_310, %parallel_loop3A_312 : vector<16xf32>
      %parallel_loop3A_314 = arith.index_cast %parallel_loop3A_216 : i32 to index
      %parallel_loop3A_315 = arith.constant 80 : index
      %parallel_loop3A_316 = tpu.vector_load %arg15[%parallel_loop3A_314, %parallel_loop3A_315] {strides = array<i32>} : memref<40x128xf32, #tpu.memory_space<vmem>>, vector<1x16xf32>,
      %parallel_loop3A_317 = vector.shape_cast %parallel_loop3A_316 : vector<1x16xf32> to vector<16xf32>
      %parallel_loop3A_318 = vector.shape_cast %parallel_loop3A_313 : vector<16xf32> to vector<1x16xf32>
      tpu.vector_store %arg15[%parallel_loop3A_314, %parallel_loop3A_315], %parallel_loop3A_318 {strides = array<i32>} : memref<40x128xf32, #tpu.memory_space<vmem>>, vector<1x16xf32>,
      %parallel_loop3A_319 = arith.index_cast %parallel_loop3A_216 : i32 to index
      %parallel_loop3A_320 = arith.constant 96 : index
      %parallel_loop3A_321 = tpu.vector_load %arg11[%parallel_loop3A_319, %parallel_loop3A_320] {strides = array<i32>} : memref<40x128xf32, #tpu.memory_space<vmem>>, vector<1x16xf32>,
      %parallel_loop3A_322 = vector.shape_cast %parallel_loop3A_321 : vector<1x16xf32> to vector<16xf32>
      %parallel_loop3A_323 = arith.index_cast %parallel_loop3A_216 : i32 to index
      %parallel_loop3A_324 = arith.constant 96 : index
      %parallel_loop3A_325 = tpu.vector_load %arg13[%parallel_loop3A_323, %parallel_loop3A_324] {strides = array<i32>} : memref<40x128xf32, #tpu.memory_space<vmem>>, vector<1x16xf32>,
      %parallel_loop3A_326 = vector.shape_cast %parallel_loop3A_325 : vector<1x16xf32> to vector<16xf32>
      %parallel_loop3A_327 = arith.addf %parallel_loop3A_322, %parallel_loop3A_326 : vector<16xf32>
      %parallel_loop3A_328 = arith.constant 0.000000e+00 : f32
      %parallel_loop3A_329 = vector.broadcast %parallel_loop3A_328 : f32 to vector<16xf32>
      %parallel_loop3A_330 = arith.maximumf %parallel_loop3A_327, %parallel_loop3A_329 : vector<16xf32>
      %parallel_loop3A_331 = arith.index_cast %parallel_loop3A_216 : i32 to index
      %parallel_loop3A_332 = arith.constant 96 : index
      %parallel_loop3A_333 = tpu.vector_load %arg15[%parallel_loop3A_331, %parallel_loop3A_332] {strides = array<i32>} : memref<40x128xf32, #tpu.memory_space<vmem>>, vector<1x16xf32>,
      %parallel_loop3A_334 = vector.shape_cast %parallel_loop3A_333 : vector<1x16xf32> to vector<16xf32>
      %parallel_loop3A_335 = vector.shape_cast %parallel_loop3A_330 : vector<16xf32> to vector<1x16xf32>
      tpu.vector_store %arg15[%parallel_loop3A_331, %parallel_loop3A_332], %parallel_loop3A_335 {strides = array<i32>} : memref<40x128xf32, #tpu.memory_space<vmem>>, vector<1x16xf32>,
      %parallel_loop3A_336 = arith.index_cast %parallel_loop3A_216 : i32 to index
      %parallel_loop3A_337 = arith.constant 112 : index
      %parallel_loop3A_338 = tpu.vector_load %arg11[%parallel_loop3A_336, %parallel_loop3A_337] {strides = array<i32>} : memref<40x128xf32, #tpu.memory_space<vmem>>, vector<1x16xf32>,
      %parallel_loop3A_339 = vector.shape_cast %parallel_loop3A_338 : vector<1x16xf32> to vector<16xf32>
      %parallel_loop3A_340 = arith.index_cast %parallel_loop3A_216 : i32 to index
      %parallel_loop3A_341 = arith.constant 112 : index
      %parallel_loop3A_342 = tpu.vector_load %arg13[%parallel_loop3A_340, %parallel_loop3A_341] {strides = array<i32>} : memref<40x128xf32, #tpu.memory_space<vmem>>, vector<1x16xf32>,
      %parallel_loop3A_343 = vector.shape_cast %parallel_loop3A_342 : vector<1x16xf32> to vector<16xf32>
      %parallel_loop3A_344 = arith.addf %parallel_loop3A_339, %parallel_loop3A_343 : vector<16xf32>
      %parallel_loop3A_345 = arith.constant 0.000000e+00 : f32
      %parallel_loop3A_346 = vector.broadcast %parallel_loop3A_345 : f32 to vector<16xf32>
      %parallel_loop3A_347 = arith.maximumf %parallel_loop3A_344, %parallel_loop3A_346 : vector<16xf32>
      %parallel_loop3A_348 = arith.index_cast %parallel_loop3A_216 : i32 to index
      %parallel_loop3A_349 = arith.constant 112 : index
      %parallel_loop3A_350 = tpu.vector_load %arg15[%parallel_loop3A_348, %parallel_loop3A_349] {strides = array<i32>} : memref<40x128xf32, #tpu.memory_space<vmem>>, vector<1x16xf32>,
      %parallel_loop3A_351 = vector.shape_cast %parallel_loop3A_350 : vector<1x16xf32> to vector<16xf32>
      %parallel_loop3A_352 = vector.shape_cast %parallel_loop3A_347 : vector<16xf32> to vector<1x16xf32>
      tpu.vector_store %arg15[%parallel_loop3A_348, %parallel_loop3A_349], %parallel_loop3A_352 {strides = array<i32>} : memref<40x128xf32, #tpu.memory_space<vmem>>, vector<1x16xf32>,
    } {sc.loop_unroll_factor = 2 : i64, sc.parallel_access}
    %add3A_92 = arith.constant 0 : i32
    %add3A_93 = arith.addi %mul3A_2, %add3A_92 : i32
    %mul3A_94 = arith.constant 40 : i32
    %mul3A_95 = arith.muli %add3A_93, %mul3A_94 : i32
    %dma_wait3A_96 = tpu.memref_slice %arg5[%mul3A_95] : memref<320000xi32, #tpu.memory_space<hbm>> -> memref<40xi32, #tpu.memory_space<hbm>>
    %dma_wait3A_97 = tpu.memref_slice %arg5[%mul3A_95] : memref<320000xi32, #tpu.memory_space<hbm>> -> memref<40xi32, #tpu.memory_space<hbm>>
    tpu.wait_dma2 semaphore(%arg20 : memref<!tpu.dma_semaphore, #tpu.memory_space<semaphore_mem>>) src(%dma_wait3A_97 : memref<40xi32, #tpu.memory_space<hbm>>) dst(%arg9 : memref<40xi32, #tpu.memory_space<vmem>>)
    %dma_start3A_98 = arith.constant 0 : i32
    %dma_start3A_99 = arith.constant 0 : i32
    %dma_start3A_100 = tpu.memref_slice %arg17[%dma_start3A_98, %dma_start3A_99] : memref<10240x128xf32, #tpu.memory_space<vmem_shared>> -> memref<10240x128xf32, #tpu.memory_space<vmem_shared>>
    tpu.enqueue_indirect_dma source(%arg15 : memref<40x128xf32, #tpu.memory_space<vmem>>) target(%dma_start3A_100 : memref<10240x128xf32, #tpu.memory_space<vmem_shared>>) offsets(%arg9 : memref<40xi32, #tpu.memory_space<vmem>>) semaphore(%arg26 : memref<!tpu.dma_semaphore, #tpu.memory_space<semaphore_mem>>) {add = true}
    %add3A_101 = arith.constant 2 : i32
    %add3A_102 = arith.addi %mul3A_2, %add3A_101 : i32
    %mul3A_103 = arith.constant 40 : i32
    %mul3A_104 = arith.muli %add3A_102, %mul3A_103 : i32
    %dma_wait3A_105 = tpu.memref_slice %arg4[%mul3A_104] : memref<320000xi32, #tpu.memory_space<hbm>> -> memref<40xi32, #tpu.memory_space<hbm>>
    %dma_wait3A_106 = tpu.memref_slice %arg4[%mul3A_104] : memref<320000xi32, #tpu.memory_space<hbm>> -> memref<40xi32, #tpu.memory_space<hbm>>
    tpu.wait_dma2 semaphore(%arg18 : memref<!tpu.dma_semaphore, #tpu.memory_space<semaphore_mem>>) src(%dma_wait3A_106 : memref<40xi32, #tpu.memory_space<hbm>>) dst(%arg7 : memref<40xi32, #tpu.memory_space<vmem>>)
    %dma_start3A_107 = arith.constant 0 : i32
    %dma_start3A_108 = arith.constant 0 : i32
    %dma_start3A_109 = tpu.memref_slice %arg2[%dma_start3A_107, %dma_start3A_108] : memref<10000x128xf32, #tpu.memory_space<hbm>> -> memref<10000x128xf32, #tpu.memory_space<hbm>>
    tpu.enqueue_indirect_dma source(%dma_start3A_109 : memref<10000x128xf32, #tpu.memory_space<hbm>>) target(%arg11 : memref<40x128xf32, #tpu.memory_space<vmem>>) offsets(%arg7 : memref<40xi32, #tpu.memory_space<vmem>>) semaphore(%arg22 : memref<!tpu.dma_semaphore, #tpu.memory_space<semaphore_mem>>)
    %add3A_110 = arith.constant 2 : i32
    %add3A_111 = arith.addi %mul3A_2, %add3A_110 : i32
    %mul3A_112 = arith.constant 40 : i32
    %mul3A_113 = arith.muli %add3A_111, %mul3A_112 : i32
    %dma_start3A_114 = arith.constant 0 : i32
    %dma_start3A_115 = tpu.memref_slice %arg3[%mul3A_113, %dma_start3A_114] : memref<320000x128xf32, #tpu.memory_space<hbm>> -> memref<40x128xf32, #tpu.memory_space<hbm>>
    %dma_start3A_116 = arith.constant 0 : i32
    %dma_start3A_117 = tpu.memref_slice %arg3[%mul3A_113, %dma_start3A_116] : memref<320000x128xf32, #tpu.memory_space<hbm>> -> memref<40x128xf32, #tpu.memory_space<hbm>>
    tpu.enqueue_dma source(%dma_start3A_117 : memref<40x128xf32, #tpu.memory_space<hbm>>) target(%arg13 : memref<40x128xf32, #tpu.memory_space<vmem>>) target_semaphore(%arg24 : memref<!tpu.dma_semaphore, #tpu.memory_space<semaphore_mem>>)
    %dma_wait3A_118 = arith.constant 0 : i32
    %dma_wait3A_119 = arith.constant 0 : i32
    %dma_wait3A_120 = tpu.memref_slice %arg2[%dma_wait3A_118, %dma_wait3A_119] : memref<10000x128xf32, #tpu.memory_space<hbm>> -> memref<10000x128xf32, #tpu.memory_space<hbm>>
    tpu.wait_indirect_dma semaphore(%arg23 : memref<!tpu.dma_semaphore, #tpu.memory_space<semaphore_mem>>) src(%dma_wait3A_120 : memref<10000x128xf32, #tpu.memory_space<hbm>>) dst(%arg12 : memref<40x128xf32, #tpu.memory_space<vmem>>)
    %add3A_121 = arith.constant 1 : i32
    %add3A_122 = arith.addi %mul3A_2, %add3A_121 : i32
    %mul3A_123 = arith.constant 40 : i32
    %mul3A_124 = arith.muli %add3A_122, %mul3A_123 : i32
    %dma_wait3A_125 = arith.constant 0 : i32
    %dma_wait3A_126 = tpu.memref_slice %arg3[%mul3A_124, %dma_wait3A_125] : memref<320000x128xf32, #tpu.memory_space<hbm>> -> memref<40x128xf32, #tpu.memory_space<hbm>>
    %dma_wait3A_127 = arith.constant 0 : i32
    %dma_wait3A_128 = tpu.memref_slice %arg3[%mul3A_124, %dma_wait3A_127] : memref<320000x128xf32, #tpu.memory_space<hbm>> -> memref<40x128xf32, #tpu.memory_space<hbm>>
    tpu.wait_dma2 semaphore(%arg25 : memref<!tpu.dma_semaphore, #tpu.memory_space<semaphore_mem>>) src(%dma_wait3A_128 : memref<40x128xf32, #tpu.memory_space<hbm>>) dst(%arg14 : memref<40x128xf32, #tpu.memory_space<vmem>>)
    %add3A_129 = arith.constant 3 : i32
    %add3A_130 = arith.addi %mul3A_2, %add3A_129 : i32
    %mul3A_131 = arith.constant 40 : i32
    %mul3A_132 = arith.muli %add3A_130, %mul3A_131 : i32
    %dma_start3A_133 = tpu.memref_slice %arg4[%mul3A_132] : memref<320000xi32, #tpu.memory_space<hbm>> -> memref<40xi32, #tpu.memory_space<hbm>>
    %dma_start3A_134 = tpu.memref_slice %arg4[%mul3A_132] : memref<320000xi32, #tpu.memory_space<hbm>> -> memref<40xi32, #tpu.memory_space<hbm>>
    tpu.enqueue_dma source(%dma_start3A_134 : memref<40xi32, #tpu.memory_space<hbm>>) target(%arg8 : memref<40xi32, #tpu.memory_space<vmem>>) target_semaphore(%arg19 : memref<!tpu.dma_semaphore, #tpu.memory_space<semaphore_mem>>)
    %dma_wait3A_135 = arith.constant 0 : i32
    %dma_wait3A_136 = arith.constant 0 : i32
    %dma_wait3A_137 = tpu.memref_slice %arg17[%dma_wait3A_135, %dma_wait3A_136] : memref<10240x128xf32, #tpu.memory_space<vmem_shared>> -> memref<10240x128xf32, #tpu.memory_space<vmem_shared>>
    tpu.wait_indirect_dma semaphore(%arg26 : memref<!tpu.dma_semaphore, #tpu.memory_space<semaphore_mem>>) src(%arg15 : memref<40x128xf32, #tpu.memory_space<vmem>>) dst(%dma_wait3A_137 : memref<10240x128xf32, #tpu.memory_space<vmem_shared>>)
    %add3A_138 = arith.constant 2 : i32
    %add3A_139 = arith.addi %mul3A_2, %add3A_138 : i32
    %mul3A_140 = arith.constant 40 : i32
    %mul3A_141 = arith.muli %add3A_139, %mul3A_140 : i32
    %dma_start3A_142 = tpu.memref_slice %arg5[%mul3A_141] : memref<320000xi32, #tpu.memory_space<hbm>> -> memref<40xi32, #tpu.memory_space<hbm>>
    %dma_start3A_143 = tpu.memref_slice %arg5[%mul3A_141] : memref<320000xi32, #tpu.memory_space<hbm>> -> memref<40xi32, #tpu.memory_space<hbm>>
    tpu.enqueue_dma source(%dma_start3A_143 : memref<40xi32, #tpu.memory_space<hbm>>) target(%arg9 : memref<40xi32, #tpu.memory_space<vmem>>) target_semaphore(%arg20 : memref<!tpu.dma_semaphore, #tpu.memory_space<semaphore_mem>>)
    %parallel_loop3A_144 = arith.constant 0 : i32
    %parallel_loop3A_145 = arith.constant 40 : i32
    %parallel_loop3A_146 = arith.constant 1 : i32
    scf.for %parallel_loop3A_216 = %parallel_loop3A_144 to %parallel_loop3A_145 step %parallel_loop3A_146  : i32 {
      %parallel_loop3A_217 = arith.index_cast %parallel_loop3A_216 : i32 to index
      %parallel_loop3A_218 = arith.constant 0 : index
      %parallel_loop3A_219 = tpu.vector_load %arg12[%parallel_loop3A_217, %parallel_loop3A_218] {strides = array<i32>} : memref<40x128xf32, #tpu.memory_space<vmem>>, vector<1x16xf32>,
      %parallel_loop3A_220 = vector.shape_cast %parallel_loop3A_219 : vector<1x16xf32> to vector<16xf32>
      %parallel_loop3A_221 = arith.index_cast %parallel_loop3A_216 : i32 to index
      %parallel_loop3A_222 = arith.constant 0 : index
      %parallel_loop3A_223 = tpu.vector_load %arg14[%parallel_loop3A_221, %parallel_loop3A_222] {strides = array<i32>} : memref<40x128xf32, #tpu.memory_space<vmem>>, vector<1x16xf32>,
      %parallel_loop3A_224 = vector.shape_cast %parallel_loop3A_223 : vector<1x16xf32> to vector<16xf32>
      %parallel_loop3A_225 = arith.addf %parallel_loop3A_220, %parallel_loop3A_224 : vector<16xf32>
      %parallel_loop3A_226 = arith.constant 0.000000e+00 : f32
      %parallel_loop3A_227 = vector.broadcast %parallel_loop3A_226 : f32 to vector<16xf32>
      %parallel_loop3A_228 = arith.maximumf %parallel_loop3A_225, %parallel_loop3A_227 : vector<16xf32>
      %parallel_loop3A_229 = arith.index_cast %parallel_loop3A_216 : i32 to index
      %parallel_loop3A_230 = arith.constant 0 : index
      %parallel_loop3A_231 = tpu.vector_load %arg16[%parallel_loop3A_229, %parallel_loop3A_230] {strides = array<i32>} : memref<40x128xf32, #tpu.memory_space<vmem>>, vector<1x16xf32>,
      %parallel_loop3A_232 = vector.shape_cast %parallel_loop3A_231 : vector<1x16xf32> to vector<16xf32>
      %parallel_loop3A_233 = vector.shape_cast %parallel_loop3A_228 : vector<16xf32> to vector<1x16xf32>
      tpu.vector_store %arg16[%parallel_loop3A_229, %parallel_loop3A_230], %parallel_loop3A_233 {strides = array<i32>} : memref<40x128xf32, #tpu.memory_space<vmem>>, vector<1x16xf32>,
      %parallel_loop3A_234 = arith.index_cast %parallel_loop3A_216 : i32 to index
      %parallel_loop3A_235 = arith.constant 16 : index
      %parallel_loop3A_236 = tpu.vector_load %arg12[%parallel_loop3A_234, %parallel_loop3A_235] {strides = array<i32>} : memref<40x128xf32, #tpu.memory_space<vmem>>, vector<1x16xf32>,
      %parallel_loop3A_237 = vector.shape_cast %parallel_loop3A_236 : vector<1x16xf32> to vector<16xf32>
      %parallel_loop3A_238 = arith.index_cast %parallel_loop3A_216 : i32 to index
      %parallel_loop3A_239 = arith.constant 16 : index
      %parallel_loop3A_240 = tpu.vector_load %arg14[%parallel_loop3A_238, %parallel_loop3A_239] {strides = array<i32>} : memref<40x128xf32, #tpu.memory_space<vmem>>, vector<1x16xf32>,
      %parallel_loop3A_241 = vector.shape_cast %parallel_loop3A_240 : vector<1x16xf32> to vector<16xf32>
      %parallel_loop3A_242 = arith.addf %parallel_loop3A_237, %parallel_loop3A_241 : vector<16xf32>
      %parallel_loop3A_243 = arith.constant 0.000000e+00 : f32
      %parallel_loop3A_244 = vector.broadcast %parallel_loop3A_243 : f32 to vector<16xf32>
      %parallel_loop3A_245 = arith.maximumf %parallel_loop3A_242, %parallel_loop3A_244 : vector<16xf32>
      %parallel_loop3A_246 = arith.index_cast %parallel_loop3A_216 : i32 to index
      %parallel_loop3A_247 = arith.constant 16 : index
      %parallel_loop3A_248 = tpu.vector_load %arg16[%parallel_loop3A_246, %parallel_loop3A_247] {strides = array<i32>} : memref<40x128xf32, #tpu.memory_space<vmem>>, vector<1x16xf32>,
      %parallel_loop3A_249 = vector.shape_cast %parallel_loop3A_248 : vector<1x16xf32> to vector<16xf32>
      %parallel_loop3A_250 = vector.shape_cast %parallel_loop3A_245 : vector<16xf32> to vector<1x16xf32>
      tpu.vector_store %arg16[%parallel_loop3A_246, %parallel_loop3A_247], %parallel_loop3A_250 {strides = array<i32>} : memref<40x128xf32, #tpu.memory_space<vmem>>, vector<1x16xf32>,
      %parallel_loop3A_251 = arith.index_cast %parallel_loop3A_216 : i32 to index
      %parallel_loop3A_252 = arith.constant 32 : index
      %parallel_loop3A_253 = tpu.vector_load %arg12[%parallel_loop3A_251, %parallel_loop3A_252] {strides = array<i32>} : memref<40x128xf32, #tpu.memory_space<vmem>>, vector<1x16xf32>,
      %parallel_loop3A_254 = vector.shape_cast %parallel_loop3A_253 : vector<1x16xf32> to vector<16xf32>
      %parallel_loop3A_255 = arith.index_cast %parallel_loop3A_216 : i32 to index
      %parallel_loop3A_256 = arith.constant 32 : index
      %parallel_loop3A_257 = tpu.vector_load %arg14[%parallel_loop3A_255, %parallel_loop3A_256] {strides = array<i32>} : memref<40x128xf32, #tpu.memory_space<vmem>>, vector<1x16xf32>,
      %parallel_loop3A_258 = vector.shape_cast %parallel_loop3A_257 : vector<1x16xf32> to vector<16xf32>
      %parallel_loop3A_259 = arith.addf %parallel_loop3A_254, %parallel_loop3A_258 : vector<16xf32>
      %parallel_loop3A_260 = arith.constant 0.000000e+00 : f32
      %parallel_loop3A_261 = vector.broadcast %parallel_loop3A_260 : f32 to vector<16xf32>
      %parallel_loop3A_262 = arith.maximumf %parallel_loop3A_259, %parallel_loop3A_261 : vector<16xf32>
      %parallel_loop3A_263 = arith.index_cast %parallel_loop3A_216 : i32 to index
      %parallel_loop3A_264 = arith.constant 32 : index
      %parallel_loop3A_265 = tpu.vector_load %arg16[%parallel_loop3A_263, %parallel_loop3A_264] {strides = array<i32>} : memref<40x128xf32, #tpu.memory_space<vmem>>, vector<1x16xf32>,
      %parallel_loop3A_266 = vector.shape_cast %parallel_loop3A_265 : vector<1x16xf32> to vector<16xf32>
      %parallel_loop3A_267 = vector.shape_cast %parallel_loop3A_262 : vector<16xf32> to vector<1x16xf32>
      tpu.vector_store %arg16[%parallel_loop3A_263, %parallel_loop3A_264], %parallel_loop3A_267 {strides = array<i32>} : memref<40x128xf32, #tpu.memory_space<vmem>>, vector<1x16xf32>,
      %parallel_loop3A_268 = arith.index_cast %parallel_loop3A_216 : i32 to index
      %parallel_loop3A_269 = arith.constant 48 : index
      %parallel_loop3A_270 = tpu.vector_load %arg12[%parallel_loop3A_268, %parallel_loop3A_269] {strides = array<i32>} : memref<40x128xf32, #tpu.memory_space<vmem>>, vector<1x16xf32>,
      %parallel_loop3A_271 = vector.shape_cast %parallel_loop3A_270 : vector<1x16xf32> to vector<16xf32>
      %parallel_loop3A_272 = arith.index_cast %parallel_loop3A_216 : i32 to index
      %parallel_loop3A_273 = arith.constant 48 : index
      %parallel_loop3A_274 = tpu.vector_load %arg14[%parallel_loop3A_272, %parallel_loop3A_273] {strides = array<i32>} : memref<40x128xf32, #tpu.memory_space<vmem>>, vector<1x16xf32>,
      %parallel_loop3A_275 = vector.shape_cast %parallel_loop3A_274 : vector<1x16xf32> to vector<16xf32>
      %parallel_loop3A_276 = arith.addf %parallel_loop3A_271, %parallel_loop3A_275 : vector<16xf32>
      %parallel_loop3A_277 = arith.constant 0.000000e+00 : f32
      %parallel_loop3A_278 = vector.broadcast %parallel_loop3A_277 : f32 to vector<16xf32>
      %parallel_loop3A_279 = arith.maximumf %parallel_loop3A_276, %parallel_loop3A_278 : vector<16xf32>
      %parallel_loop3A_280 = arith.index_cast %parallel_loop3A_216 : i32 to index
      %parallel_loop3A_281 = arith.constant 48 : index
      %parallel_loop3A_282 = tpu.vector_load %arg16[%parallel_loop3A_280, %parallel_loop3A_281] {strides = array<i32>} : memref<40x128xf32, #tpu.memory_space<vmem>>, vector<1x16xf32>,
      %parallel_loop3A_283 = vector.shape_cast %parallel_loop3A_282 : vector<1x16xf32> to vector<16xf32>
      %parallel_loop3A_284 = vector.shape_cast %parallel_loop3A_279 : vector<16xf32> to vector<1x16xf32>
      tpu.vector_store %arg16[%parallel_loop3A_280, %parallel_loop3A_281], %parallel_loop3A_284 {strides = array<i32>} : memref<40x128xf32, #tpu.memory_space<vmem>>, vector<1x16xf32>,
      %parallel_loop3A_285 = arith.index_cast %parallel_loop3A_216 : i32 to index
      %parallel_loop3A_286 = arith.constant 64 : index
      %parallel_loop3A_287 = tpu.vector_load %arg12[%parallel_loop3A_285, %parallel_loop3A_286] {strides = array<i32>} : memref<40x128xf32, #tpu.memory_space<vmem>>, vector<1x16xf32>,
      %parallel_loop3A_288 = vector.shape_cast %parallel_loop3A_287 : vector<1x16xf32> to vector<16xf32>
      %parallel_loop3A_289 = arith.index_cast %parallel_loop3A_216 : i32 to index
      %parallel_loop3A_290 = arith.constant 64 : index
      %parallel_loop3A_291 = tpu.vector_load %arg14[%parallel_loop3A_289, %parallel_loop3A_290] {strides = array<i32>} : memref<40x128xf32, #tpu.memory_space<vmem>>, vector<1x16xf32>,
      %parallel_loop3A_292 = vector.shape_cast %parallel_loop3A_291 : vector<1x16xf32> to vector<16xf32>
      %parallel_loop3A_293 = arith.addf %parallel_loop3A_288, %parallel_loop3A_292 : vector<16xf32>
      %parallel_loop3A_294 = arith.constant 0.000000e+00 : f32
      %parallel_loop3A_295 = vector.broadcast %parallel_loop3A_294 : f32 to vector<16xf32>
      %parallel_loop3A_296 = arith.maximumf %parallel_loop3A_293, %parallel_loop3A_295 : vector<16xf32>
      %parallel_loop3A_297 = arith.index_cast %parallel_loop3A_216 : i32 to index
      %parallel_loop3A_298 = arith.constant 64 : index
      %parallel_loop3A_299 = tpu.vector_load %arg16[%parallel_loop3A_297, %parallel_loop3A_298] {strides = array<i32>} : memref<40x128xf32, #tpu.memory_space<vmem>>, vector<1x16xf32>,
      %parallel_loop3A_300 = vector.shape_cast %parallel_loop3A_299 : vector<1x16xf32> to vector<16xf32>
      %parallel_loop3A_301 = vector.shape_cast %parallel_loop3A_296 : vector<16xf32> to vector<1x16xf32>
      tpu.vector_store %arg16[%parallel_loop3A_297, %parallel_loop3A_298], %parallel_loop3A_301 {strides = array<i32>} : memref<40x128xf32, #tpu.memory_space<vmem>>, vector<1x16xf32>,
      %parallel_loop3A_302 = arith.index_cast %parallel_loop3A_216 : i32 to index
      %parallel_loop3A_303 = arith.constant 80 : index
      %parallel_loop3A_304 = tpu.vector_load %arg12[%parallel_loop3A_302, %parallel_loop3A_303] {strides = array<i32>} : memref<40x128xf32, #tpu.memory_space<vmem>>, vector<1x16xf32>,
      %parallel_loop3A_305 = vector.shape_cast %parallel_loop3A_304 : vector<1x16xf32> to vector<16xf32>
      %parallel_loop3A_306 = arith.index_cast %parallel_loop3A_216 : i32 to index
      %parallel_loop3A_307 = arith.constant 80 : index
      %parallel_loop3A_308 = tpu.vector_load %arg14[%parallel_loop3A_306, %parallel_loop3A_307] {strides = array<i32>} : memref<40x128xf32, #tpu.memory_space<vmem>>, vector<1x16xf32>,
      %parallel_loop3A_309 = vector.shape_cast %parallel_loop3A_308 : vector<1x16xf32> to vector<16xf32>
      %parallel_loop3A_310 = arith.addf %parallel_loop3A_305, %parallel_loop3A_309 : vector<16xf32>
      %parallel_loop3A_311 = arith.constant 0.000000e+00 : f32
      %parallel_loop3A_312 = vector.broadcast %parallel_loop3A_311 : f32 to vector<16xf32>
      %parallel_loop3A_313 = arith.maximumf %parallel_loop3A_310, %parallel_loop3A_312 : vector<16xf32>
      %parallel_loop3A_314 = arith.index_cast %parallel_loop3A_216 : i32 to index
      %parallel_loop3A_315 = arith.constant 80 : index
      %parallel_loop3A_316 = tpu.vector_load %arg16[%parallel_loop3A_314, %parallel_loop3A_315] {strides = array<i32>} : memref<40x128xf32, #tpu.memory_space<vmem>>, vector<1x16xf32>,
      %parallel_loop3A_317 = vector.shape_cast %parallel_loop3A_316 : vector<1x16xf32> to vector<16xf32>
      %parallel_loop3A_318 = vector.shape_cast %parallel_loop3A_313 : vector<16xf32> to vector<1x16xf32>
      tpu.vector_store %arg16[%parallel_loop3A_314, %parallel_loop3A_315], %parallel_loop3A_318 {strides = array<i32>} : memref<40x128xf32, #tpu.memory_space<vmem>>, vector<1x16xf32>,
      %parallel_loop3A_319 = arith.index_cast %parallel_loop3A_216 : i32 to index
      %parallel_loop3A_320 = arith.constant 96 : index
      %parallel_loop3A_321 = tpu.vector_load %arg12[%parallel_loop3A_319, %parallel_loop3A_320] {strides = array<i32>} : memref<40x128xf32, #tpu.memory_space<vmem>>, vector<1x16xf32>,
      %parallel_loop3A_322 = vector.shape_cast %parallel_loop3A_321 : vector<1x16xf32> to vector<16xf32>
      %parallel_loop3A_323 = arith.index_cast %parallel_loop3A_216 : i32 to index
      %parallel_loop3A_324 = arith.constant 96 : index
      %parallel_loop3A_325 = tpu.vector_load %arg14[%parallel_loop3A_323, %parallel_loop3A_324] {strides = array<i32>} : memref<40x128xf32, #tpu.memory_space<vmem>>, vector<1x16xf32>,
      %parallel_loop3A_326 = vector.shape_cast %parallel_loop3A_325 : vector<1x16xf32> to vector<16xf32>
      %parallel_loop3A_327 = arith.addf %parallel_loop3A_322, %parallel_loop3A_326 : vector<16xf32>
      %parallel_loop3A_328 = arith.constant 0.000000e+00 : f32
      %parallel_loop3A_329 = vector.broadcast %parallel_loop3A_328 : f32 to vector<16xf32>
      %parallel_loop3A_330 = arith.maximumf %parallel_loop3A_327, %parallel_loop3A_329 : vector<16xf32>
      %parallel_loop3A_331 = arith.index_cast %parallel_loop3A_216 : i32 to index
      %parallel_loop3A_332 = arith.constant 96 : index
      %parallel_loop3A_333 = tpu.vector_load %arg16[%parallel_loop3A_331, %parallel_loop3A_332] {strides = array<i32>} : memref<40x128xf32, #tpu.memory_space<vmem>>, vector<1x16xf32>,
      %parallel_loop3A_334 = vector.shape_cast %parallel_loop3A_333 : vector<1x16xf32> to vector<16xf32>
      %parallel_loop3A_335 = vector.shape_cast %parallel_loop3A_330 : vector<16xf32> to vector<1x16xf32>
      tpu.vector_store %arg16[%parallel_loop3A_331, %parallel_loop3A_332], %parallel_loop3A_335 {strides = array<i32>} : memref<40x128xf32, #tpu.memory_space<vmem>>, vector<1x16xf32>,
      %parallel_loop3A_336 = arith.index_cast %parallel_loop3A_216 : i32 to index
      %parallel_loop3A_337 = arith.constant 112 : index
      %parallel_loop3A_338 = tpu.vector_load %arg12[%parallel_loop3A_336, %parallel_loop3A_337] {strides = array<i32>} : memref<40x128xf32, #tpu.memory_space<vmem>>, vector<1x16xf32>,
      %parallel_loop3A_339 = vector.shape_cast %parallel_loop3A_338 : vector<1x16xf32> to vector<16xf32>
      %parallel_loop3A_340 = arith.index_cast %parallel_loop3A_216 : i32 to index
      %parallel_loop3A_341 = arith.constant 112 : index
      %parallel_loop3A_342 = tpu.vector_load %arg14[%parallel_loop3A_340, %parallel_loop3A_341] {strides = array<i32>} : memref<40x128xf32, #tpu.memory_space<vmem>>, vector<1x16xf32>,
      %parallel_loop3A_343 = vector.shape_cast %parallel_loop3A_342 : vector<1x16xf32> to vector<16xf32>
      %parallel_loop3A_344 = arith.addf %parallel_loop3A_339, %parallel_loop3A_343 : vector<16xf32>
      %parallel_loop3A_345 = arith.constant 0.000000e+00 : f32
      %parallel_loop3A_346 = vector.broadcast %parallel_loop3A_345 : f32 to vector<16xf32>
      %parallel_loop3A_347 = arith.maximumf %parallel_loop3A_344, %parallel_loop3A_346 : vector<16xf32>
      %parallel_loop3A_348 = arith.index_cast %parallel_loop3A_216 : i32 to index
      %parallel_loop3A_349 = arith.constant 112 : index
      %parallel_loop3A_350 = tpu.vector_load %arg16[%parallel_loop3A_348, %parallel_loop3A_349] {strides = array<i32>} : memref<40x128xf32, #tpu.memory_space<vmem>>, vector<1x16xf32>,
      %parallel_loop3A_351 = vector.shape_cast %parallel_loop3A_350 : vector<1x16xf32> to vector<16xf32>
      %parallel_loop3A_352 = vector.shape_cast %parallel_loop3A_347 : vector<16xf32> to vector<1x16xf32>
      tpu.vector_store %arg16[%parallel_loop3A_348, %parallel_loop3A_349], %parallel_loop3A_352 {strides = array<i32>} : memref<40x128xf32, #tpu.memory_space<vmem>>, vector<1x16xf32>,
    } {sc.loop_unroll_factor = 2 : i64, sc.parallel_access}
    %add3A_147 = arith.constant 1 : i32
    %add3A_148 = arith.addi %mul3A_2, %add3A_147 : i32
    %mul3A_149 = arith.constant 40 : i32
    %mul3A_150 = arith.muli %add3A_148, %mul3A_149 : i32
    %dma_wait3A_151 = tpu.memref_slice %arg5[%mul3A_150] : memref<320000xi32, #tpu.memory_space<hbm>> -> memref<40xi32, #tpu.memory_space<hbm>>
    %dma_wait3A_152 = tpu.memref_slice %arg5[%mul3A_150] : memref<320000xi32, #tpu.memory_space<hbm>> -> memref<40xi32, #tpu.memory_space<hbm>>
    tpu.wait_dma2 semaphore(%arg21 : memref<!tpu.dma_semaphore, #tpu.memory_space<semaphore_mem>>) src(%dma_wait3A_152 : memref<40xi32, #tpu.memory_space<hbm>>) dst(%arg10 : memref<40xi32, #tpu.memory_space<vmem>>)
    %dma_start3A_153 = arith.constant 0 : i32
    %dma_start3A_154 = arith.constant 0 : i32
    %dma_start3A_155 = tpu.memref_slice %arg17[%dma_start3A_153, %dma_start3A_154] : memref<10240x128xf32, #tpu.memory_space<vmem_shared>> -> memref<10240x128xf32, #tpu.memory_space<vmem_shared>>
    tpu.enqueue_indirect_dma source(%arg16 : memref<40x128xf32, #tpu.memory_space<vmem>>) target(%dma_start3A_155 : memref<10240x128xf32, #tpu.memory_space<vmem_shared>>) offsets(%arg10 : memref<40xi32, #tpu.memory_space<vmem>>) semaphore(%arg27 : memref<!tpu.dma_semaphore, #tpu.memory_space<semaphore_mem>>) {add = true}
    %add3A_156 = arith.constant 3 : i32
    %add3A_157 = arith.addi %mul3A_2, %add3A_156 : i32
    %mul3A_158 = arith.constant 40 : i32
    %mul3A_159 = arith.muli %add3A_157, %mul3A_158 : i32
    %dma_wait3A_160 = tpu.memref_slice %arg4[%mul3A_159] : memref<320000xi32, #tpu.memory_space<hbm>> -> memref<40xi32, #tpu.memory_space<hbm>>
    %dma_wait3A_161 = tpu.memref_slice %arg4[%mul3A_159] : memref<320000xi32, #tpu.memory_space<hbm>> -> memref<40xi32, #tpu.memory_space<hbm>>
    tpu.wait_dma2 semaphore(%arg19 : memref<!tpu.dma_semaphore, #tpu.memory_space<semaphore_mem>>) src(%dma_wait3A_161 : memref<40xi32, #tpu.memory_space<hbm>>) dst(%arg8 : memref<40xi32, #tpu.memory_space<vmem>>)
    %dma_start3A_162 = arith.constant 0 : i32
    %dma_start3A_163 = arith.constant 0 : i32
    %dma_start3A_164 = tpu.memref_slice %arg2[%dma_start3A_162, %dma_start3A_163] : memref<10000x128xf32, #tpu.memory_space<hbm>> -> memref<10000x128xf32, #tpu.memory_space<hbm>>
    tpu.enqueue_indirect_dma source(%dma_start3A_164 : memref<10000x128xf32, #tpu.memory_space<hbm>>) target(%arg12 : memref<40x128xf32, #tpu.memory_space<vmem>>) offsets(%arg8 : memref<40xi32, #tpu.memory_space<vmem>>) semaphore(%arg23 : memref<!tpu.dma_semaphore, #tpu.memory_space<semaphore_mem>>)
    %add3A_165 = arith.constant 3 : i32
    %add3A_166 = arith.addi %mul3A_2, %add3A_165 : i32
    %mul3A_167 = arith.constant 40 : i32
    %mul3A_168 = arith.muli %add3A_166, %mul3A_167 : i32
    %dma_start3A_169 = arith.constant 0 : i32
    %dma_start3A_170 = tpu.memref_slice %arg3[%mul3A_168, %dma_start3A_169] : memref<320000x128xf32, #tpu.memory_space<hbm>> -> memref<40x128xf32, #tpu.memory_space<hbm>>
    %dma_start3A_171 = arith.constant 0 : i32
    %dma_start3A_172 = tpu.memref_slice %arg3[%mul3A_168, %dma_start3A_171] : memref<320000x128xf32, #tpu.memory_space<hbm>> -> memref<40x128xf32, #tpu.memory_space<hbm>>
    tpu.enqueue_dma source(%dma_start3A_172 : memref<40x128xf32, #tpu.memory_space<hbm>>) target(%arg14 : memref<40x128xf32, #tpu.memory_space<vmem>>) target_semaphore(%arg25 : memref<!tpu.dma_semaphore, #tpu.memory_space<semaphore_mem>>)
    %scan3A_173 = arith.constant 0 : i32
    %scan3A_174 = arith.constant 1 : i32
    %scan3A_175 = arith.constant 124 : i32
    %scan3A_176 = arith.addi %scan3A_174, %scan3A_175 : i32
    %scan3A_177 = arith.constant 1 : i32
    %scan3A_178 = scf.for %scan3A_216 = %scan3A_174 to %scan3A_176 step %scan3A_177 iter_args(%scan3A_217 = %scan3A_173) -> (i32)  : i32 {
      %mul3A_218 = arith.constant 2 : i32
      %mul3A_219 = arith.muli %mul3A_218, %scan3A_216 : i32
      %add3A_220 = arith.constant 1 : i32
      %add3A_221 = arith.addi %mul3A_219, %add3A_220 : i32
      %min3A = arith.constant 249 : i32
      %min3A_222 = arith.minsi %add3A_221, %min3A : i32
      %add3A_223 = arith.constant 2 : i32
      %add3A_224 = arith.addi %mul3A_219, %add3A_223 : i32
      %min3A_225 = arith.constant 249 : i32
      %min3A_226 = arith.minsi %add3A_224, %min3A_225 : i32
      %dma_wait3A_227 = arith.constant 0 : i32
      %dma_wait3A_228 = arith.constant 0 : i32
      %dma_wait3A_229 = tpu.memref_slice %arg2[%dma_wait3A_227, %dma_wait3A_228] : memref<10000x128xf32, #tpu.memory_space<hbm>> -> memref<10000x128xf32, #tpu.memory_space<hbm>>
      tpu.wait_indirect_dma semaphore(%arg22 : memref<!tpu.dma_semaphore, #tpu.memory_space<semaphore_mem>>) src(%dma_wait3A_229 : memref<10000x128xf32, #tpu.memory_space<hbm>>) dst(%arg11 : memref<40x128xf32, #tpu.memory_space<vmem>>)
      %add3A_230 = arith.addi %mul3A_2, %mul3A_219 : i32
      %mul3A_231 = arith.constant 40 : i32
      %mul3A_232 = arith.muli %add3A_230, %mul3A_231 : i32
      %dma_wait3A_233 = arith.constant 0 : i32
      %dma_wait3A_234 = tpu.memref_slice %arg3[%mul3A_232, %dma_wait3A_233] : memref<320000x128xf32, #tpu.memory_space<hbm>> -> memref<40x128xf32, #tpu.memory_space<hbm>>
      %dma_wait3A_235 = arith.constant 0 : i32
      %dma_wait3A_236 = tpu.memref_slice %arg3[%mul3A_232, %dma_wait3A_235] : memref<320000x128xf32, #tpu.memory_space<hbm>> -> memref<40x128xf32, #tpu.memory_space<hbm>>
      tpu.wait_dma2 semaphore(%arg24 : memref<!tpu.dma_semaphore, #tpu.memory_space<semaphore_mem>>) src(%dma_wait3A_236 : memref<40x128xf32, #tpu.memory_space<hbm>>) dst(%arg13 : memref<40x128xf32, #tpu.memory_space<vmem>>)
      %add3A_237 = arith.addi %mul3A_2, %min3A_226 : i32
      %mul3A_238 = arith.constant 40 : i32
      %mul3A_239 = arith.muli %add3A_237, %mul3A_238 : i32
      %dma_start3A_240 = tpu.memref_slice %arg4[%mul3A_239] : memref<320000xi32, #tpu.memory_space<hbm>> -> memref<40xi32, #tpu.memory_space<hbm>>
      %dma_start3A_241 = tpu.memref_slice %arg4[%mul3A_239] : memref<320000xi32, #tpu.memory_space<hbm>> -> memref<40xi32, #tpu.memory_space<hbm>>
      tpu.enqueue_dma source(%dma_start3A_241 : memref<40xi32, #tpu.memory_space<hbm>>) target(%arg7 : memref<40xi32, #tpu.memory_space<vmem>>) target_semaphore(%arg18 : memref<!tpu.dma_semaphore, #tpu.memory_space<semaphore_mem>>)
      %dma_wait3A_242 = arith.constant 0 : i32
      %dma_wait3A_243 = arith.constant 0 : i32
      %dma_wait3A_244 = tpu.memref_slice %arg17[%dma_wait3A_242, %dma_wait3A_243] : memref<10240x128xf32, #tpu.memory_space<vmem_shared>> -> memref<10240x128xf32, #tpu.memory_space<vmem_shared>>
      tpu.wait_indirect_dma semaphore(%arg27 : memref<!tpu.dma_semaphore, #tpu.memory_space<semaphore_mem>>) src(%arg16 : memref<40x128xf32, #tpu.memory_space<vmem>>) dst(%dma_wait3A_244 : memref<10240x128xf32, #tpu.memory_space<vmem_shared>>)
      %add3A_245 = arith.addi %mul3A_2, %min3A_222 : i32
      %mul3A_246 = arith.constant 40 : i32
      %mul3A_247 = arith.muli %add3A_245, %mul3A_246 : i32
      %dma_start3A_248 = tpu.memref_slice %arg5[%mul3A_247] : memref<320000xi32, #tpu.memory_space<hbm>> -> memref<40xi32, #tpu.memory_space<hbm>>
      %dma_start3A_249 = tpu.memref_slice %arg5[%mul3A_247] : memref<320000xi32, #tpu.memory_space<hbm>> -> memref<40xi32, #tpu.memory_space<hbm>>
      tpu.enqueue_dma source(%dma_start3A_249 : memref<40xi32, #tpu.memory_space<hbm>>) target(%arg10 : memref<40xi32, #tpu.memory_space<vmem>>) target_semaphore(%arg21 : memref<!tpu.dma_semaphore, #tpu.memory_space<semaphore_mem>>)
      %parallel_loop3A_250 = arith.constant 0 : i32
      %parallel_loop3A_251 = arith.constant 40 : i32
      %parallel_loop3A_252 = arith.constant 1 : i32
      scf.for %parallel_loop3A_336 = %parallel_loop3A_250 to %parallel_loop3A_251 step %parallel_loop3A_252  : i32 {
        %parallel_loop3A_337 = arith.index_cast %parallel_loop3A_336 : i32 to index
        %parallel_loop3A_338 = arith.constant 0 : index
        %parallel_loop3A_339 = tpu.vector_load %arg11[%parallel_loop3A_337, %parallel_loop3A_338] {strides = array<i32>} : memref<40x128xf32, #tpu.memory_space<vmem>>, vector<1x16xf32>,
        %parallel_loop3A_340 = vector.shape_cast %parallel_loop3A_339 : vector<1x16xf32> to vector<16xf32>
        %parallel_loop3A_341 = arith.index_cast %parallel_loop3A_336 : i32 to index
        %parallel_loop3A_342 = arith.constant 0 : index
        %parallel_loop3A_343 = tpu.vector_load %arg13[%parallel_loop3A_341, %parallel_loop3A_342] {strides = array<i32>} : memref<40x128xf32, #tpu.memory_space<vmem>>, vector<1x16xf32>,
        %parallel_loop3A_344 = vector.shape_cast %parallel_loop3A_343 : vector<1x16xf32> to vector<16xf32>
        %parallel_loop3A_345 = arith.addf %parallel_loop3A_340, %parallel_loop3A_344 : vector<16xf32>
        %parallel_loop3A_346 = arith.constant 0.000000e+00 : f32
        %parallel_loop3A_347 = vector.broadcast %parallel_loop3A_346 : f32 to vector<16xf32>
        %parallel_loop3A_348 = arith.maximumf %parallel_loop3A_345, %parallel_loop3A_347 : vector<16xf32>
        %parallel_loop3A_349 = arith.index_cast %parallel_loop3A_336 : i32 to index
        %parallel_loop3A_350 = arith.constant 0 : index
        %parallel_loop3A_351 = tpu.vector_load %arg15[%parallel_loop3A_349, %parallel_loop3A_350] {strides = array<i32>} : memref<40x128xf32, #tpu.memory_space<vmem>>, vector<1x16xf32>,
        %parallel_loop3A_352 = vector.shape_cast %parallel_loop3A_351 : vector<1x16xf32> to vector<16xf32>
        %parallel_loop3A_353 = vector.shape_cast %parallel_loop3A_348 : vector<16xf32> to vector<1x16xf32>
        tpu.vector_store %arg15[%parallel_loop3A_349, %parallel_loop3A_350], %parallel_loop3A_353 {strides = array<i32>} : memref<40x128xf32, #tpu.memory_space<vmem>>, vector<1x16xf32>,
        %parallel_loop3A_354 = arith.index_cast %parallel_loop3A_336 : i32 to index
        %parallel_loop3A_355 = arith.constant 16 : index
        %parallel_loop3A_356 = tpu.vector_load %arg11[%parallel_loop3A_354, %parallel_loop3A_355] {strides = array<i32>} : memref<40x128xf32, #tpu.memory_space<vmem>>, vector<1x16xf32>,
        %parallel_loop3A_357 = vector.shape_cast %parallel_loop3A_356 : vector<1x16xf32> to vector<16xf32>
        %parallel_loop3A_358 = arith.index_cast %parallel_loop3A_336 : i32 to index
        %parallel_loop3A_359 = arith.constant 16 : index
        %parallel_loop3A_360 = tpu.vector_load %arg13[%parallel_loop3A_358, %parallel_loop3A_359] {strides = array<i32>} : memref<40x128xf32, #tpu.memory_space<vmem>>, vector<1x16xf32>,
        %parallel_loop3A_361 = vector.shape_cast %parallel_loop3A_360 : vector<1x16xf32> to vector<16xf32>
        %parallel_loop3A_362 = arith.addf %parallel_loop3A_357, %parallel_loop3A_361 : vector<16xf32>
        %parallel_loop3A_363 = arith.constant 0.000000e+00 : f32
        %parallel_loop3A_364 = vector.broadcast %parallel_loop3A_363 : f32 to vector<16xf32>
        %parallel_loop3A_365 = arith.maximumf %parallel_loop3A_362, %parallel_loop3A_364 : vector<16xf32>
        %parallel_loop3A_366 = arith.index_cast %parallel_loop3A_336 : i32 to index
        %parallel_loop3A_367 = arith.constant 16 : index
        %parallel_loop3A_368 = tpu.vector_load %arg15[%parallel_loop3A_366, %parallel_loop3A_367] {strides = array<i32>} : memref<40x128xf32, #tpu.memory_space<vmem>>, vector<1x16xf32>,
        %parallel_loop3A_369 = vector.shape_cast %parallel_loop3A_368 : vector<1x16xf32> to vector<16xf32>
        %parallel_loop3A_370 = vector.shape_cast %parallel_loop3A_365 : vector<16xf32> to vector<1x16xf32>
        tpu.vector_store %arg15[%parallel_loop3A_366, %parallel_loop3A_367], %parallel_loop3A_370 {strides = array<i32>} : memref<40x128xf32, #tpu.memory_space<vmem>>, vector<1x16xf32>,
        %parallel_loop3A_371 = arith.index_cast %parallel_loop3A_336 : i32 to index
        %parallel_loop3A_372 = arith.constant 32 : index
        %parallel_loop3A_373 = tpu.vector_load %arg11[%parallel_loop3A_371, %parallel_loop3A_372] {strides = array<i32>} : memref<40x128xf32, #tpu.memory_space<vmem>>, vector<1x16xf32>,
        %parallel_loop3A_374 = vector.shape_cast %parallel_loop3A_373 : vector<1x16xf32> to vector<16xf32>
        %parallel_loop3A_375 = arith.index_cast %parallel_loop3A_336 : i32 to index
        %parallel_loop3A_376 = arith.constant 32 : index
        %parallel_loop3A_377 = tpu.vector_load %arg13[%parallel_loop3A_375, %parallel_loop3A_376] {strides = array<i32>} : memref<40x128xf32, #tpu.memory_space<vmem>>, vector<1x16xf32>,
        %parallel_loop3A_378 = vector.shape_cast %parallel_loop3A_377 : vector<1x16xf32> to vector<16xf32>
        %parallel_loop3A_379 = arith.addf %parallel_loop3A_374, %parallel_loop3A_378 : vector<16xf32>
        %parallel_loop3A_380 = arith.constant 0.000000e+00 : f32
        %parallel_loop3A_381 = vector.broadcast %parallel_loop3A_380 : f32 to vector<16xf32>
        %parallel_loop3A_382 = arith.maximumf %parallel_loop3A_379, %parallel_loop3A_381 : vector<16xf32>
        %parallel_loop3A_383 = arith.index_cast %parallel_loop3A_336 : i32 to index
        %parallel_loop3A_384 = arith.constant 32 : index
        %parallel_loop3A_385 = tpu.vector_load %arg15[%parallel_loop3A_383, %parallel_loop3A_384] {strides = array<i32>} : memref<40x128xf32, #tpu.memory_space<vmem>>, vector<1x16xf32>,
        %parallel_loop3A_386 = vector.shape_cast %parallel_loop3A_385 : vector<1x16xf32> to vector<16xf32>
        %parallel_loop3A_387 = vector.shape_cast %parallel_loop3A_382 : vector<16xf32> to vector<1x16xf32>
        tpu.vector_store %arg15[%parallel_loop3A_383, %parallel_loop3A_384], %parallel_loop3A_387 {strides = array<i32>} : memref<40x128xf32, #tpu.memory_space<vmem>>, vector<1x16xf32>,
        %parallel_loop3A_388 = arith.index_cast %parallel_loop3A_336 : i32 to index
        %parallel_loop3A_389 = arith.constant 48 : index
        %parallel_loop3A_390 = tpu.vector_load %arg11[%parallel_loop3A_388, %parallel_loop3A_389] {strides = array<i32>} : memref<40x128xf32, #tpu.memory_space<vmem>>, vector<1x16xf32>,
        %parallel_loop3A_391 = vector.shape_cast %parallel_loop3A_390 : vector<1x16xf32> to vector<16xf32>
        %parallel_loop3A_392 = arith.index_cast %parallel_loop3A_336 : i32 to index
        %parallel_loop3A_393 = arith.constant 48 : index
        %parallel_loop3A_394 = tpu.vector_load %arg13[%parallel_loop3A_392, %parallel_loop3A_393] {strides = array<i32>} : memref<40x128xf32, #tpu.memory_space<vmem>>, vector<1x16xf32>,
        %parallel_loop3A_395 = vector.shape_cast %parallel_loop3A_394 : vector<1x16xf32> to vector<16xf32>
        %parallel_loop3A_396 = arith.addf %parallel_loop3A_391, %parallel_loop3A_395 : vector<16xf32>
        %parallel_loop3A_397 = arith.constant 0.000000e+00 : f32
        %parallel_loop3A_398 = vector.broadcast %parallel_loop3A_397 : f32 to vector<16xf32>
        %parallel_loop3A_399 = arith.maximumf %parallel_loop3A_396, %parallel_loop3A_398 : vector<16xf32>
        %parallel_loop3A_400 = arith.index_cast %parallel_loop3A_336 : i32 to index
        %parallel_loop3A_401 = arith.constant 48 : index
        %parallel_loop3A_402 = tpu.vector_load %arg15[%parallel_loop3A_400, %parallel_loop3A_401] {strides = array<i32>} : memref<40x128xf32, #tpu.memory_space<vmem>>, vector<1x16xf32>,
        %parallel_loop3A_403 = vector.shape_cast %parallel_loop3A_402 : vector<1x16xf32> to vector<16xf32>
        %parallel_loop3A_404 = vector.shape_cast %parallel_loop3A_399 : vector<16xf32> to vector<1x16xf32>
        tpu.vector_store %arg15[%parallel_loop3A_400, %parallel_loop3A_401], %parallel_loop3A_404 {strides = array<i32>} : memref<40x128xf32, #tpu.memory_space<vmem>>, vector<1x16xf32>,
        %parallel_loop3A_405 = arith.index_cast %parallel_loop3A_336 : i32 to index
        %parallel_loop3A_406 = arith.constant 64 : index
        %parallel_loop3A_407 = tpu.vector_load %arg11[%parallel_loop3A_405, %parallel_loop3A_406] {strides = array<i32>} : memref<40x128xf32, #tpu.memory_space<vmem>>, vector<1x16xf32>,
        %parallel_loop3A_408 = vector.shape_cast %parallel_loop3A_407 : vector<1x16xf32> to vector<16xf32>
        %parallel_loop3A_409 = arith.index_cast %parallel_loop3A_336 : i32 to index
        %parallel_loop3A_410 = arith.constant 64 : index
        %parallel_loop3A_411 = tpu.vector_load %arg13[%parallel_loop3A_409, %parallel_loop3A_410] {strides = array<i32>} : memref<40x128xf32, #tpu.memory_space<vmem>>, vector<1x16xf32>,
        %parallel_loop3A_412 = vector.shape_cast %parallel_loop3A_411 : vector<1x16xf32> to vector<16xf32>
        %parallel_loop3A_413 = arith.addf %parallel_loop3A_408, %parallel_loop3A_412 : vector<16xf32>
        %parallel_loop3A_414 = arith.constant 0.000000e+00 : f32
        %parallel_loop3A_415 = vector.broadcast %parallel_loop3A_414 : f32 to vector<16xf32>
        %parallel_loop3A_416 = arith.maximumf %parallel_loop3A_413, %parallel_loop3A_415 : vector<16xf32>
        %parallel_loop3A_417 = arith.index_cast %parallel_loop3A_336 : i32 to index
        %parallel_loop3A_418 = arith.constant 64 : index
        %parallel_loop3A_419 = tpu.vector_load %arg15[%parallel_loop3A_417, %parallel_loop3A_418] {strides = array<i32>} : memref<40x128xf32, #tpu.memory_space<vmem>>, vector<1x16xf32>,
        %parallel_loop3A_420 = vector.shape_cast %parallel_loop3A_419 : vector<1x16xf32> to vector<16xf32>
        %parallel_loop3A_421 = vector.shape_cast %parallel_loop3A_416 : vector<16xf32> to vector<1x16xf32>
        tpu.vector_store %arg15[%parallel_loop3A_417, %parallel_loop3A_418], %parallel_loop3A_421 {strides = array<i32>} : memref<40x128xf32, #tpu.memory_space<vmem>>, vector<1x16xf32>,
        %parallel_loop3A_422 = arith.index_cast %parallel_loop3A_336 : i32 to index
        %parallel_loop3A_423 = arith.constant 80 : index
        %parallel_loop3A_424 = tpu.vector_load %arg11[%parallel_loop3A_422, %parallel_loop3A_423] {strides = array<i32>} : memref<40x128xf32, #tpu.memory_space<vmem>>, vector<1x16xf32>,
        %parallel_loop3A_425 = vector.shape_cast %parallel_loop3A_424 : vector<1x16xf32> to vector<16xf32>
        %parallel_loop3A_426 = arith.index_cast %parallel_loop3A_336 : i32 to index
        %parallel_loop3A_427 = arith.constant 80 : index
        %parallel_loop3A_428 = tpu.vector_load %arg13[%parallel_loop3A_426, %parallel_loop3A_427] {strides = array<i32>} : memref<40x128xf32, #tpu.memory_space<vmem>>, vector<1x16xf32>,
        %parallel_loop3A_429 = vector.shape_cast %parallel_loop3A_428 : vector<1x16xf32> to vector<16xf32>
        %parallel_loop3A_430 = arith.addf %parallel_loop3A_425, %parallel_loop3A_429 : vector<16xf32>
        %parallel_loop3A_431 = arith.constant 0.000000e+00 : f32
        %parallel_loop3A_432 = vector.broadcast %parallel_loop3A_431 : f32 to vector<16xf32>
        %parallel_loop3A_433 = arith.maximumf %parallel_loop3A_430, %parallel_loop3A_432 : vector<16xf32>
        %parallel_loop3A_434 = arith.index_cast %parallel_loop3A_336 : i32 to index
        %parallel_loop3A_435 = arith.constant 80 : index
        %parallel_loop3A_436 = tpu.vector_load %arg15[%parallel_loop3A_434, %parallel_loop3A_435] {strides = array<i32>} : memref<40x128xf32, #tpu.memory_space<vmem>>, vector<1x16xf32>,
        %parallel_loop3A_437 = vector.shape_cast %parallel_loop3A_436 : vector<1x16xf32> to vector<16xf32>
        %parallel_loop3A_438 = vector.shape_cast %parallel_loop3A_433 : vector<16xf32> to vector<1x16xf32>
        tpu.vector_store %arg15[%parallel_loop3A_434, %parallel_loop3A_435], %parallel_loop3A_438 {strides = array<i32>} : memref<40x128xf32, #tpu.memory_space<vmem>>, vector<1x16xf32>,
        %parallel_loop3A_439 = arith.index_cast %parallel_loop3A_336 : i32 to index
        %parallel_loop3A_440 = arith.constant 96 : index
        %parallel_loop3A_441 = tpu.vector_load %arg11[%parallel_loop3A_439, %parallel_loop3A_440] {strides = array<i32>} : memref<40x128xf32, #tpu.memory_space<vmem>>, vector<1x16xf32>,
        %parallel_loop3A_442 = vector.shape_cast %parallel_loop3A_441 : vector<1x16xf32> to vector<16xf32>
        %parallel_loop3A_443 = arith.index_cast %parallel_loop3A_336 : i32 to index
        %parallel_loop3A_444 = arith.constant 96 : index
        %parallel_loop3A_445 = tpu.vector_load %arg13[%parallel_loop3A_443, %parallel_loop3A_444] {strides = array<i32>} : memref<40x128xf32, #tpu.memory_space<vmem>>, vector<1x16xf32>,
        %parallel_loop3A_446 = vector.shape_cast %parallel_loop3A_445 : vector<1x16xf32> to vector<16xf32>
        %parallel_loop3A_447 = arith.addf %parallel_loop3A_442, %parallel_loop3A_446 : vector<16xf32>
        %parallel_loop3A_448 = arith.constant 0.000000e+00 : f32
        %parallel_loop3A_449 = vector.broadcast %parallel_loop3A_448 : f32 to vector<16xf32>
        %parallel_loop3A_450 = arith.maximumf %parallel_loop3A_447, %parallel_loop3A_449 : vector<16xf32>
        %parallel_loop3A_451 = arith.index_cast %parallel_loop3A_336 : i32 to index
        %parallel_loop3A_452 = arith.constant 96 : index
        %parallel_loop3A_453 = tpu.vector_load %arg15[%parallel_loop3A_451, %parallel_loop3A_452] {strides = array<i32>} : memref<40x128xf32, #tpu.memory_space<vmem>>, vector<1x16xf32>,
        %parallel_loop3A_454 = vector.shape_cast %parallel_loop3A_453 : vector<1x16xf32> to vector<16xf32>
        %parallel_loop3A_455 = vector.shape_cast %parallel_loop3A_450 : vector<16xf32> to vector<1x16xf32>
        tpu.vector_store %arg15[%parallel_loop3A_451, %parallel_loop3A_452], %parallel_loop3A_455 {strides = array<i32>} : memref<40x128xf32, #tpu.memory_space<vmem>>, vector<1x16xf32>,
        %parallel_loop3A_456 = arith.index_cast %parallel_loop3A_336 : i32 to index
        %parallel_loop3A_457 = arith.constant 112 : index
        %parallel_loop3A_458 = tpu.vector_load %arg11[%parallel_loop3A_456, %parallel_loop3A_457] {strides = array<i32>} : memref<40x128xf32, #tpu.memory_space<vmem>>, vector<1x16xf32>,
        %parallel_loop3A_459 = vector.shape_cast %parallel_loop3A_458 : vector<1x16xf32> to vector<16xf32>
        %parallel_loop3A_460 = arith.index_cast %parallel_loop3A_336 : i32 to index
        %parallel_loop3A_461 = arith.constant 112 : index
        %parallel_loop3A_462 = tpu.vector_load %arg13[%parallel_loop3A_460, %parallel_loop3A_461] {strides = array<i32>} : memref<40x128xf32, #tpu.memory_space<vmem>>, vector<1x16xf32>,
        %parallel_loop3A_463 = vector.shape_cast %parallel_loop3A_462 : vector<1x16xf32> to vector<16xf32>
        %parallel_loop3A_464 = arith.addf %parallel_loop3A_459, %parallel_loop3A_463 : vector<16xf32>
        %parallel_loop3A_465 = arith.constant 0.000000e+00 : f32
        %parallel_loop3A_466 = vector.broadcast %parallel_loop3A_465 : f32 to vector<16xf32>
        %parallel_loop3A_467 = arith.maximumf %parallel_loop3A_464, %parallel_loop3A_466 : vector<16xf32>
        %parallel_loop3A_468 = arith.index_cast %parallel_loop3A_336 : i32 to index
        %parallel_loop3A_469 = arith.constant 112 : index
        %parallel_loop3A_470 = tpu.vector_load %arg15[%parallel_loop3A_468, %parallel_loop3A_469] {strides = array<i32>} : memref<40x128xf32, #tpu.memory_space<vmem>>, vector<1x16xf32>,
        %parallel_loop3A_471 = vector.shape_cast %parallel_loop3A_470 : vector<1x16xf32> to vector<16xf32>
        %parallel_loop3A_472 = vector.shape_cast %parallel_loop3A_467 : vector<16xf32> to vector<1x16xf32>
        tpu.vector_store %arg15[%parallel_loop3A_468, %parallel_loop3A_469], %parallel_loop3A_472 {strides = array<i32>} : memref<40x128xf32, #tpu.memory_space<vmem>>, vector<1x16xf32>,
      } {sc.loop_unroll_factor = 2 : i64, sc.parallel_access}
      %add3A_253 = arith.addi %mul3A_2, %mul3A_219 : i32
      %mul3A_254 = arith.constant 40 : i32
      %mul3A_255 = arith.muli %add3A_253, %mul3A_254 : i32
      %dma_wait3A_256 = tpu.memref_slice %arg5[%mul3A_255] : memref<320000xi32, #tpu.memory_space<hbm>> -> memref<40xi32, #tpu.memory_space<hbm>>
      %dma_wait3A_257 = tpu.memref_slice %arg5[%mul3A_255] : memref<320000xi32, #tpu.memory_space<hbm>> -> memref<40xi32, #tpu.memory_space<hbm>>
      tpu.wait_dma2 semaphore(%arg20 : memref<!tpu.dma_semaphore, #tpu.memory_space<semaphore_mem>>) src(%dma_wait3A_257 : memref<40xi32, #tpu.memory_space<hbm>>) dst(%arg9 : memref<40xi32, #tpu.memory_space<vmem>>)
      %dma_start3A_258 = arith.constant 0 : i32
      %dma_start3A_259 = arith.constant 0 : i32
      %dma_start3A_260 = tpu.memref_slice %arg17[%dma_start3A_258, %dma_start3A_259] : memref<10240x128xf32, #tpu.memory_space<vmem_shared>> -> memref<10240x128xf32, #tpu.memory_space<vmem_shared>>
      tpu.enqueue_indirect_dma source(%arg15 : memref<40x128xf32, #tpu.memory_space<vmem>>) target(%dma_start3A_260 : memref<10240x128xf32, #tpu.memory_space<vmem_shared>>) offsets(%arg9 : memref<40xi32, #tpu.memory_space<vmem>>) semaphore(%arg26 : memref<!tpu.dma_semaphore, #tpu.memory_space<semaphore_mem>>) {add = true}
      %add3A_261 = arith.addi %mul3A_2, %min3A_226 : i32
      %mul3A_262 = arith.constant 40 : i32
      %mul3A_263 = arith.muli %add3A_261, %mul3A_262 : i32
      %dma_wait3A_264 = tpu.memref_slice %arg4[%mul3A_263] : memref<320000xi32, #tpu.memory_space<hbm>> -> memref<40xi32, #tpu.memory_space<hbm>>
      %dma_wait3A_265 = tpu.memref_slice %arg4[%mul3A_263] : memref<320000xi32, #tpu.memory_space<hbm>> -> memref<40xi32, #tpu.memory_space<hbm>>
      tpu.wait_dma2 semaphore(%arg18 : memref<!tpu.dma_semaphore, #tpu.memory_space<semaphore_mem>>) src(%dma_wait3A_265 : memref<40xi32, #tpu.memory_space<hbm>>) dst(%arg7 : memref<40xi32, #tpu.memory_space<vmem>>)
      %dma_start3A_266 = arith.constant 0 : i32
      %dma_start3A_267 = arith.constant 0 : i32
      %dma_start3A_268 = tpu.memref_slice %arg2[%dma_start3A_266, %dma_start3A_267] : memref<10000x128xf32, #tpu.memory_space<hbm>> -> memref<10000x128xf32, #tpu.memory_space<hbm>>
      tpu.enqueue_indirect_dma source(%dma_start3A_268 : memref<10000x128xf32, #tpu.memory_space<hbm>>) target(%arg11 : memref<40x128xf32, #tpu.memory_space<vmem>>) offsets(%arg7 : memref<40xi32, #tpu.memory_space<vmem>>) semaphore(%arg22 : memref<!tpu.dma_semaphore, #tpu.memory_space<semaphore_mem>>)
      %add3A_269 = arith.addi %mul3A_2, %min3A_226 : i32
      %mul3A_270 = arith.constant 40 : i32
      %mul3A_271 = arith.muli %add3A_269, %mul3A_270 : i32
      %dma_start3A_272 = arith.constant 0 : i32
      %dma_start3A_273 = tpu.memref_slice %arg3[%mul3A_271, %dma_start3A_272] : memref<320000x128xf32, #tpu.memory_space<hbm>> -> memref<40x128xf32, #tpu.memory_space<hbm>>
      %dma_start3A_274 = arith.constant 0 : i32
      %dma_start3A_275 = tpu.memref_slice %arg3[%mul3A_271, %dma_start3A_274] : memref<320000x128xf32, #tpu.memory_space<hbm>> -> memref<40x128xf32, #tpu.memory_space<hbm>>
      tpu.enqueue_dma source(%dma_start3A_275 : memref<40x128xf32, #tpu.memory_space<hbm>>) target(%arg13 : memref<40x128xf32, #tpu.memory_space<vmem>>) target_semaphore(%arg24 : memref<!tpu.dma_semaphore, #tpu.memory_space<semaphore_mem>>)
      %add3A_276 = arith.constant 1 : i32
      %add3A_277 = arith.addi %mul3A_219, %add3A_276 : i32
      %add3A_278 = arith.constant 2 : i32
      %add3A_279 = arith.addi %mul3A_219, %add3A_278 : i32
      %min3A_280 = arith.constant 249 : i32
      %min3A_281 = arith.minsi %add3A_279, %min3A_280 : i32
      %add3A_282 = arith.constant 3 : i32
      %add3A_283 = arith.addi %mul3A_219, %add3A_282 : i32
      %min3A_284 = arith.constant 249 : i32
      %min3A_285 = arith.minsi %add3A_283, %min3A_284 : i32
      %dma_wait3A_286 = arith.constant 0 : i32
      %dma_wait3A_287 = arith.constant 0 : i32
      %dma_wait3A_288 = tpu.memref_slice %arg2[%dma_wait3A_286, %dma_wait3A_287] : memref<10000x128xf32, #tpu.memory_space<hbm>> -> memref<10000x128xf32, #tpu.memory_space<hbm>>
      tpu.wait_indirect_dma semaphore(%arg23 : memref<!tpu.dma_semaphore, #tpu.memory_space<semaphore_mem>>) src(%dma_wait3A_288 : memref<10000x128xf32, #tpu.memory_space<hbm>>) dst(%arg12 : memref<40x128xf32, #tpu.memory_space<vmem>>)
      %add3A_289 = arith.addi %mul3A_2, %add3A_277 : i32
      %mul3A_290 = arith.constant 40 : i32
      %mul3A_291 = arith.muli %add3A_289, %mul3A_290 : i32
      %dma_wait3A_292 = arith.constant 0 : i32
      %dma_wait3A_293 = tpu.memref_slice %arg3[%mul3A_291, %dma_wait3A_292] : memref<320000x128xf32, #tpu.memory_space<hbm>> -> memref<40x128xf32, #tpu.memory_space<hbm>>
      %dma_wait3A_294 = arith.constant 0 : i32
      %dma_wait3A_295 = tpu.memref_slice %arg3[%mul3A_291, %dma_wait3A_294] : memref<320000x128xf32, #tpu.memory_space<hbm>> -> memref<40x128xf32, #tpu.memory_space<hbm>>
      tpu.wait_dma2 semaphore(%arg25 : memref<!tpu.dma_semaphore, #tpu.memory_space<semaphore_mem>>) src(%dma_wait3A_295 : memref<40x128xf32, #tpu.memory_space<hbm>>) dst(%arg14 : memref<40x128xf32, #tpu.memory_space<vmem>>)
      %add3A_296 = arith.addi %mul3A_2, %min3A_285 : i32
      %mul3A_297 = arith.constant 40 : i32
      %mul3A_298 = arith.muli %add3A_296, %mul3A_297 : i32
      %dma_start3A_299 = tpu.memref_slice %arg4[%mul3A_298] : memref<320000xi32, #tpu.memory_space<hbm>> -> memref<40xi32, #tpu.memory_space<hbm>>
      %dma_start3A_300 = tpu.memref_slice %arg4[%mul3A_298] : memref<320000xi32, #tpu.memory_space<hbm>> -> memref<40xi32, #tpu.memory_space<hbm>>
      tpu.enqueue_dma source(%dma_start3A_300 : memref<40xi32, #tpu.memory_space<hbm>>) target(%arg8 : memref<40xi32, #tpu.memory_space<vmem>>) target_semaphore(%arg19 : memref<!tpu.dma_semaphore, #tpu.memory_space<semaphore_mem>>)
      %dma_wait3A_301 = arith.constant 0 : i32
      %dma_wait3A_302 = arith.constant 0 : i32
      %dma_wait3A_303 = tpu.memref_slice %arg17[%dma_wait3A_301, %dma_wait3A_302] : memref<10240x128xf32, #tpu.memory_space<vmem_shared>> -> memref<10240x128xf32, #tpu.memory_space<vmem_shared>>
      tpu.wait_indirect_dma semaphore(%arg26 : memref<!tpu.dma_semaphore, #tpu.memory_space<semaphore_mem>>) src(%arg15 : memref<40x128xf32, #tpu.memory_space<vmem>>) dst(%dma_wait3A_303 : memref<10240x128xf32, #tpu.memory_space<vmem_shared>>)
      %add3A_304 = arith.addi %mul3A_2, %min3A_281 : i32
      %mul3A_305 = arith.constant 40 : i32
      %mul3A_306 = arith.muli %add3A_304, %mul3A_305 : i32
      %dma_start3A_307 = tpu.memref_slice %arg5[%mul3A_306] : memref<320000xi32, #tpu.memory_space<hbm>> -> memref<40xi32, #tpu.memory_space<hbm>>
      %dma_start3A_308 = tpu.memref_slice %arg5[%mul3A_306] : memref<320000xi32, #tpu.memory_space<hbm>> -> memref<40xi32, #tpu.memory_space<hbm>>
      tpu.enqueue_dma source(%dma_start3A_308 : memref<40xi32, #tpu.memory_space<hbm>>) target(%arg9 : memref<40xi32, #tpu.memory_space<vmem>>) target_semaphore(%arg20 : memref<!tpu.dma_semaphore, #tpu.memory_space<semaphore_mem>>)
      %parallel_loop3A_309 = arith.constant 0 : i32
      %parallel_loop3A_310 = arith.constant 40 : i32
      %parallel_loop3A_311 = arith.constant 1 : i32
      scf.for %parallel_loop3A_336 = %parallel_loop3A_309 to %parallel_loop3A_310 step %parallel_loop3A_311  : i32 {
        %parallel_loop3A_337 = arith.index_cast %parallel_loop3A_336 : i32 to index
        %parallel_loop3A_338 = arith.constant 0 : index
        %parallel_loop3A_339 = tpu.vector_load %arg12[%parallel_loop3A_337, %parallel_loop3A_338] {strides = array<i32>} : memref<40x128xf32, #tpu.memory_space<vmem>>, vector<1x16xf32>,
        %parallel_loop3A_340 = vector.shape_cast %parallel_loop3A_339 : vector<1x16xf32> to vector<16xf32>
        %parallel_loop3A_341 = arith.index_cast %parallel_loop3A_336 : i32 to index
        %parallel_loop3A_342 = arith.constant 0 : index
        %parallel_loop3A_343 = tpu.vector_load %arg14[%parallel_loop3A_341, %parallel_loop3A_342] {strides = array<i32>} : memref<40x128xf32, #tpu.memory_space<vmem>>, vector<1x16xf32>,
        %parallel_loop3A_344 = vector.shape_cast %parallel_loop3A_343 : vector<1x16xf32> to vector<16xf32>
        %parallel_loop3A_345 = arith.addf %parallel_loop3A_340, %parallel_loop3A_344 : vector<16xf32>
        %parallel_loop3A_346 = arith.constant 0.000000e+00 : f32
        %parallel_loop3A_347 = vector.broadcast %parallel_loop3A_346 : f32 to vector<16xf32>
        %parallel_loop3A_348 = arith.maximumf %parallel_loop3A_345, %parallel_loop3A_347 : vector<16xf32>
        %parallel_loop3A_349 = arith.index_cast %parallel_loop3A_336 : i32 to index
        %parallel_loop3A_350 = arith.constant 0 : index
        %parallel_loop3A_351 = tpu.vector_load %arg16[%parallel_loop3A_349, %parallel_loop3A_350] {strides = array<i32>} : memref<40x128xf32, #tpu.memory_space<vmem>>, vector<1x16xf32>,
        %parallel_loop3A_352 = vector.shape_cast %parallel_loop3A_351 : vector<1x16xf32> to vector<16xf32>
        %parallel_loop3A_353 = vector.shape_cast %parallel_loop3A_348 : vector<16xf32> to vector<1x16xf32>
        tpu.vector_store %arg16[%parallel_loop3A_349, %parallel_loop3A_350], %parallel_loop3A_353 {strides = array<i32>} : memref<40x128xf32, #tpu.memory_space<vmem>>, vector<1x16xf32>,
        %parallel_loop3A_354 = arith.index_cast %parallel_loop3A_336 : i32 to index
        %parallel_loop3A_355 = arith.constant 16 : index
        %parallel_loop3A_356 = tpu.vector_load %arg12[%parallel_loop3A_354, %parallel_loop3A_355] {strides = array<i32>} : memref<40x128xf32, #tpu.memory_space<vmem>>, vector<1x16xf32>,
        %parallel_loop3A_357 = vector.shape_cast %parallel_loop3A_356 : vector<1x16xf32> to vector<16xf32>
        %parallel_loop3A_358 = arith.index_cast %parallel_loop3A_336 : i32 to index
        %parallel_loop3A_359 = arith.constant 16 : index
        %parallel_loop3A_360 = tpu.vector_load %arg14[%parallel_loop3A_358, %parallel_loop3A_359] {strides = array<i32>} : memref<40x128xf32, #tpu.memory_space<vmem>>, vector<1x16xf32>,
        %parallel_loop3A_361 = vector.shape_cast %parallel_loop3A_360 : vector<1x16xf32> to vector<16xf32>
        %parallel_loop3A_362 = arith.addf %parallel_loop3A_357, %parallel_loop3A_361 : vector<16xf32>
        %parallel_loop3A_363 = arith.constant 0.000000e+00 : f32
        %parallel_loop3A_364 = vector.broadcast %parallel_loop3A_363 : f32 to vector<16xf32>
        %parallel_loop3A_365 = arith.maximumf %parallel_loop3A_362, %parallel_loop3A_364 : vector<16xf32>
        %parallel_loop3A_366 = arith.index_cast %parallel_loop3A_336 : i32 to index
        %parallel_loop3A_367 = arith.constant 16 : index
        %parallel_loop3A_368 = tpu.vector_load %arg16[%parallel_loop3A_366, %parallel_loop3A_367] {strides = array<i32>} : memref<40x128xf32, #tpu.memory_space<vmem>>, vector<1x16xf32>,
        %parallel_loop3A_369 = vector.shape_cast %parallel_loop3A_368 : vector<1x16xf32> to vector<16xf32>
        %parallel_loop3A_370 = vector.shape_cast %parallel_loop3A_365 : vector<16xf32> to vector<1x16xf32>
        tpu.vector_store %arg16[%parallel_loop3A_366, %parallel_loop3A_367], %parallel_loop3A_370 {strides = array<i32>} : memref<40x128xf32, #tpu.memory_space<vmem>>, vector<1x16xf32>,
        %parallel_loop3A_371 = arith.index_cast %parallel_loop3A_336 : i32 to index
        %parallel_loop3A_372 = arith.constant 32 : index
        %parallel_loop3A_373 = tpu.vector_load %arg12[%parallel_loop3A_371, %parallel_loop3A_372] {strides = array<i32>} : memref<40x128xf32, #tpu.memory_space<vmem>>, vector<1x16xf32>,
        %parallel_loop3A_374 = vector.shape_cast %parallel_loop3A_373 : vector<1x16xf32> to vector<16xf32>
        %parallel_loop3A_375 = arith.index_cast %parallel_loop3A_336 : i32 to index
        %parallel_loop3A_376 = arith.constant 32 : index
        %parallel_loop3A_377 = tpu.vector_load %arg14[%parallel_loop3A_375, %parallel_loop3A_376] {strides = array<i32>} : memref<40x128xf32, #tpu.memory_space<vmem>>, vector<1x16xf32>,
        %parallel_loop3A_378 = vector.shape_cast %parallel_loop3A_377 : vector<1x16xf32> to vector<16xf32>
        %parallel_loop3A_379 = arith.addf %parallel_loop3A_374, %parallel_loop3A_378 : vector<16xf32>
        %parallel_loop3A_380 = arith.constant 0.000000e+00 : f32
        %parallel_loop3A_381 = vector.broadcast %parallel_loop3A_380 : f32 to vector<16xf32>
        %parallel_loop3A_382 = arith.maximumf %parallel_loop3A_379, %parallel_loop3A_381 : vector<16xf32>
        %parallel_loop3A_383 = arith.index_cast %parallel_loop3A_336 : i32 to index
        %parallel_loop3A_384 = arith.constant 32 : index
        %parallel_loop3A_385 = tpu.vector_load %arg16[%parallel_loop3A_383, %parallel_loop3A_384] {strides = array<i32>} : memref<40x128xf32, #tpu.memory_space<vmem>>, vector<1x16xf32>,
        %parallel_loop3A_386 = vector.shape_cast %parallel_loop3A_385 : vector<1x16xf32> to vector<16xf32>
        %parallel_loop3A_387 = vector.shape_cast %parallel_loop3A_382 : vector<16xf32> to vector<1x16xf32>
        tpu.vector_store %arg16[%parallel_loop3A_383, %parallel_loop3A_384], %parallel_loop3A_387 {strides = array<i32>} : memref<40x128xf32, #tpu.memory_space<vmem>>, vector<1x16xf32>,
        %parallel_loop3A_388 = arith.index_cast %parallel_loop3A_336 : i32 to index
        %parallel_loop3A_389 = arith.constant 48 : index
        %parallel_loop3A_390 = tpu.vector_load %arg12[%parallel_loop3A_388, %parallel_loop3A_389] {strides = array<i32>} : memref<40x128xf32, #tpu.memory_space<vmem>>, vector<1x16xf32>,
        %parallel_loop3A_391 = vector.shape_cast %parallel_loop3A_390 : vector<1x16xf32> to vector<16xf32>
        %parallel_loop3A_392 = arith.index_cast %parallel_loop3A_336 : i32 to index
        %parallel_loop3A_393 = arith.constant 48 : index
        %parallel_loop3A_394 = tpu.vector_load %arg14[%parallel_loop3A_392, %parallel_loop3A_393] {strides = array<i32>} : memref<40x128xf32, #tpu.memory_space<vmem>>, vector<1x16xf32>,
        %parallel_loop3A_395 = vector.shape_cast %parallel_loop3A_394 : vector<1x16xf32> to vector<16xf32>
        %parallel_loop3A_396 = arith.addf %parallel_loop3A_391, %parallel_loop3A_395 : vector<16xf32>
        %parallel_loop3A_397 = arith.constant 0.000000e+00 : f32
        %parallel_loop3A_398 = vector.broadcast %parallel_loop3A_397 : f32 to vector<16xf32>
        %parallel_loop3A_399 = arith.maximumf %parallel_loop3A_396, %parallel_loop3A_398 : vector<16xf32>
        %parallel_loop3A_400 = arith.index_cast %parallel_loop3A_336 : i32 to index
        %parallel_loop3A_401 = arith.constant 48 : index
        %parallel_loop3A_402 = tpu.vector_load %arg16[%parallel_loop3A_400, %parallel_loop3A_401] {strides = array<i32>} : memref<40x128xf32, #tpu.memory_space<vmem>>, vector<1x16xf32>,
        %parallel_loop3A_403 = vector.shape_cast %parallel_loop3A_402 : vector<1x16xf32> to vector<16xf32>
        %parallel_loop3A_404 = vector.shape_cast %parallel_loop3A_399 : vector<16xf32> to vector<1x16xf32>
        tpu.vector_store %arg16[%parallel_loop3A_400, %parallel_loop3A_401], %parallel_loop3A_404 {strides = array<i32>} : memref<40x128xf32, #tpu.memory_space<vmem>>, vector<1x16xf32>,
        %parallel_loop3A_405 = arith.index_cast %parallel_loop3A_336 : i32 to index
        %parallel_loop3A_406 = arith.constant 64 : index
        %parallel_loop3A_407 = tpu.vector_load %arg12[%parallel_loop3A_405, %parallel_loop3A_406] {strides = array<i32>} : memref<40x128xf32, #tpu.memory_space<vmem>>, vector<1x16xf32>,
        %parallel_loop3A_408 = vector.shape_cast %parallel_loop3A_407 : vector<1x16xf32> to vector<16xf32>
        %parallel_loop3A_409 = arith.index_cast %parallel_loop3A_336 : i32 to index
        %parallel_loop3A_410 = arith.constant 64 : index
        %parallel_loop3A_411 = tpu.vector_load %arg14[%parallel_loop3A_409, %parallel_loop3A_410] {strides = array<i32>} : memref<40x128xf32, #tpu.memory_space<vmem>>, vector<1x16xf32>,
        %parallel_loop3A_412 = vector.shape_cast %parallel_loop3A_411 : vector<1x16xf32> to vector<16xf32>
        %parallel_loop3A_413 = arith.addf %parallel_loop3A_408, %parallel_loop3A_412 : vector<16xf32>
        %parallel_loop3A_414 = arith.constant 0.000000e+00 : f32
        %parallel_loop3A_415 = vector.broadcast %parallel_loop3A_414 : f32 to vector<16xf32>
        %parallel_loop3A_416 = arith.maximumf %parallel_loop3A_413, %parallel_loop3A_415 : vector<16xf32>
        %parallel_loop3A_417 = arith.index_cast %parallel_loop3A_336 : i32 to index
        %parallel_loop3A_418 = arith.constant 64 : index
        %parallel_loop3A_419 = tpu.vector_load %arg16[%parallel_loop3A_417, %parallel_loop3A_418] {strides = array<i32>} : memref<40x128xf32, #tpu.memory_space<vmem>>, vector<1x16xf32>,
        %parallel_loop3A_420 = vector.shape_cast %parallel_loop3A_419 : vector<1x16xf32> to vector<16xf32>
        %parallel_loop3A_421 = vector.shape_cast %parallel_loop3A_416 : vector<16xf32> to vector<1x16xf32>
        tpu.vector_store %arg16[%parallel_loop3A_417, %parallel_loop3A_418], %parallel_loop3A_421 {strides = array<i32>} : memref<40x128xf32, #tpu.memory_space<vmem>>, vector<1x16xf32>,
        %parallel_loop3A_422 = arith.index_cast %parallel_loop3A_336 : i32 to index
        %parallel_loop3A_423 = arith.constant 80 : index
        %parallel_loop3A_424 = tpu.vector_load %arg12[%parallel_loop3A_422, %parallel_loop3A_423] {strides = array<i32>} : memref<40x128xf32, #tpu.memory_space<vmem>>, vector<1x16xf32>,
        %parallel_loop3A_425 = vector.shape_cast %parallel_loop3A_424 : vector<1x16xf32> to vector<16xf32>
        %parallel_loop3A_426 = arith.index_cast %parallel_loop3A_336 : i32 to index
        %parallel_loop3A_427 = arith.constant 80 : index
        %parallel_loop3A_428 = tpu.vector_load %arg14[%parallel_loop3A_426, %parallel_loop3A_427] {strides = array<i32>} : memref<40x128xf32, #tpu.memory_space<vmem>>, vector<1x16xf32>,
        %parallel_loop3A_429 = vector.shape_cast %parallel_loop3A_428 : vector<1x16xf32> to vector<16xf32>
        %parallel_loop3A_430 = arith.addf %parallel_loop3A_425, %parallel_loop3A_429 : vector<16xf32>
        %parallel_loop3A_431 = arith.constant 0.000000e+00 : f32
        %parallel_loop3A_432 = vector.broadcast %parallel_loop3A_431 : f32 to vector<16xf32>
        %parallel_loop3A_433 = arith.maximumf %parallel_loop3A_430, %parallel_loop3A_432 : vector<16xf32>
        %parallel_loop3A_434 = arith.index_cast %parallel_loop3A_336 : i32 to index
        %parallel_loop3A_435 = arith.constant 80 : index
        %parallel_loop3A_436 = tpu.vector_load %arg16[%parallel_loop3A_434, %parallel_loop3A_435] {strides = array<i32>} : memref<40x128xf32, #tpu.memory_space<vmem>>, vector<1x16xf32>,
        %parallel_loop3A_437 = vector.shape_cast %parallel_loop3A_436 : vector<1x16xf32> to vector<16xf32>
        %parallel_loop3A_438 = vector.shape_cast %parallel_loop3A_433 : vector<16xf32> to vector<1x16xf32>
        tpu.vector_store %arg16[%parallel_loop3A_434, %parallel_loop3A_435], %parallel_loop3A_438 {strides = array<i32>} : memref<40x128xf32, #tpu.memory_space<vmem>>, vector<1x16xf32>,
        %parallel_loop3A_439 = arith.index_cast %parallel_loop3A_336 : i32 to index
        %parallel_loop3A_440 = arith.constant 96 : index
        %parallel_loop3A_441 = tpu.vector_load %arg12[%parallel_loop3A_439, %parallel_loop3A_440] {strides = array<i32>} : memref<40x128xf32, #tpu.memory_space<vmem>>, vector<1x16xf32>,
        %parallel_loop3A_442 = vector.shape_cast %parallel_loop3A_441 : vector<1x16xf32> to vector<16xf32>
        %parallel_loop3A_443 = arith.index_cast %parallel_loop3A_336 : i32 to index
        %parallel_loop3A_444 = arith.constant 96 : index
        %parallel_loop3A_445 = tpu.vector_load %arg14[%parallel_loop3A_443, %parallel_loop3A_444] {strides = array<i32>} : memref<40x128xf32, #tpu.memory_space<vmem>>, vector<1x16xf32>,
        %parallel_loop3A_446 = vector.shape_cast %parallel_loop3A_445 : vector<1x16xf32> to vector<16xf32>
        %parallel_loop3A_447 = arith.addf %parallel_loop3A_442, %parallel_loop3A_446 : vector<16xf32>
        %parallel_loop3A_448 = arith.constant 0.000000e+00 : f32
        %parallel_loop3A_449 = vector.broadcast %parallel_loop3A_448 : f32 to vector<16xf32>
        %parallel_loop3A_450 = arith.maximumf %parallel_loop3A_447, %parallel_loop3A_449 : vector<16xf32>
        %parallel_loop3A_451 = arith.index_cast %parallel_loop3A_336 : i32 to index
        %parallel_loop3A_452 = arith.constant 96 : index
        %parallel_loop3A_453 = tpu.vector_load %arg16[%parallel_loop3A_451, %parallel_loop3A_452] {strides = array<i32>} : memref<40x128xf32, #tpu.memory_space<vmem>>, vector<1x16xf32>,
        %parallel_loop3A_454 = vector.shape_cast %parallel_loop3A_453 : vector<1x16xf32> to vector<16xf32>
        %parallel_loop3A_455 = vector.shape_cast %parallel_loop3A_450 : vector<16xf32> to vector<1x16xf32>
        tpu.vector_store %arg16[%parallel_loop3A_451, %parallel_loop3A_452], %parallel_loop3A_455 {strides = array<i32>} : memref<40x128xf32, #tpu.memory_space<vmem>>, vector<1x16xf32>,
        %parallel_loop3A_456 = arith.index_cast %parallel_loop3A_336 : i32 to index
        %parallel_loop3A_457 = arith.constant 112 : index
        %parallel_loop3A_458 = tpu.vector_load %arg12[%parallel_loop3A_456, %parallel_loop3A_457] {strides = array<i32>} : memref<40x128xf32, #tpu.memory_space<vmem>>, vector<1x16xf32>,
        %parallel_loop3A_459 = vector.shape_cast %parallel_loop3A_458 : vector<1x16xf32> to vector<16xf32>
        %parallel_loop3A_460 = arith.index_cast %parallel_loop3A_336 : i32 to index
        %parallel_loop3A_461 = arith.constant 112 : index
        %parallel_loop3A_462 = tpu.vector_load %arg14[%parallel_loop3A_460, %parallel_loop3A_461] {strides = array<i32>} : memref<40x128xf32, #tpu.memory_space<vmem>>, vector<1x16xf32>,
        %parallel_loop3A_463 = vector.shape_cast %parallel_loop3A_462 : vector<1x16xf32> to vector<16xf32>
        %parallel_loop3A_464 = arith.addf %parallel_loop3A_459, %parallel_loop3A_463 : vector<16xf32>
        %parallel_loop3A_465 = arith.constant 0.000000e+00 : f32
        %parallel_loop3A_466 = vector.broadcast %parallel_loop3A_465 : f32 to vector<16xf32>
        %parallel_loop3A_467 = arith.maximumf %parallel_loop3A_464, %parallel_loop3A_466 : vector<16xf32>
        %parallel_loop3A_468 = arith.index_cast %parallel_loop3A_336 : i32 to index
        %parallel_loop3A_469 = arith.constant 112 : index
        %parallel_loop3A_470 = tpu.vector_load %arg16[%parallel_loop3A_468, %parallel_loop3A_469] {strides = array<i32>} : memref<40x128xf32, #tpu.memory_space<vmem>>, vector<1x16xf32>,
        %parallel_loop3A_471 = vector.shape_cast %parallel_loop3A_470 : vector<1x16xf32> to vector<16xf32>
        %parallel_loop3A_472 = vector.shape_cast %parallel_loop3A_467 : vector<16xf32> to vector<1x16xf32>
        tpu.vector_store %arg16[%parallel_loop3A_468, %parallel_loop3A_469], %parallel_loop3A_472 {strides = array<i32>} : memref<40x128xf32, #tpu.memory_space<vmem>>, vector<1x16xf32>,
      } {sc.loop_unroll_factor = 2 : i64, sc.parallel_access}
      %add3A_312 = arith.addi %mul3A_2, %add3A_277 : i32
      %mul3A_313 = arith.constant 40 : i32
      %mul3A_314 = arith.muli %add3A_312, %mul3A_313 : i32
      %dma_wait3A_315 = tpu.memref_slice %arg5[%mul3A_314] : memref<320000xi32, #tpu.memory_space<hbm>> -> memref<40xi32, #tpu.memory_space<hbm>>
      %dma_wait3A_316 = tpu.memref_slice %arg5[%mul3A_314] : memref<320000xi32, #tpu.memory_space<hbm>> -> memref<40xi32, #tpu.memory_space<hbm>>
      tpu.wait_dma2 semaphore(%arg21 : memref<!tpu.dma_semaphore, #tpu.memory_space<semaphore_mem>>) src(%dma_wait3A_316 : memref<40xi32, #tpu.memory_space<hbm>>) dst(%arg10 : memref<40xi32, #tpu.memory_space<vmem>>)
      %dma_start3A_317 = arith.constant 0 : i32
      %dma_start3A_318 = arith.constant 0 : i32
      %dma_start3A_319 = tpu.memref_slice %arg17[%dma_start3A_317, %dma_start3A_318] : memref<10240x128xf32, #tpu.memory_space<vmem_shared>> -> memref<10240x128xf32, #tpu.memory_space<vmem_shared>>
      tpu.enqueue_indirect_dma source(%arg16 : memref<40x128xf32, #tpu.memory_space<vmem>>) target(%dma_start3A_319 : memref<10240x128xf32, #tpu.memory_space<vmem_shared>>) offsets(%arg10 : memref<40xi32, #tpu.memory_space<vmem>>) semaphore(%arg27 : memref<!tpu.dma_semaphore, #tpu.memory_space<semaphore_mem>>) {add = true}
      %add3A_320 = arith.addi %mul3A_2, %min3A_285 : i32
      %mul3A_321 = arith.constant 40 : i32
      %mul3A_322 = arith.muli %add3A_320, %mul3A_321 : i32
      %dma_wait3A_323 = tpu.memref_slice %arg4[%mul3A_322] : memref<320000xi32, #tpu.memory_space<hbm>> -> memref<40xi32, #tpu.memory_space<hbm>>
      %dma_wait3A_324 = tpu.memref_slice %arg4[%mul3A_322] : memref<320000xi32, #tpu.memory_space<hbm>> -> memref<40xi32, #tpu.memory_space<hbm>>
      tpu.wait_dma2 semaphore(%arg19 : memref<!tpu.dma_semaphore, #tpu.memory_space<semaphore_mem>>) src(%dma_wait3A_324 : memref<40xi32, #tpu.memory_space<hbm>>) dst(%arg8 : memref<40xi32, #tpu.memory_space<vmem>>)
      %dma_start3A_325 = arith.constant 0 : i32
      %dma_start3A_326 = arith.constant 0 : i32
      %dma_start3A_327 = tpu.memref_slice %arg2[%dma_start3A_325, %dma_start3A_326] : memref<10000x128xf32, #tpu.memory_space<hbm>> -> memref<10000x128xf32, #tpu.memory_space<hbm>>
      tpu.enqueue_indirect_dma source(%dma_start3A_327 : memref<10000x128xf32, #tpu.memory_space<hbm>>) target(%arg12 : memref<40x128xf32, #tpu.memory_space<vmem>>) offsets(%arg8 : memref<40xi32, #tpu.memory_space<vmem>>) semaphore(%arg23 : memref<!tpu.dma_semaphore, #tpu.memory_space<semaphore_mem>>)
      %add3A_328 = arith.addi %mul3A_2, %min3A_285 : i32
      %mul3A_329 = arith.constant 40 : i32
      %mul3A_330 = arith.muli %add3A_328, %mul3A_329 : i32
      %dma_start3A_331 = arith.constant 0 : i32
      %dma_start3A_332 = tpu.memref_slice %arg3[%mul3A_330, %dma_start3A_331] : memref<320000x128xf32, #tpu.memory_space<hbm>> -> memref<40x128xf32, #tpu.memory_space<hbm>>
      %dma_start3A_333 = arith.constant 0 : i32
      %dma_start3A_334 = tpu.memref_slice %arg3[%mul3A_330, %dma_start3A_333] : memref<320000x128xf32, #tpu.memory_space<hbm>> -> memref<40x128xf32, #tpu.memory_space<hbm>>
      tpu.enqueue_dma source(%dma_start3A_334 : memref<40x128xf32, #tpu.memory_space<hbm>>) target(%arg14 : memref<40x128xf32, #tpu.memory_space<vmem>>) target_semaphore(%arg25 : memref<!tpu.dma_semaphore, #tpu.memory_space<semaphore_mem>>)
      %scan3A_335 = arith.constant 0 : i32
      scf.yield %scan3A_335 : i32
    }
    %scan3A_179 = arith.constant 124 : i32
    %dma_wait3A_180 = arith.constant 0 : i32
    %dma_wait3A_181 = arith.constant 0 : i32
    %dma_wait3A_182 = tpu.memref_slice %arg17[%dma_wait3A_180, %dma_wait3A_181] : memref<10240x128xf32, #tpu.memory_space<vmem_shared>> -> memref<10240x128xf32, #tpu.memory_space<vmem_shared>>
    tpu.wait_indirect_dma semaphore(%arg27 : memref<!tpu.dma_semaphore, #tpu.memory_space<semaphore_mem>>) src(%arg16 : memref<40x128xf32, #tpu.memory_space<vmem>>) dst(%dma_wait3A_182 : memref<10240x128xf32, #tpu.memory_space<vmem_shared>>)
    %dma_wait3A_183 = arith.constant 0 : i32
    %dma_wait3A_184 = arith.constant 0 : i32
    %dma_wait3A_185 = tpu.memref_slice %arg2[%dma_wait3A_183, %dma_wait3A_184] : memref<10000x128xf32, #tpu.memory_space<hbm>> -> memref<10000x128xf32, #tpu.memory_space<hbm>>
    tpu.wait_indirect_dma semaphore(%arg22 : memref<!tpu.dma_semaphore, #tpu.memory_space<semaphore_mem>>) src(%dma_wait3A_185 : memref<10000x128xf32, #tpu.memory_space<hbm>>) dst(%arg11 : memref<40x128xf32, #tpu.memory_space<vmem>>)
    %add3A_186 = arith.constant 249 : i32
    %add3A_187 = arith.addi %mul3A_2, %add3A_186 : i32
    %mul3A_188 = arith.constant 40 : i32
    %mul3A_189 = arith.muli %add3A_187, %mul3A_188 : i32
    %dma_wait3A_190 = arith.constant 0 : i32
    %dma_wait3A_191 = tpu.memref_slice %arg3[%mul3A_189, %dma_wait3A_190] : memref<320000x128xf32, #tpu.memory_space<hbm>> -> memref<40x128xf32, #tpu.memory_space<hbm>>
    %dma_wait3A_192 = arith.constant 0 : i32
    %dma_wait3A_193 = tpu.memref_slice %arg3[%mul3A_189, %dma_wait3A_192] : memref<320000x128xf32, #tpu.memory_space<hbm>> -> memref<40x128xf32, #tpu.memory_space<hbm>>
    tpu.wait_dma2 semaphore(%arg24 : memref<!tpu.dma_semaphore, #tpu.memory_space<semaphore_mem>>) src(%dma_wait3A_193 : memref<40x128xf32, #tpu.memory_space<hbm>>) dst(%arg13 : memref<40x128xf32, #tpu.memory_space<vmem>>)
    %dma_wait3A_194 = arith.constant 0 : i32
    %dma_wait3A_195 = arith.constant 0 : i32
    %dma_wait3A_196 = tpu.memref_slice %arg2[%dma_wait3A_194, %dma_wait3A_195] : memref<10000x128xf32, #tpu.memory_space<hbm>> -> memref<10000x128xf32, #tpu.memory_space<hbm>>
    tpu.wait_indirect_dma semaphore(%arg23 : memref<!tpu.dma_semaphore, #tpu.memory_space<semaphore_mem>>) src(%dma_wait3A_196 : memref<10000x128xf32, #tpu.memory_space<hbm>>) dst(%arg12 : memref<40x128xf32, #tpu.memory_space<vmem>>)
    %add3A_197 = arith.constant 249 : i32
    %add3A_198 = arith.addi %mul3A_2, %add3A_197 : i32
    %mul3A_199 = arith.constant 40 : i32
    %mul3A_200 = arith.muli %add3A_198, %mul3A_199 : i32
    %dma_wait3A_201 = arith.constant 0 : i32
    %dma_wait3A_202 = tpu.memref_slice %arg3[%mul3A_200, %dma_wait3A_201] : memref<320000x128xf32, #tpu.memory_space<hbm>> -> memref<40x128xf32, #tpu.memory_space<hbm>>
    %dma_wait3A_203 = arith.constant 0 : i32
    %dma_wait3A_204 = tpu.memref_slice %arg3[%mul3A_200, %dma_wait3A_203] : memref<320000x128xf32, #tpu.memory_space<hbm>> -> memref<40x128xf32, #tpu.memory_space<hbm>>
    tpu.wait_dma2 semaphore(%arg25 : memref<!tpu.dma_semaphore, #tpu.memory_space<semaphore_mem>>) src(%dma_wait3A_204 : memref<40x128xf32, #tpu.memory_space<hbm>>) dst(%arg14 : memref<40x128xf32, #tpu.memory_space<vmem>>)
    %add3A_205 = arith.constant 249 : i32
    %add3A_206 = arith.addi %mul3A_2, %add3A_205 : i32
    %mul3A_207 = arith.constant 40 : i32
    %mul3A_208 = arith.muli %add3A_206, %mul3A_207 : i32
    %dma_wait3A_209 = tpu.memref_slice %arg5[%mul3A_208] : memref<320000xi32, #tpu.memory_space<hbm>> -> memref<40xi32, #tpu.memory_space<hbm>>
    %dma_wait3A_210 = tpu.memref_slice %arg5[%mul3A_208] : memref<320000xi32, #tpu.memory_space<hbm>> -> memref<40xi32, #tpu.memory_space<hbm>>
    tpu.wait_dma2 semaphore(%arg20 : memref<!tpu.dma_semaphore, #tpu.memory_space<semaphore_mem>>) src(%dma_wait3A_210 : memref<40xi32, #tpu.memory_space<hbm>>) dst(%arg9 : memref<40xi32, #tpu.memory_space<vmem>>)
    %barrier3A_211 = arith.constant 0 : index
    tpu.barrier barrier_id(%barrier3A_211)
    %mul3A_212 = arith.constant 640 : i32
    %mul3A_213 = arith.muli %arg1, %mul3A_212 : i32
    %mul3A_214 = arith.constant 640 : i32
    %mul3A_215 = arith.muli %arg1, %mul3A_214 : i32
    "tpu.region"() ({
      %run_scoped3A = tpu.sem_alloc : memref<!tpu.dma_semaphore, #tpu.memory_space<semaphore_mem>>
      %dma_start3A_216 = arith.constant 0 : i32
      %dma_start3A_217 = tpu.memref_slice %arg6[%arg0, %mul3A_215, %dma_start3A_216] : memref<2x10240x128xf32, #tpu.memory_space<hbm>> -> memref<1x640x128xf32, #tpu.memory_space<hbm>>
      %dma_start3A_218 = tpu.memref_squeeze %dma_start3A_217 : memref<1x640x128xf32, #tpu.memory_space<hbm>> -> memref<640x128xf32, #tpu.memory_space<hbm>>
      %dma_start3A_219 = arith.constant 0 : i32
      %dma_start3A_220 = tpu.memref_slice %arg17[%mul3A_213, %dma_start3A_219] : memref<10240x128xf32, #tpu.memory_space<vmem_shared>> -> memref<640x128xf32, #tpu.memory_space<vmem_shared>>
      tpu.enqueue_dma source(%dma_start3A_220 : memref<640x128xf32, #tpu.memory_space<vmem_shared>>) target(%dma_start3A_218 : memref<640x128xf32, #tpu.memory_space<hbm>>) target_semaphore(%run_scoped3A : memref<!tpu.dma_semaphore, #tpu.memory_space<semaphore_mem>>)
      %dma_wait3A_221 = arith.constant 0 : i32
      %dma_wait3A_222 = tpu.memref_slice %arg6[%arg0, %mul3A_215, %dma_wait3A_221] : memref<2x10240x128xf32, #tpu.memory_space<hbm>> -> memref<1x640x128xf32, #tpu.memory_space<hbm>>
      %dma_wait3A_223 = tpu.memref_squeeze %dma_wait3A_222 : memref<1x640x128xf32, #tpu.memory_space<hbm>> -> memref<640x128xf32, #tpu.memory_space<hbm>>
      %dma_wait3A_224 = arith.constant 0 : i32
      %dma_wait3A_225 = tpu.memref_slice %arg17[%mul3A_213, %dma_wait3A_224] : memref<10240x128xf32, #tpu.memory_space<vmem_shared>> -> memref<640x128xf32, #tpu.memory_space<vmem_shared>>
      tpu.wait_dma2 semaphore(%run_scoped3A : memref<!tpu.dma_semaphore, #tpu.memory_space<semaphore_mem>>) src(%dma_wait3A_225 : memref<640x128xf32, #tpu.memory_space<vmem_shared>>) dst(%dma_wait3A_223 : memref<640x128xf32, #tpu.memory_space<hbm>>)
      tpu.yield
    }) : () -> ()
    return
  }
}

module attributes {stable_mosaic.version = 14 : i64} {
  func.func @_xew_body(%arg0: i32, %arg1: memref<4000x16xf32, #tpu.memory_space<vmem>>, %arg2: memref<16x128xf32, #tpu.memory_space<vmem>>, %arg3: memref<4000x128xf32, #tpu.memory_space<vmem>>) attributes {dimension_semantics = [#tpu.dimension_semantics<arbitrary>], iteration_bounds = array<i64: 80>, scalar_prefetch = 0 : i64, scratch_operands = 0 : i64, tpu.core_type = #tpu.core_type<tc>, window_params = [{transform_indices = @transform_0, window_bounds = array<i64: 4000, 16>}, {pipeline_mode = #tpu.pipeline_mode<synchronous>, transform_indices = @transform_1, window_bounds = array<i64: 16, 128>}, {transform_indices = @transform_2, window_bounds = array<i64: 4000, 128>}]} {
    %get3A = arith.constant 0 : index
    %get3A_0 = arith.constant 0 : index
    %get3A_1 = vector.load %arg1[%get3A, %get3A_0] : memref<4000x16xf32, #tpu.memory_space<vmem>>, vector<4000x16xf32>
    %get3A_2 = arith.constant 0 : index
    %get3A_3 = arith.constant 0 : index
    %get3A_4 = vector.load %arg2[%get3A_2, %get3A_3] : memref<16x128xf32, #tpu.memory_space<vmem>>, vector<16x128xf32>
    %dot_general3A = arith.constant dense<0.000000e+00> : vector<4000x128xf32>
    %dot_general3A_5 = tpu.matmul %get3A_1, %get3A_4, %dot_general3A {dimension_numbers = #tpu.dot_dimension_numbers<[1], [0], [0], [1], [0, 0, 1, 1], [], []>, transpose_lhs_hint = false} : vector<4000x16xf32>, vector<16x128xf32>, vector<4000x128xf32> -> vector<4000x128xf32>
    %swap3A = arith.constant 0 : index
    %swap3A_6 = arith.constant 0 : index
    %swap3A_7 = vector.load %arg3[%swap3A, %swap3A_6] : memref<4000x128xf32, #tpu.memory_space<vmem>>, vector<4000x128xf32>
    tpu.vector_store %arg3[%swap3A, %swap3A_6], %dot_general3A_5 {strides = array<i32>} : memref<4000x128xf32, #tpu.memory_space<vmem>>, vector<4000x128xf32>,
    return
  }
  func.func @transform_0(%arg0: i32) -> (i32, i32) {
    %c0_i32 = arith.constant 0 : i32
    %c0_i32_0 = arith.constant 0 : i32
    return %arg0, %c0_i32 : i32, i32
  }
  func.func @transform_1(%arg0: i32) -> (i32, i32) {
    %c0_i32 = arith.constant 0 : i32
    %c0_i32_0 = arith.constant 0 : i32
    %c0_i32_1 = arith.constant 0 : i32
    return %c0_i32, %c0_i32_0 : i32, i32
  }
  func.func @transform_2(%arg0: i32) -> (i32, i32) {
    %c0_i32 = arith.constant 0 : i32
    %c0_i32_0 = arith.constant 0 : i32
    return %arg0, %c0_i32 : i32, i32
  }
}

module attributes {stable_mosaic.version = 14 : i64} {
  func.func @_hw_body(%arg0: memref<10000x128xf32, #tpu.memory_space<vmem>>, %arg1: memref<128x128xf32, #tpu.memory_space<vmem>>, %arg2: memref<1x128xf32, #tpu.memory_space<vmem>>, %arg3: memref<10000x128xf32, #tpu.memory_space<vmem>>) attributes {dimension_semantics = [], scalar_prefetch = 0 : i64, scratch_operands = 0 : i64, tpu.core_type = #tpu.core_type<tc>} {
    %get3A = arith.constant 0 : index
    %get3A_0 = arith.constant 0 : index
    %get3A_1 = vector.load %arg0[%get3A, %get3A_0] : memref<10000x128xf32, #tpu.memory_space<vmem>>, vector<10000x128xf32>
    %get3A_2 = arith.constant 0 : index
    %get3A_3 = arith.constant 0 : index
    %get3A_4 = vector.load %arg1[%get3A_2, %get3A_3] : memref<128x128xf32, #tpu.memory_space<vmem>>, vector<128x128xf32>
    %dot_general3A = arith.constant dense<0.000000e+00> : vector<10000x128xf32>
    %dot_general3A_5 = tpu.matmul %get3A_1, %get3A_4, %dot_general3A {dimension_numbers = #tpu.dot_dimension_numbers<[1], [0], [0], [1], [0, 0, 1, 1], [], []>, transpose_lhs_hint = false} : vector<10000x128xf32>, vector<128x128xf32>, vector<10000x128xf32> -> vector<10000x128xf32>
    %get3A_6 = arith.constant 0 : index
    %get3A_7 = arith.constant 0 : index
    %get3A_8 = vector.load %arg2[%get3A_6, %get3A_7] : memref<1x128xf32, #tpu.memory_space<vmem>>, vector<1x128xf32>
    %add3A = vector.broadcast %get3A_8 : vector<1x128xf32> to vector<10000x128xf32>
    %add3A_9 = arith.addf %dot_general3A_5, %add3A : vector<10000x128xf32>
    %swap3A = arith.constant 0 : index
    %swap3A_10 = arith.constant 0 : index
    %swap3A_11 = vector.load %arg3[%swap3A, %swap3A_10] : memref<10000x128xf32, #tpu.memory_space<vmem>>, vector<10000x128xf32>
    tpu.vector_store %arg3[%swap3A, %swap3A_10], %add3A_9 {strides = array<i32>} : memref<10000x128xf32, #tpu.memory_space<vmem>>, vector<10000x128xf32>,
    return
  }
}

module attributes {stable_mosaic.version = 14 : i64} {
  func.func @_upd_body(%arg0: memref<10000x128xf32, #tpu.memory_space<vmem>>, %arg1: memref<10000x128xf32, #tpu.memory_space<vmem>>, %arg2: memref<10000x128xf32, #tpu.memory_space<vmem>>, %arg3: memref<128x128xf32, #tpu.memory_space<vmem>>, %arg4: memref<128x128xf32, #tpu.memory_space<vmem>>, %arg5: memref<1x128xf32, #tpu.memory_space<vmem>>, %arg6: memref<10000x128xf32, #tpu.memory_space<vmem>>) attributes {dimension_semantics = [], scalar_prefetch = 0 : i64, scratch_operands = 0 : i64, tpu.core_type = #tpu.core_type<tc>} {
    %get3A = arith.constant 0 : index
    %get3A_0 = arith.constant 0 : index
    %get3A_1 = vector.load %arg0[%get3A, %get3A_0] : memref<10000x128xf32, #tpu.memory_space<vmem>>, vector<10000x128xf32>
    %get3A_2 = arith.constant 0 : index
    %get3A_3 = arith.constant 0 : index
    %get3A_4 = vector.load %arg3[%get3A_2, %get3A_3] : memref<128x128xf32, #tpu.memory_space<vmem>>, vector<128x128xf32>
    %dot_general3A = arith.constant dense<0.000000e+00> : vector<10000x128xf32>
    %dot_general3A_5 = tpu.matmul %get3A_1, %get3A_4, %dot_general3A {dimension_numbers = #tpu.dot_dimension_numbers<[1], [0], [0], [1], [0, 0, 1, 1], [], []>, transpose_lhs_hint = false} : vector<10000x128xf32>, vector<128x128xf32>, vector<10000x128xf32> -> vector<10000x128xf32>
    %get3A_6 = arith.constant 0 : index
    %get3A_7 = arith.constant 0 : index
    %get3A_8 = vector.load %arg1[%get3A_6, %get3A_7] : memref<10000x128xf32, #tpu.memory_space<vmem>>, vector<10000x128xf32>
    %get3A_9 = arith.constant 0 : index
    %get3A_10 = arith.constant 0 : index
    %get3A_11 = vector.load %arg2[%get3A_9, %get3A_10] : memref<10000x128xf32, #tpu.memory_space<vmem>>, vector<10000x128xf32>
    %add3A = arith.addf %get3A_8, %get3A_11 : vector<10000x128xf32>
    %get3A_12 = arith.constant 0 : index
    %get3A_13 = arith.constant 0 : index
    %get3A_14 = vector.load %arg4[%get3A_12, %get3A_13] : memref<128x128xf32, #tpu.memory_space<vmem>>, vector<128x128xf32>
    %dot_general3A_15 = arith.constant dense<0.000000e+00> : vector<10000x128xf32>
    %dot_general3A_16 = tpu.matmul %add3A, %get3A_14, %dot_general3A_15 {dimension_numbers = #tpu.dot_dimension_numbers<[1], [0], [0], [1], [0, 0, 1, 1], [], []>, transpose_lhs_hint = false} : vector<10000x128xf32>, vector<128x128xf32>, vector<10000x128xf32> -> vector<10000x128xf32>
    %add3A_17 = arith.addf %dot_general3A_5, %dot_general3A_16 : vector<10000x128xf32>
    %get3A_18 = arith.constant 0 : index
    %get3A_19 = arith.constant 0 : index
    %get3A_20 = vector.load %arg5[%get3A_18, %get3A_19] : memref<1x128xf32, #tpu.memory_space<vmem>>, vector<1x128xf32>
    %add3A_21 = vector.broadcast %get3A_20 : vector<1x128xf32> to vector<10000x128xf32>
    %add3A_22 = arith.addf %add3A_17, %add3A_21 : vector<10000x128xf32>
    %max3A = arith.constant 0.000000e+00 : f32
    %max3A_23 = vector.broadcast %max3A : f32 to vector<10000x128xf32>
    %max3A_24 = arith.maximumf %add3A_22, %max3A_23 : vector<10000x128xf32>
    %swap3A = arith.constant 0 : index
    %swap3A_25 = arith.constant 0 : index
    %swap3A_26 = vector.load %arg6[%swap3A, %swap3A_25] : memref<10000x128xf32, #tpu.memory_space<vmem>>, vector<10000x128xf32>
    tpu.vector_store %arg6[%swap3A, %swap3A_25], %max3A_24 {strides = array<i32>} : memref<10000x128xf32, #tpu.memory_space<vmem>>, vector<10000x128xf32>,
    return
  }
}

</mosaic_0001>

<sc_bundles>
// kernel: kernel.6.cloned.1.call-start
scs
__scs_entry_jumppad:
0x0: {  	(pc) =	sbr.rel $0x88, $3  }
0x1: {  	(tag) =	ssettag $0x0;
	lr =	simm.s32 $0x1  }
0x2: {  	[smem:$0x3F9A] =	sst lr;
	_ =	strace $0xD0000000  }
0x3: {  	_ = 	snop  }
0x4: {  	_ = 	snop  }
0x5: {  	_ = 	snop  }
0x6: {  	_ = 	snop  }
0x7: {  	_ = 	snop  }
__scs_overlays_trampoline_lowered:
0x8: {  	[smem:$0x3FA9] =	sst s0  }
0x9: {  	[smem:$0x3FAA] =	sst s1  }
0xa: {  	[smem:$0x3FAB] =	sst s2  }
0xb: {  	[smem:$0x3FAC] =	sst s3  }
0xc: {  	[smem:$0x3FAD] =	sst s4  }
0xd: {  	[smem:$0x3FAE] =	sst s5  }
0xe: {  	[smem:$0x3FAF] =	sst s6  }
0xf: {  	[smem:$0x3FB0] =	sst s7  }
0x10: {  	[smem:$0x3FB1] =	sst s8  }
0x11: {  	[smem:$0x3FB2] =	sst s9;
	s0 =	simm.s32 @!p0 $0x0  }
0x12: {  	s1 =	sld [smem:$0x3F98];
	s0 =	simm.s32 @p0 $0x1  }
0x13: {  	[smem:$0x3FB3] =	sst s0;
	s0 =	simm.s32 @!p1 $0x0  }
0x14: {  	s2 =	sld [smem:$0x3F97];
	s0 =	simm.s32 @p1 $0x1  }
0x15: {  	[smem:$0x3FB4] =	sst s0;
	s0 =	simm.s32 @!p2 $0x0  }
0x16: {  	s3 =	sld [smem:$0x3FDB];
	s0 =	simm.s32 @p2 $0x1  }
0x17: {  	s4 =	simm.s32 $0x1BF5;
	[smem:$0x3FB6] =	sst s0  }
0x18: {  	s0 =	sld [smem:$0x3F99];
	_ =	swait.ge [sflag:s4], $0x0  }
0x19: {  	s7 =	sld [smem:$0x3F9A]  }
0x1a: {  	s8 =	sadd.s32 $0xFFFFE003, lr  }
0x1b: {  	s9 =	sadd.s32 $0xFFFFFEF7, lr;
	s5 =	simm.s32 $0xFFFFFFFF;
	p2 =	slt.u32 s8, $0xFFFFF086  }
0x1c: {  	p1 =	slt.u32 s9, $0xF7A;
	s5 =	simm.s32 @!p2 $0x0  }
0x1d: {  	s5 =	simm.s32 @p1 $0x1;
	p0 =	seq.s32 s7, s2  }
0x1e: {  	s7 =	smul.u32 @!p0 $0xF7A, s2;
	p2 =	seq.s32 @!p0 s5, $0x0  }
0x1f: {  	s9 =	smul.u32 $0xF7A, s1;
	s8 =	simm.s32 @!p0 $0x1BF5;
	p2 =	por !p2, p0  }
0x20: {  	[sflag:s8] =	ssyncset.s32 @!p0 $0xFFFFF086;
	s6 =	sadd.s32 @!p0 s3, s7;
	s7 =	simm.s32 @!p0 $0x108  }
0x21: {  	s3 =	sadd.s32 s3, s9;
	s6 =	sadd.s32 @!p0 $0x88, s6;
	s7 =	simm.s32 @p2 $0x1082  }
0x22: {  	[simem:s7], [sflag:s8] =	dma.local @!p0 [hbm:s6], $0xF7A  }
0x23: {  	s9 =	sor.u32 $0xD0000000, s2;
	s6 =	simm.s32 $0x108;
	_ =	swait.ge @!p0 [sflag:s8], $0x0  }
0x24: {  	s3 =	sadd.s32 $0x88, s3;
	s6 =	simm.s32 @!p1 $0x1082;
	[sflag:s4] =	ssyncset.s32 $0xFFFFF086  }
0x25: {  	[simem:s6], [sflag:s4] =	dma.local [hbm:s3], $0xF7A  }
0x26: {  	[smem:$0x3F9A] =	sst s1;
	(tag) =	ssettag s2;
	_ =	strace s9  }
0x27: {  	s1 =	sld [smem:$0x3FAA]  }
0x28: {  	s2 =	sld [smem:$0x3FAB]  }
0x29: {  	s4 =	sld [smem:$0x3FAD]  }
0x2a: {  	p0 =	seq.s32 s5, $0x0;
	s5 =	sld [smem:$0x3FAE]  }
0x2b: {  	s6 =	sld [smem:$0x3FAF]  }
0x2c: {  	s7 =	sld [smem:$0x3FB0]  }
0x2d: {  	s3 =	simm.s32 $0x108;
	s8 =	sld [smem:$0x3FB1]  }
0x2e: {  	s3 =	simm.s32 @!p0 $0x1082;
	s9 =	sld [smem:$0x3FB2]  }
0x2f: {  	lr =	sadd.s32 s0, s3;
	s0 =	sld [smem:$0x3FA9]  }
0x30: {  	s3 =	sld [smem:$0x3FAC]  }
0x31: {  	[smem:$0x3FB5] =	sst s10  }
0x32: {  	s10 =	sld [smem:$0x3FB3];
	_ =	sdelay $0x3  }
0x33: {  	p0 =	seq.s32 s10, $0x1;
	s10 =	sld [smem:$0x3FB5];
	_ =	sdelay $0x3  }
0x34: {  	[smem:$0x3FB5] =	sst s10  }
0x35: {  	s10 =	sld [smem:$0x3FB4];
	_ =	sdelay $0x3  }
0x36: {  	p1 =	seq.s32 s10, $0x1;
	s10 =	sld [smem:$0x3FB5];
	_ =	sdelay $0x3  }
0x37: {  	[smem:$0x3FB5] =	sst s10  }
0x38: {  	s10 =	sld [smem:$0x3FB6]  }
0x39: {  	_ = 	snop;
	(pc) =	sbr.ind lr, $3  }
0x3a: {  	_ = 	snop  }
0x3b: {  	_ = 	snop  }
0x3c: {  	p2 =	seq.s32 s10, $0x1;
	s10 =	sld [smem:$0x3FB5]  }
0x3d: {  	_ =	shalt  }
0x3e: {  	_ =	shalt  }
0x3f: {  	_ =	shalt  }
0x40: {  	_ =	shalt  }
0x41: {  	_ =	shalt  }
0x42: {  	_ =	shalt  }
0x43: {  	_ =	shalt  }
0x44: {  	_ =	shalt  }
0x45: {  	_ =	shalt  }
0x46: {  	_ =	shalt  }
0x47: {  	_ =	shalt  }
0x48: {  	_ =	shalt  }
0x49: {  	_ =	shalt  }
0x4a: {  	_ =	shalt  }
0x4b: {  	_ =	shalt  }
0x4c: {  	_ =	shalt  }
0x4d: {  	_ =	shalt  }
0x4e: {  	_ =	shalt  }
0x4f: {  	_ =	shalt  }
0x50: {  	_ =	shalt  }
0x51: {  	_ =	shalt  }
0x52: {  	_ =	shalt  }
0x53: {  	_ =	shalt  }
0x54: {  	_ =	shalt  }
0x55: {  	_ =	shalt  }
0x56: {  	_ =	shalt  }
0x57: {  	_ =	shalt  }
0x58: {  	_ =	shalt  }
0x59: {  	_ =	shalt  }
0x5a: {  	_ =	shalt  }
0x5b: {  	_ =	shalt  }
0x5c: {  	_ =	shalt  }
0x5d: {  	_ =	shalt  }
0x5e: {  	_ =	shalt  }
0x5f: {  	_ =	shalt  }
0x60: {  	_ =	shalt  }
0x61: {  	_ =	shalt  }
0x62: {  	_ =	shalt  }
0x63: {  	_ =	shalt  }
0x64: {  	_ =	shalt  }
0x65: {  	_ =	shalt  }
0x66: {  	_ =	shalt  }
0x67: {  	_ =	shalt  }
0x68: {  	_ =	shalt  }
0x69: {  	_ =	shalt  }
0x6a: {  	_ =	shalt  }
0x6b: {  	_ =	shalt  }
0x6c: {  	_ =	shalt  }
0x6d: {  	_ =	shalt  }
0x6e: {  	_ =	shalt  }
0x6f: {  	_ =	shalt  }
0x70: {  	_ =	shalt  }
0x71: {  	_ =	shalt  }
0x72: {  	_ =	shalt  }
0x73: {  	_ =	shalt  }
0x74: {  	_ =	shalt  }
0x75: {  	_ =	shalt  }
0x76: {  	_ =	shalt  }
0x77: {  	_ =	shalt  }
0x78: {  	_ =	shalt  }
0x79: {  	_ =	shalt  }
0x7a: {  	_ =	shalt  }
0x7b: {  	_ =	shalt  }
0x7c: {  	_ =	shalt  }
0x7d: {  	_ =	shalt  }
0x7e: {  	_ =	shalt  }
0x7f: {  	_ =	shalt  }
0x80: {  	_ =	shalt  }
0x81: {  	_ =	shalt  }
0x82: {  	_ =	shalt  }
0x83: {  	_ =	shalt  }
0x84: {  	_ =	shalt  }
0x85: {  	_ =	shalt  }
0x86: {  	_ =	shalt  }
0x87: {  	_ =	shalt  }
.Lfunc_end0:
.L_simem_size_0:
called_computation_lowered:
.L_overlay_start_0:
0x88: {  	s2 =	sld [smem:$0x3FD9]  }
0x89: {  	s3 =	sld [smem:$0x3FFE];
	_ =	sdelay $0x1  }
0x8a: {  	s1 =	srdreg.scid  }
0x8b: {  	s0 =	sand.u32 $0x1, s1  }
0x8c: {  	s17 =	sshll.u32 s0, $0xA;
	s2 =	sadd.s32 s3, s2  }
0x8d: {  	s2 =	sadd.s32 s2, s17  }
0x8e: {  	[smem:$0x3FC1] =	sst s2  }
0x8f: {  	_ = 	snop  }
0x90: {  	s2 =	sld [smem:$0x3FD0];
	(tm) =	ssettm $0x1  }
0x91: {  	s18 =	sld [smem:$0x3FFB];
	_ =	sdelay $0x3  }
0x92: {  	_ =	strace s18  }
0x93: {  	s3 =	sld [smem:$0x3FFC];
	_ =	sdelay $0x3  }
0x94: {  	_ =	strace s3  }
0x95: {  	s3 =	sld [smem:$0x3FFD];
	_ =	sdelay $0x3  }
0x96: {  	_ =	strace s3  }
0x97: {  	_ =	strace $0x8FFFFFFF  }
0x98: {  	s19 =	sld [smem:$0x3FDB];
	_ =	sdelay $0x1  }
0x99: {  	s4 =	simm.s32 $_scs_section_size  }
0x9a: {  	s5 =	simm.s32 $_size__tile_overlayer_lowered;
	s6 =	simm.s32 $_tile_overlayer_lowered  }
0x9b: {  	s22 =	simm.s32 $0x1BFF;
	s21 =	sshll.u32 s6, $0x1;
	s3 =	sadd.s32 s4, s19  }
0x9c: {  	s7 =	simm.s32 $0x0;
	s20 =	sshll.u32 s5, $0x1;
	s5 =	sadd.s32 s21, s3  }
0x9d: {  	[timem:s7], [sflag:s22] =	dma.local [hbm:s5], s20  }
0x9e: {  	_ =	swait.ge [sflag:s22], s20  }
0x9f: {  	s4 =	ssub.s32 $0x0, s20;
	[sflag:s22] =	ssyncset.done $0x0  }
0xa0: {  	[sflag:s22] =	ssyncadd.s32 s4;
	_ =	sdelay $0x1  }
0xa1: {  	s23 =	simm.s32 $0x1B8B  }
0xa2: {  	_ =	swait.ge [sflag:s23], $0x1  }
0xa3: {  	[sflag:s23] =	ssyncset.done $0x0  }
0xa4: {  	s25 =	simm.s32 $0x1B8E;
	s24 =	sld [smem:$0x3FFE];
	[sflag:s23] =	ssyncadd.s32 $0xFFFFFFFF  }
0xa5: {  	s26 =	simm.s32 $execute0_lowered;
	[smem:$0x3FD2] =	sst s25  }
0xa6: {  	s5 =	sshll.u32 s26, $0x1;
	_ =	strace $0x80000046;
	[dreg:$0x1] =	wrdreg $0xFFFFFFFF  }
0xa7: {  	s28 =	simm.s32 $_size_execute0_lowered;
	s3 =	sadd.s32 s3, s5;
	[dreg:$0x0] =	wrdreg $0x0  }
0xa8: {  	s5 =	sshll.u32 s28, $0x1;
	[dreg:$0x2] =	wrdreg s3  }
0xa9: {  	[dreg:$0x3] =	wrdreg s5  }
0xaa: {  	[dreg:$0x4] =	wrdreg $0xC0  }
0xab: {  	_ =	task [dreg:s7], $0x5FFFF  }
0xac: {  	[dreg:$0x1] =	wrdreg $0xFFFFFFFF  }
0xad: {  	[dreg:$0x0] =	wrdreg $0x60  }
0xae: {  	[dreg:$0x2] =	wrdreg s2  }
0xaf: {  	[dreg:$0x3] =	wrdreg s24  }
0xb0: {  	[dreg:$0x4] =	wrdreg $0x7A000  }
0xb1: {  	[dreg:$0x5] =	wrdreg $0x9  }
0xb2: {  	_ =	task.clear_ibuf [dreg:s7], $0x6FFFF;
	_ =	strace $0x90000046  }
0xb3: {  	s29 =	simm.s32 $0x9;
	_ =	strace $0x80000048  }
0xb4: {  	_ =	swait.ge [sflag:s29], $0x1  }
0xb5: {  	[sflag:s29] =	ssyncadd.s32 $0xFFFFFFFF  }
0xb6: {  	_ =	strace $0x90000048  }
0xb7: {  	_ =	sfence  }
0xb8: {  	s30 =	sld [smem:$0x0];
	_ =	sdelay $0x2  }
0xb9: {  	s31 =	sshll.u32 s1, $0xD;
	s1 =	sshrl.u32 s1, $0x2  }
0xba: {  	s3 =	sand.u32 $0x4000, s31;
	s1 =	sadd.s32 s1, s30  }
0xbb: {  	s0 =	sor.u32 s3, s0;
	s1 =	sshll.u32 s1, $0x11  }
0xbc: {  	s0 =	sor.u32 s1, s0  }
0xbd: {  	s0 =	sadd.s32 $0x8F2B, s0  }
0xbe: {  	[sflag:s0] =	ssyncadd.remote.s32 $0x1  }
0xbf: {  	_ =	sfence.sel $0xFFFF  }
0xc0: {  	[dreg:$0x0] =	wrdreg $0xFFFFFFFF;
	(pc) =	sbr.abs _section_cstart, $3  }
0xc1: {  	[dreg:$0x1] =	wrdreg $0xFFFFFFFF  }
0xc2: {  	_ =	task.clear_ibuf [dreg:s7], $0x2FFFF;
	_ =	strace $0x9FFFFFFF  }
0xc3: {  	(tm) =	ssettm $0x7FFFFFFF  }
tec
execute0_lowered:
.L_overlay_start_1:
0x0: {  	(tag) =	ssettag $0x1  }
0x1: {  	s30 =	rddreg [dreg:$0x0]  }
0x2: {  	s0 =	rddreg [dreg:$0x1]  }
0x3: {  	s31 =	rddreg [dreg:$0x2];
	s12 =	stileid.u32  }
0x4: {  	s1 =	srdreg.scid;
	s4 =	smul.u32 $0x14000, s12  }
0x5: {  	s1 =	sand.u32 $0x1, s1;
	s8 =	sshll.u32 s12, $0x1;
	s24 =	smul.u32 $0x50000, s12  }
0x6: {  	s3 =	simm.s32 $0x0;
	s2 =	smul.u32 $0x140000, s1;
	s8 =	sor.u32 s1, s8  }
0x7: {  	[smem:$0x7FF] =	sst s3;
	s5 =	sadd.s32 $0x4F7400, s0;
	s13 =	smul.u32 $0x2710, s8  }
0x8: {  	s6 =	sadd.s32 $0xB600, s0;
	s7 =	sadd.s32 $0x1800, s0;
	s10 =	smul.u32 $0x4E2, s8  }
0x9: {  	_ =	strace $0x80000047;
	s1 =	ssub.s32 $0x2, s1;
	s15 =	smul.u32 $0xFA, s8  }
0xa: {  	s9 =	sshrl.u32 s1, $0x1;
	s8 =	smul.u32 $0x27100, s8;
	s28 =	sshrl.u32 s24, $0x2  }
0xb: {  	s2 =	sadd.s32 s4, s2;
	s1 =	ssub.s32 s1, s9;
	s11 =	sadd.s32 s6, s10  }
0xc: {  	s2 =	sshrl.u32 s2, $0x3;
	s10 =	sadd.s32 s7, s10;
	[dreg:$0x4] =	wrdreg s11  }
0xd: {  	s14 =	sadd.s32 $0x28, s13;
	s8 =	sadd.s32 s5, s8;
	[dreg:$0x5] =	wrdreg s10  }
0xe: {  	s19 =	sadd.s32 $0x50, s13;
	s26 =	sadd.s32 $0x2, s15;
	[dreg:$0x8] =	wrdreg s8  }
0xf: {  	s4 =	sadd.s32 $0x78, s13;
	s13 =	sadd.s32 s28, s31;
	[dreg:$0xf] =	wrdreg s26  }
0x10: {  	s0 =	sadd.s32 s2, s0;
	s10 =	sadd.s32 $0x3, s15;
	[dreg:$0x12] =	wrdreg s13  }
0x11: {  	s16 =	sshrl.u32 s14, $0x3;
	s11 =	smax.u32 s1, $0x1;
	[dreg:$0x11] =	wrdreg s10  }
0x12: {  	s2 =	sshll.u32 s14, $0x4;
	s12 =	sadd.s32 $0x1400, s13;
	[dreg:$0x14] =	wrdreg s11  }
0x13: {  	s20 =	sshrl.u32 s19, $0x3;
	s14 =	sadd.s32 $0x2800, s13;
	[dreg:$0x15] =	wrdreg s12  }
0x14: {  	s22 =	sshll.u32 s19, $0x4;
	s19 =	sadd.s32 $0x8C00, s13;
	[dreg:$0x16] =	wrdreg s14  }
0x15: {  	s24 =	sadd.s32 $0xF000, s13;
	[dreg:$0x1b] =	wrdreg s19  }
0x16: {  	s26 =	sadd.s32 $0x11800, s13;
	[smem:$0x7FA] =	sst s24  }
0x17: {  	s28 =	sadd.s32 $0x12C00, s13;
	[smem:$0x7FC] =	sst s26  }
0x18: {  	s17 =	sadd.s32 s6, s16;
	[smem:$0x7FD] =	sst s28  }
0x19: {  	s18 =	sadd.s32 s7, s16;
	[dreg:$0x6] =	wrdreg s17  }
0x1a: {  	s2 =	sadd.s32 s5, s2;
	[dreg:$0x7] =	wrdreg s18  }
0x1b: {  	s21 =	sadd.s32 s6, s20;
	[dreg:$0x9] =	wrdreg s2  }
0x1c: {  	s8 =	sadd.s32 s5, s22;
	[dreg:$0xa] =	wrdreg s21  }
0x1d: {  	s0 =	sadd.s32 $0x15400, s0;
	[dreg:$0xb] =	wrdreg s8  }
0x1e: {  	s29 =	simm.s32 $0x2;
	s16 =	sadd.s32 $0x5000, s13;
	[dreg:$0x13] =	wrdreg s0  }
0x1f: {  	s23 =	sshrl.u32 s4, $0x3;
	s22 =	sadd.s32 $0xC800, s13;
	[dreg:$0x18] =	wrdreg s16  }
0x20: {  	s9 =	simm.s32 $0x6;
	s8 =	sadd.s32 s6, s23;
	[dreg:$0x1e] =	wrdreg s22  }
0x21: {  	s25 =	sshll.u32 s4, $0x4;
	s2 =	sadd.s32 s7, s20;
	[dreg:$0xc] =	wrdreg s8  }
0x22: {  	s4 =	simm.s32 $0x7;
	s17 =	sadd.s32 $0x6400, s13;
	[dreg:$0xd] =	wrdreg s2  }
0x23: {  	s24 =	simm.s32 $0x1;
	s18 =	sadd.s32 $0x7800, s13;
	[dreg:$0x19] =	wrdreg s17  }
0x24: {  	s10 =	simm.s32 $0x8;
	s20 =	sadd.s32 $0xA000, s13;
	[dreg:$0x1a] =	wrdreg s18  }
0x25: {  	s11 =	simm.s32 $0x9;
	s21 =	sadd.s32 $0xB400, s13;
	[dreg:$0x1c] =	wrdreg s20  }
0x26: {  	s12 =	simm.s32 $0x4;
	s23 =	sadd.s32 $0xDC00, s13;
	[dreg:$0x1d] =	wrdreg s21  }
0x27: {  	s14 =	simm.s32 $0xA;
	s2 =	sadd.s32 s5, s25;
	[dreg:$0x1f] =	wrdreg s23  }
0x28: {  	s0 =	simm.s32 $0x5;
	s8 =	sor.u32 $0x1, s15;
	[dreg:$0xe] =	wrdreg s2  }
0x29: {  	s15 =	sadd.s32 $0x3C00, s13;
	s25 =	sadd.s32 $0x10400, s13;
	[dreg:$0x10] =	wrdreg s8  }
0x2a: {  	s17 =	simm.s32 $0x100;
	s18 =	simm.s32 $0x80;
	[dreg:$0x17] =	wrdreg s15  }
0x2b: {  	s23 =	simm.s32 $0x180;
	[smem:$0x7FB] =	sst s25;
	s15 =	simm.s32 $0xB  }
0x2c: {  	v0 =	vimm.f32 $0.0e+00;
	s25 =	simm.s32 $0x28;
	s8 =	simm.s32 $0x3;
	s2 =	simm.s32 $0x0  }
.LBB2_1:
0x2d: {  	[smem:$0x7F9] =	sst s2;
	s1 =	simm.s32 $0x0;
	s2 =	simm.s32 $0x200  }
.LBB2_2:
0x2e: {  	p0 =	sne.s32 s2, $0x4E00;
	[tilespmem:s1+$0x6670] =	vst v0  }
0x2f: {  	[tilespmem:s1+$0x5200] =	vst v0  }
0x30: {  	[tilespmem:s1+$0x6600] =	vst v0  }
0x31: {  	[tilespmem:s1+$0x5210] =	vst v0  }
0x32: {  	[tilespmem:s1+$0x6610] =	vst v0  }
0x33: {  	[tilespmem:s1+$0x5220] =	vst v0  }
0x34: {  	[tilespmem:s1+$0x6620] =	vst v0  }
0x35: {  	[tilespmem:s1+$0x5230] =	vst v0  }
0x36: {  	[tilespmem:s1+$0x6630] =	vst v0  }
0x37: {  	[tilespmem:s1+$0x5240] =	vst v0  }
0x38: {  	[tilespmem:s1+$0x6640] =	vst v0  }
.Ltmp0:
0x39: {  	[tilespmem:s1+$0x5250] =	vst v0;
	(pc) =	sbr.rel @p0 .LBB2_2-.Ltmp0, $4  }
0x3a: {  	[tilespmem:s1+$0x6650] =	vst v0  }
0x3b: {  	[tilespmem:s1+$0x5260] =	vst v0  }
0x3c: {  	[tilespmem:s1+$0x6660] =	vst v0  }
0x3d: {  	[tilespmem:s1+$0x5270] =	vst v0;
	s1 =	sshra.s32 s2, $0x2;
	s2 =	sadd.s32 $0x200, s2  }
0x3e: {  	[tilespmem:s1+$0x6670] =	vst v0  }
0x3f: {  	[tilespmem:s1+$0x5200] =	vst v0  }
0x40: {  	[tilespmem:s1+$0x6600] =	vst v0  }
0x41: {  	[tilespmem:s1+$0x5210] =	vst v0  }
0x42: {  	[tilespmem:s1+$0x6610] =	vst v0  }
0x43: {  	[tilespmem:s1+$0x5220] =	vst v0  }
0x44: {  	[tilespmem:s1+$0x6620] =	vst v0  }
0x45: {  	[tilespmem:s1+$0x5230] =	vst v0  }
0x46: {  	[tilespmem:s1+$0x6630] =	vst v0  }
0x47: {  	[tilespmem:s1+$0x5240] =	vst v0  }
0x48: {  	[tilespmem:s1+$0x6640] =	vst v0  }
0x49: {  	[tilespmem:s1+$0x5250] =	vst v0  }
0x4a: {  	[tilespmem:s1+$0x6650] =	vst v0  }
0x4b: {  	[tilespmem:s1+$0x5260] =	vst v0  }
0x4c: {  	[tilespmem:s1+$0x6660] =	vst v0  }
0x4d: {  	[tilespmem:s1+$0x5270] =	vst v0;
	s2 =	simm.s32 $0x5200  }
0x4e: {  	[spmem:s13] =	stream.linear.scatter [tilespmem:s2], [sflag:$0xB], $0x1400, $0x38;
	[tilespmem:$0x1BA00] =	vst v63  }
0x4f: {  	_ =	swait.ge [sflag:s15], $0x1400  }
0x50: {  	[sflag:s15] =	ssyncset.done $0x0  }
0x51: {  	s13 =	rddreg [dreg:$0x15];
	[sflag:s15] =	ssyncadd.s32 $0xFFFFEC00  }
0x52: {  	[spmem:s13] =	stream.linear.scatter [tilespmem:s2], [sflag:$0xB], $0x1400, $0x38;
	[tilespmem:$0x1BA00] =	vst v63  }
0x53: {  	_ =	swait.ge [sflag:s15], $0x1400  }
0x54: {  	[sflag:s15] =	ssyncset.done $0x0  }
0x55: {  	s16 =	rddreg [dreg:$0x16];
	[sflag:s15] =	ssyncadd.s32 $0xFFFFEC00  }
0x56: {  	[spmem:s16] =	stream.linear.scatter [tilespmem:s2], [sflag:$0xB], $0x1400, $0x38;
	[tilespmem:$0x1BA00] =	vst v63  }
0x57: {  	_ =	swait.ge [sflag:s15], $0x1400  }
0x58: {  	[sflag:s15] =	ssyncset.done $0x0  }
0x59: {  	s19 =	rddreg [dreg:$0x17];
	[sflag:s15] =	ssyncadd.s32 $0xFFFFEC00  }
0x5a: {  	[spmem:s19] =	stream.linear.scatter [tilespmem:s2], [sflag:$0xB], $0x1400, $0x38;
	[tilespmem:$0x1BA00] =	vst v63  }
0x5b: {  	_ =	swait.ge [sflag:s15], $0x1400  }
0x5c: {  	[sflag:s15] =	ssyncset.done $0x0  }
0x5d: {  	s20 =	rddreg [dreg:$0x18];
	[sflag:s15] =	ssyncadd.s32 $0xFFFFEC00  }
0x5e: {  	[spmem:s20] =	stream.linear.scatter [tilespmem:s2], [sflag:$0xB], $0x1400, $0x38;
	[tilespmem:$0x1BA00] =	vst v63  }
0x5f: {  	_ =	swait.ge [sflag:s15], $0x1400  }
0x60: {  	[sflag:s15] =	ssyncset.done $0x0  }
0x61: {  	s21 =	rddreg [dreg:$0x19];
	[sflag:s15] =	ssyncadd.s32 $0xFFFFEC00  }
0x62: {  	[spmem:s21] =	stream.linear.scatter [tilespmem:s2], [sflag:$0xB], $0x1400, $0x38;
	[tilespmem:$0x1BA00] =	vst v63  }
0x63: {  	_ =	swait.ge [sflag:s15], $0x1400  }
0x64: {  	[sflag:s15] =	ssyncset.done $0x0  }
0x65: {  	s22 =	rddreg [dreg:$0x1a];
	[sflag:s15] =	ssyncadd.s32 $0xFFFFEC00  }
0x66: {  	[spmem:s22] =	stream.linear.scatter [tilespmem:s2], [sflag:$0xB], $0x1400, $0x38;
	[tilespmem:$0x1BA00] =	vst v63  }
0x67: {  	_ =	swait.ge [sflag:s15], $0x1400  }
0x68: {  	[sflag:s15] =	ssyncset.done $0x0  }
0x69: {  	s26 =	rddreg [dreg:$0x1b];
	[sflag:s15] =	ssyncadd.s32 $0xFFFFEC00  }
0x6a: {  	[spmem:s26] =	stream.linear.scatter [tilespmem:s2], [sflag:$0xB], $0x1400, $0x38;
	[tilespmem:$0x1BA00] =	vst v63  }
0x6b: {  	_ =	swait.ge [sflag:s15], $0x1400  }
0x6c: {  	[sflag:s15] =	ssyncset.done $0x0  }
0x6d: {  	s28 =	rddreg [dreg:$0x1c];
	[sflag:s15] =	ssyncadd.s32 $0xFFFFEC00  }
0x6e: {  	[spmem:s28] =	stream.linear.scatter [tilespmem:s2], [sflag:$0xB], $0x1400, $0x38;
	[tilespmem:$0x1BA00] =	vst v63  }
0x6f: {  	_ =	swait.ge [sflag:s15], $0x1400  }
0x70: {  	[sflag:s15] =	ssyncset.done $0x0  }
0x71: {  	s13 =	rddreg [dreg:$0x1d];
	[sflag:s15] =	ssyncadd.s32 $0xFFFFEC00  }
0x72: {  	[spmem:s13] =	stream.linear.scatter [tilespmem:s2], [sflag:$0xB], $0x1400, $0x38;
	[tilespmem:$0x1BA00] =	vst v63  }
0x73: {  	_ =	swait.ge [sflag:s15], $0x1400  }
0x74: {  	[sflag:s15] =	ssyncset.done $0x0  }
0x75: {  	s16 =	rddreg [dreg:$0x1e];
	[sflag:s15] =	ssyncadd.s32 $0xFFFFEC00  }
0x76: {  	[spmem:s16] =	stream.linear.scatter [tilespmem:s2], [sflag:$0xB], $0x1400, $0x38;
	[tilespmem:$0x1BA00] =	vst v63  }
0x77: {  	_ =	swait.ge [sflag:s15], $0x1400  }
0x78: {  	[sflag:s15] =	ssyncset.done $0x0  }
0x79: {  	s19 =	rddreg [dreg:$0x1f];
	[sflag:s15] =	ssyncadd.s32 $0xFFFFEC00  }
0x7a: {  	[spmem:s19] =	stream.linear.scatter [tilespmem:s2], [sflag:$0xB], $0x1400, $0x38;
	[tilespmem:$0x1BA00] =	vst v63  }
0x7b: {  	_ =	swait.ge [sflag:s15], $0x1400  }
0x7c: {  	s20 =	sld [smem:$0x7FA]  }
0x7d: {  	[sflag:s15] =	ssyncset.done $0x0  }
0x7e: {  	[sflag:s15] =	ssyncadd.s32 $0xFFFFEC00  }
0x7f: {  	[spmem:s20] =	stream.linear.scatter [tilespmem:s2], [sflag:$0xB], $0x1400, $0x38;
	[tilespmem:$0x1BA00] =	vst v63  }
0x80: {  	_ =	swait.ge [sflag:s15], $0x1400  }
0x81: {  	s21 =	sld [smem:$0x7FB]  }
0x82: {  	[sflag:s15] =	ssyncset.done $0x0  }
0x83: {  	[sflag:s15] =	ssyncadd.s32 $0xFFFFEC00  }
0x84: {  	[spmem:s21] =	stream.linear.scatter [tilespmem:s2], [sflag:$0xB], $0x1400, $0x38;
	[tilespmem:$0x1BA00] =	vst v63  }
0x85: {  	_ =	swait.ge [sflag:s15], $0x1400  }
0x86: {  	s22 =	sld [smem:$0x7FC]  }
0x87: {  	[sflag:s15] =	ssyncset.done $0x0  }
0x88: {  	[sflag:s15] =	ssyncadd.s32 $0xFFFFEC00  }
0x89: {  	[spmem:s22] =	stream.linear.scatter [tilespmem:s2], [sflag:$0xB], $0x1400, $0x38;
	[tilespmem:$0x1BA00] =	vst v63  }
0x8a: {  	_ =	swait.ge [sflag:s15], $0x1400  }
0x8b: {  	s26 =	sld [smem:$0x7FD]  }
0x8c: {  	[sflag:s15] =	ssyncset.done $0x0  }
0x8d: {  	[sflag:s15] =	ssyncadd.s32 $0xFFFFEC00  }
0x8e: {  	[spmem:s26] =	stream.linear.scatter [tilespmem:s2], [sflag:$0xB], $0x1400, $0x38;
	[tilespmem:$0x1BA00] =	vst v63  }
0x8f: {  	_ =	swait.ge [sflag:s15], $0x1400  }
0x90: {  	[sflag:s15] =	ssyncset.done $0x0  }
0x91: {  	[sflag:s15] =	ssyncadd.s32 $0xFFFFEC00  }
0x92: {  	[bflag:$0x0] =	sbarrier.arrive $0xFFFF  }
0x93: {  	s28 =	rddreg [dreg:$0x4]  }
0x94: {  	[tilespmem:s3], [sflag:$0x1] =	stream.linear.gather [hbm4b:s28+s3], $0x28, $0x38;
	[tilespmem:$0x1BA00] =	vst v63  }
0x95: {  	s2 =	rddreg [dreg:$0x5]  }
0x96: {  	[tilespmem:s17], [sflag:$0x3] =	stream.linear.gather [hbm4b:s2+s3], $0x28, $0x38;
	[tilespmem:$0x1BA00] =	vst v63  }
0x97: {  	s13 =	rddreg [dreg:$0x6]  }
0x98: {  	[tilespmem:s18], [sflag:$0x2] =	stream.linear.gather [hbm4b:s13+s3], $0x28, $0x38;
	[tilespmem:$0x1BA00] =	vst v63  }
0x99: {  	s15 =	rddreg [dreg:$0x7]  }
0x9a: {  	[tilespmem:s23], [sflag:$0x4] =	stream.linear.gather [hbm4b:s15+s3], $0x28, $0x38;
	[tilespmem:$0x1BA00] =	vst v63  }
0x9b: {  	_ =	swait.ge [sflag:s24], $0x28  }
0x9c: {  	[sflag:s24] =	ssyncset.done $0x0  }
0x9d: {  	s16 =	simm.s32 $0x200;
	[sflag:s24] =	ssyncadd.s32 $0xFFFFFFD8  }
0x9e: {  	[tilespmem:s16], [sflag:$0x5] =	stream.indirect.gather [hbm4b:s30+s25], $0x80, s3, s25, $0xb8;
	[tilespmem:$0x1BA00] =	vst v63  }
0x9f: {  	s19 =	simm.s32 $0x2A00;
	s17 =	rddreg [dreg:$0x8]  }
0xa0: {  	[tilespmem:s19], [sflag:$0x7] =	stream.linear.gather [hbm4b:s17+s3], $0x1400, $0x38;
	[tilespmem:$0x1BA00] =	vst v63  }
0xa1: {  	_ =	swait.ge [sflag:s29], $0x28  }
0xa2: {  	[sflag:s29] =	ssyncset.done $0x0  }
0xa3: {  	s20 =	simm.s32 $0x1600;
	[sflag:s29] =	ssyncadd.s32 $0xFFFFFFD8  }
0xa4: {  	[tilespmem:s20], [sflag:$0x6] =	stream.indirect.gather [hbm4b:s30+s25], $0x80, s18, s25, $0xb8;
	[tilespmem:$0x1BA00] =	vst v63  }
0xa5: {  	s22 =	simm.s32 $0x3E00;
	s21 =	rddreg [dreg:$0x9]  }
0xa6: {  	[tilespmem:s22], [sflag:$0x8] =	stream.linear.gather [hbm4b:s21+s3], $0x1400, $0x38;
	[tilespmem:$0x1BA00] =	vst v63  }
0xa7: {  	_ =	swait.ge [sflag:s0], $0x1400  }
0xa8: {  	[sflag:s0] =	ssyncset.done $0x0  }
0xa9: {  	[sflag:s0] =	ssyncadd.s32 $0xFFFFEC00  }
0xaa: {  	_ =	swait.ge [sflag:s4], $0x1400  }
0xab: {  	[sflag:s4] =	ssyncset.done $0x0  }
0xac: {  	s21 =	simm.s32 $0x280;
	s26 =	rddreg [dreg:$0xa];
	[sflag:s4] =	ssyncadd.s32 $0xFFFFEC00  }
0xad: {  	[tilespmem:s3], [sflag:$0x1] =	stream.linear.gather [hbm4b:s26+s3], $0x28, $0x38;
	[tilespmem:$0x1BA00] =	vst v63  }
0xae: {  	s28 =	simm.s32 $0x2A80;
	v1 =	vld [tilespmem:s21+$0x0]  }
0xaf: {  	v2 =	vld [tilespmem:s28+$0x0];
	_ =	sdelay $0x4  }
0xb0: {  	v1 =	vadd.f32 v2, v1;
	_ =	sdelay $0x1  }
0xb1: {  	s13 =	simm.s32 $0x5280;
	v3 =	vld [tilespmem:s21+$0xFFFFFF80];
	v1 =	vmax.f32 v1, $0.0e+00  }
0xb2: {  	v2 =	vld [tilespmem:s28+$0xFFFFFF80];
	[tilespmem:s13+$0x0] =	vst v1  }
0xb3: {  	v1 =	vld [tilespmem:s21+$0x10]  }
0xb4: {  	v4 =	vld [tilespmem:s28+$0x10];
	_ =	sdelay $0x2  }
0xb5: {  	v2 =	vadd.f32 v2, v3;
	_ =	sdelay $0x1  }
0xb6: {  	v2 =	vmax.f32 v2, $0.0e+00;
	v1 =	vadd.f32 v4, v1  }
0xb7: {  	[tilespmem:s13+$0xFFFFFF80] =	vst v2  }
0xb8: {  	v2 =	vld [tilespmem:s21+$0xFFFFFF90];
	v1 =	vmax.f32 v1, $0.0e+00  }
0xb9: {  	v3 =	vld [tilespmem:s28+$0xFFFFFF90];
	[tilespmem:s13+$0x10] =	vst v1  }
0xba: {  	v1 =	vld [tilespmem:s21+$0x20]  }
0xbb: {  	v4 =	vld [tilespmem:s28+$0x20];
	_ =	sdelay $0x2  }
0xbc: {  	v2 =	vadd.f32 v3, v2;
	_ =	sdelay $0x1  }
0xbd: {  	v2 =	vmax.f32 v2, $0.0e+00;
	v1 =	vadd.f32 v4, v1  }
0xbe: {  	[tilespmem:s13+$0xFFFFFF90] =	vst v2  }
0xbf: {  	v2 =	vld [tilespmem:s21+$0xFFFFFFA0];
	v1 =	vmax.f32 v1, $0.0e+00  }
0xc0: {  	v3 =	vld [tilespmem:s28+$0xFFFFFFA0];
	[tilespmem:s13+$0x20] =	vst v1  }
0xc1: {  	v1 =	vld [tilespmem:s21+$0x30]  }
0xc2: {  	s15 =	simm.s32 $0x380;
	v4 =	vld [tilespmem:s28+$0x30]  }
0xc3: {  	s26 =	simm.s32 $0x2B80;
	v5 =	vld [tilespmem:s15+$0x0]  }
0xc4: {  	v6 =	vld [tilespmem:s26+$0x0]  }
0xc5: {  	v2 =	vadd.f32 v3, v2;
	_ =	sdelay $0x1  }
0xc6: {  	v3 =	vld [tilespmem:s26+$0xFFFFFF80];
	v2 =	vmax.f32 v2, $0.0e+00;
	v1 =	vadd.f32 v4, v1  }
0xc7: {  	[tilespmem:s13+$0xFFFFFFA0] =	vst v2;
	v2 =	vld [tilespmem:s15+$0xFFFFFF80]  }
0xc8: {  	v5 =	vadd.f32 v6, v5;
	v4 =	vld [tilespmem:s21+$0xFFFFFFB0];
	v1 =	vmax.f32 v1, $0.0e+00  }
0xc9: {  	v6 =	vld [tilespmem:s28+$0xFFFFFFB0];
	[tilespmem:s13+$0x30] =	vst v1  }
0xca: {  	s22 =	simm.s32 $0x5380;
	v1 =	vmax.f32 v5, $0.0e+00;
	v5 =	vld [tilespmem:s21+$0x40]  }
0xcb: {  	[tilespmem:s22+$0x0] =	vst v1;
	v1 =	vld [tilespmem:s28+$0x40]  }
0xcc: {  	v2 =	vadd.f32 v3, v2;
	v3 =	vld [tilespmem:s15+$0x10]  }
0xcd: {  	v7 =	vld [tilespmem:s26+$0x10]  }
0xce: {  	v4 =	vadd.f32 v6, v4;
	v2 =	vmax.f32 v2, $0.0e+00  }
0xcf: {  	[tilespmem:s22+$0xFFFFFF80] =	vst v2  }
0xd0: {  	v4 =	vmax.f32 v4, $0.0e+00;
	v2 =	vld [tilespmem:s15+$0xFFFFFF90];
	v1 =	vadd.f32 v1, v5  }
0xd1: {  	[tilespmem:s13+$0xFFFFFFB0] =	vst v4;
	v5 =	vld [tilespmem:s26+$0xFFFFFF90]  }
0xd2: {  	v4 =	vld [tilespmem:s21+$0xFFFFFFC0];
	v3 =	vadd.f32 v7, v3;
	v1 =	vmax.f32 v1, $0.0e+00  }
0xd3: {  	v6 =	vld [tilespmem:s28+$0xFFFFFFC0];
	[tilespmem:s13+$0x40] =	vst v1  }
0xd4: {  	v1 =	vmax.f32 v3, $0.0e+00;
	v3 =	vld [tilespmem:s21+$0x50]  }
0xd5: {  	[tilespmem:s22+$0x10] =	vst v1;
	v1 =	vld [tilespmem:s28+$0x50]  }
0xd6: {  	v2 =	vadd.f32 v5, v2;
	v5 =	vld [tilespmem:s15+$0x20]  }
0xd7: {  	v7 =	vld [tilespmem:s26+$0x20];
	_ =	sdelay $0x1  }
0xd8: {  	s20 =	simm.s32 $0x2C80;
	v4 =	vadd.f32 v6, v4;
	v2 =	vmax.f32 v2, $0.0e+00  }
0xd9: {  	v9 =	vld [tilespmem:s20+$0x0];
	[tilespmem:s22+$0xFFFFFF90] =	vst v2;
	v1 =	vadd.f32 v1, v3  }
0xda: {  	v4 =	vmax.f32 v4, $0.0e+00;
	v2 =	vld [tilespmem:s15+$0xFFFFFFA0]  }
0xdb: {  	[tilespmem:s13+$0xFFFFFFC0] =	vst v4;
	v3 =	vld [tilespmem:s26+$0xFFFFFFA0];
	v5 =	vadd.f32 v7, v5;
	v1 =	vmax.f32 v1, $0.0e+00  }
0xdc: {  	v4 =	vld [tilespmem:s21+$0xFFFFFFD0];
	[tilespmem:s13+$0x50] =	vst v1  }
0xdd: {  	v1 =	vmax.f32 v5, $0.0e+00;
	v5 =	vld [tilespmem:s21+$0x60]  }
0xde: {  	[tilespmem:s22+$0x20] =	vst v1;
	v1 =	vld [tilespmem:s28+$0x60]  }
0xdf: {  	v7 =	vld [tilespmem:s15+$0x30]  }
0xe0: {  	v8 =	vld [tilespmem:s26+$0x30];
	v2 =	vadd.f32 v3, v2  }
0xe1: {  	s16 =	simm.s32 $0x480;
	v6 =	vld [tilespmem:s28+$0xFFFFFFD0]  }
0xe2: {  	v3 =	vld [tilespmem:s16+$0x0];
	v2 =	vmax.f32 v2, $0.0e+00  }
0xe3: {  	[tilespmem:s22+$0xFFFFFFA0] =	vst v2;
	v2 =	vld [tilespmem:s16+$0xFFFFFF80];
	v1 =	vadd.f32 v1, v5  }
0xe4: {  	v5 =	vld [tilespmem:s20+$0xFFFFFF80]  }
0xe5: {  	v7 =	vadd.f32 v8, v7;
	v8 =	vld [tilespmem:s15+$0xFFFFFFB0];
	v1 =	vmax.f32 v1, $0.0e+00  }
0xe6: {  	[tilespmem:s13+$0x60] =	vst v1;
	v1 =	vld [tilespmem:s26+$0xFFFFFFB0]  }
0xe7: {  	v3 =	vadd.f32 v9, v3;
	v7 =	vmax.f32 v7, $0.0e+00;
	v63 =	vld [tilespmem:s21+$0x70]  }
0xe8: {  	[tilespmem:s22+$0x30] =	vst v7;
	v7 =	vld [tilespmem:s28+$0x70]  }
0xe9: {  	s19 =	simm.s32 $0x5480;
	v3 =	vmax.f32 v3, $0.0e+00;
	v2 =	vadd.f32 v5, v2;
	v5 =	vld [tilespmem:s15+$0x40]  }
0xea: {  	[tilespmem:s19+$0x0] =	vst v3;
	v3 =	vld [tilespmem:s26+$0x40]  }
0xeb: {  	v2 =	vmax.f32 v2, $0.0e+00;
	v1 =	vadd.f32 v1, v8;
	v8 =	vld [tilespmem:s16+$0x10]  }
0xec: {  	[tilespmem:s19+$0xFFFFFF80] =	vst v2;
	v2 =	vld [tilespmem:s20+$0x10]  }
0xed: {  	v4 =	vadd.f32 v6, v4;
	v6 =	vld [tilespmem:s16+$0xFFFFFF90];
	v1 =	vmax.f32 v1, $0.0e+00  }
0xee: {  	[tilespmem:s22+$0xFFFFFFB0] =	vst v1;
	v1 =	vld [tilespmem:s20+$0xFFFFFF90]  }
0xef: {  	v4 =	vmax.f32 v4, $0.0e+00;
	v3 =	vadd.f32 v3, v5;
	v5 =	vld [tilespmem:s15+$0xFFFFFFC0]  }
0xf0: {  	[tilespmem:s13+$0xFFFFFFD0] =	vst v4;
	v4 =	vld [tilespmem:s26+$0xFFFFFFC0]  }
0xf1: {  	v3 =	vmax.f32 v3, $0.0e+00;
	v2 =	vadd.f32 v2, v8;
	v8 =	vld [tilespmem:s21+$0xFFFFFFE0]  }
0xf2: {  	[tilespmem:s22+$0x40] =	vst v3;
	v3 =	vld [tilespmem:s28+$0xFFFFFFE0]  }
0xf3: {  	v2 =	vmax.f32 v2, $0.0e+00;
	v1 =	vadd.f32 v1, v6;
	v6 =	vld [tilespmem:s15+$0x50]  }
0xf4: {  	[tilespmem:s19+$0x10] =	vst v2;
	v2 =	vld [tilespmem:s26+$0x50]  }
0xf5: {  	v4 =	vadd.f32 v4, v5;
	v5 =	vld [tilespmem:s16+$0x20];
	v1 =	vmax.f32 v1, $0.0e+00  }
0xf6: {  	[tilespmem:s19+$0xFFFFFF90] =	vst v1;
	v1 =	vld [tilespmem:s20+$0x20]  }
0xf7: {  	v3 =	vadd.f32 v3, v8;
	v4 =	vmax.f32 v4, $0.0e+00;
	v8 =	vld [tilespmem:s16+$0xFFFFFFA0]  }
0xf8: {  	[tilespmem:s22+$0xFFFFFFC0] =	vst v4;
	v4 =	vld [tilespmem:s20+$0xFFFFFFA0]  }
0xf9: {  	v3 =	vmax.f32 v3, $0.0e+00;
	v2 =	vadd.f32 v2, v6;
	v10 =	vld [tilespmem:s15+$0xFFFFFFD0]  }
0xfa: {  	[tilespmem:s13+$0xFFFFFFE0] =	vst v3;
	v11 =	vld [tilespmem:s26+$0xFFFFFFD0]  }
0xfb: {  	v2 =	vmax.f32 v2, $0.0e+00;
	v3 =	vadd.f32 v1, v5;
	v1 =	vld [tilespmem:s21+$0xFFFFFFF0]  }
0xfc: {  	v5 =	vadd.f32 v7, v63;
	[tilespmem:s22+$0x50] =	vst v2;
	v2 =	vld [tilespmem:s28+$0xFFFFFFF0]  }
0xfd: {  	v6 =	vadd.f32 v4, v8;
	v4 =	vmax.f32 v3, $0.0e+00;
	v3 =	vld [tilespmem:s15+$0x60]  }
0xfe: {  	v5 =	vmax.f32 v5, $0.0e+00;
	[tilespmem:s19+$0x20] =	vst v4;
	v4 =	vld [tilespmem:s26+$0x60]  }
0xff: {  	[tilespmem:s13+$0x70] =	vst v5;
	v7 =	vmax.f32 v6, $0.0e+00;
	v5 =	vadd.f32 v11, v10;
	v6 =	vld [tilespmem:s16+$0x30]  }
0x100: {  	s1 =	simm.s32 $0x4;
	s2 =	simm.s32 $0x580;
	s21 =	simm.s32 $0x2C80;
	[tilespmem:s19+$0xFFFFFFA0] =	vst v7;
	v7 =	vld [tilespmem:s20+$0x30]  }
.LBB2_4:
0x101: {  	v8 =	vld [tilespmem:s2+$0x0];
	s20 =	sadd.s32 $0x100, s20;
	v5 =	vmax.f32 v5, $0.0e+00;
	v1 =	vadd.f32 v2, v1  }
0x102: {  	v2 =	vld [tilespmem:s20+$0x0];
	[tilespmem:s22+$0xFFFFFFD0] =	vst v5  }
0x103: {  	v5 =	vld [tilespmem:s20+$0xFFFFFF80];
	v3 =	vadd.f32 v4, v3;
	v1 =	vmax.f32 v1, $0.0e+00  }
0x104: {  	v4 =	vld [tilespmem:s2+$0xFFFFFF80];
	[tilespmem:s13+$0xFFFFFFF0] =	vst v1;
	s13 =	smov.u32 s22;
	s22 =	smov.u32 s19  }
0x105: {  	v1 =	vld [tilespmem:s16+$0xFFFFFFB0];
	v6 =	vadd.f32 v7, v6;
	v3 =	vmax.f32 v3, $0.0e+00  }
0x106: {  	v7 =	vld [tilespmem:s21+$0xFFFFFFB0];
	[tilespmem:s13+$0x60] =	vst v3  }
0x107: {  	v2 =	vadd.f32 v2, v8;
	v3 =	vmax.f32 v6, $0.0e+00;
	v6 =	vld [tilespmem:s15+$0x70]  }
0x108: {  	[tilespmem:s19+$0x30] =	vst v3;
	v3 =	vld [tilespmem:s26+$0x70]  }
0x109: {  	s1 =	sadd.s32 $0x2, s1;
	s19 =	sadd.s32 $0x100, s19;
	v4 =	vadd.f32 v5, v4;
	v2 =	vmax.f32 v2, $0.0e+00;
	v5 =	vld [tilespmem:s16+$0x40]  }
0x10a: {  	p0 =	slt.u32 s1, $0x26;
	[tilespmem:s19+$0x0] =	vst v2;
	v2 =	vld [tilespmem:s21+$0x40]  }
0x10b: {  	v4 =	vmax.f32 v4, $0.0e+00;
	v8 =	vld [tilespmem:s2+$0x10];
	v1 =	vadd.f32 v7, v1  }
0x10c: {  	[tilespmem:s19+$0xFFFFFF80] =	vst v4;
	v4 =	vld [tilespmem:s20+$0x10]  }
0x10d: {  	v7 =	vld [tilespmem:s2+$0xFFFFFF90];
	v1 =	vmax.f32 v1, $0.0e+00;
	v3 =	vadd.f32 v3, v6  }
0x10e: {  	v6 =	vld [tilespmem:s20+$0xFFFFFF90];
	[tilespmem:s22+$0xFFFFFFB0] =	vst v1  }
0x10f: {  	v1 =	vld [tilespmem:s16+$0xFFFFFFC0];
	v2 =	vadd.f32 v2, v5;
	v3 =	vmax.f32 v3, $0.0e+00  }
0x110: {  	v5 =	vld [tilespmem:s21+$0xFFFFFFC0];
	[tilespmem:s13+$0x70] =	vst v3  }
0x111: {  	v3 =	vadd.f32 v4, v8;
	v2 =	vmax.f32 v2, $0.0e+00;
	v4 =	vld [tilespmem:s15+$0xFFFFFFE0]  }
0x112: {  	[tilespmem:s22+$0x40] =	vst v2;
	v2 =	vld [tilespmem:s26+$0xFFFFFFE0]  }
0x113: {  	v6 =	vadd.f32 v6, v7;
	v3 =	vmax.f32 v3, $0.0e+00;
	v7 =	vld [tilespmem:s16+$0x50]  }
0x114: {  	[tilespmem:s19+$0x10] =	vst v3;
	v3 =	vld [tilespmem:s21+$0x50]  }
0x115: {  	v6 =	vmax.f32 v6, $0.0e+00;
	v8 =	vld [tilespmem:s2+$0x20];
	v1 =	vadd.f32 v5, v1  }
0x116: {  	[tilespmem:s19+$0xFFFFFF90] =	vst v6;
	v5 =	vld [tilespmem:s20+$0x20]  }
0x117: {  	v6 =	vld [tilespmem:s2+$0xFFFFFFA0];
	v1 =	vmax.f32 v1, $0.0e+00;
	v2 =	vadd.f32 v2, v4  }
0x118: {  	v4 =	vld [tilespmem:s20+$0xFFFFFFA0];
	[tilespmem:s22+$0xFFFFFFC0] =	vst v1  }
0x119: {  	v9 =	vld [tilespmem:s16+$0xFFFFFFD0];
	v1 =	vadd.f32 v3, v7;
	v2 =	vmax.f32 v2, $0.0e+00  }
0x11a: {  	v7 =	vld [tilespmem:s21+$0xFFFFFFD0];
	[tilespmem:s13+$0xFFFFFFE0] =	vst v2  }
0x11b: {  	v3 =	vadd.f32 v5, v8;
	v2 =	vmax.f32 v1, $0.0e+00;
	v1 =	vld [tilespmem:s15+$0xFFFFFFF0];
	s15 =	smov.u32 s16;
	s16 =	smov.u32 s2  }
.Ltmp1:
0x11c: {  	[tilespmem:s22+$0x50] =	vst v2;
	v2 =	vld [tilespmem:s26+$0xFFFFFFF0];
	s26 =	smov.u32 s21;
	s21 =	smov.u32 s20;
	(pc) =	sbr.rel @p0 .LBB2_4-.Ltmp1, $4  }
0x11d: {  	v5 =	vadd.f32 v4, v6;
	v4 =	vmax.f32 v3, $0.0e+00;
	v3 =	vld [tilespmem:s15+$0x60]  }
0x11e: {  	[tilespmem:s19+$0x20] =	vst v4;
	v4 =	vld [tilespmem:s26+$0x60]  }
0x11f: {  	v8 =	vmax.f32 v5, $0.0e+00;
	v6 =	vld [tilespmem:s2+$0x30];
	v5 =	vadd.f32 v7, v9  }
0x120: {  	s2 =	sadd.s32 $0x100, s2;
	[tilespmem:s19+$0xFFFFFFA0] =	vst v8;
	v7 =	vld [tilespmem:s20+$0x30]  }
0x121: {  	v8 =	vld [tilespmem:s16+$0xFFFFFFB0]  }
0x122: {  	v9 =	vld [tilespmem:s21+$0xFFFFFFB0];
	_ =	sdelay $0x2  }
0x123: {  	v6 =	vadd.f32 v7, v6;
	_ =	sdelay $0x1  }
0x124: {  	v7 =	vadd.f32 v9, v8;
	v6 =	vmax.f32 v6, $0.0e+00  }
0x125: {  	[tilespmem:s19+$0x30] =	vst v6  }
0x126: {  	v7 =	vmax.f32 v7, $0.0e+00;
	v6 =	vld [tilespmem:s16+$0x40]  }
0x127: {  	v8 =	vld [tilespmem:s21+$0x40];
	[tilespmem:s19+$0xFFFFFFB0] =	vst v7  }
0x128: {  	v7 =	vld [tilespmem:s16+$0xFFFFFFC0]  }
0x129: {  	v57 =	vld [tilespmem:s21+$0xFFFFFFC0];
	_ =	sdelay $0x2  }
0x12a: {  	v6 =	vadd.f32 v8, v6;
	_ =	sdelay $0x1  }
0x12b: {  	v7 =	vadd.f32 v57, v7;
	v6 =	vmax.f32 v6, $0.0e+00  }
0x12c: {  	[tilespmem:s19+$0x40] =	vst v6  }
0x12d: {  	v7 =	vmax.f32 v7, $0.0e+00;
	v6 =	vld [tilespmem:s16+$0x50]  }
0x12e: {  	v8 =	vld [tilespmem:s21+$0x50];
	[tilespmem:s19+$0xFFFFFFC0] =	vst v7  }
0x12f: {  	v7 =	vld [tilespmem:s16+$0xFFFFFFD0]  }
0x130: {  	v58 =	vld [tilespmem:s21+$0xFFFFFFD0];
	_ =	sdelay $0x2  }
0x131: {  	v5 =	vmax.f32 v5, $0.0e+00;
	v6 =	vadd.f32 v8, v6  }
0x132: {  	[tilespmem:s22+$0xFFFFFFD0] =	vst v5  }
0x133: {  	v5 =	vld [tilespmem:s15+$0xFFFFFFE0];
	v7 =	vadd.f32 v58, v7;
	v6 =	vmax.f32 v6, $0.0e+00  }
0x134: {  	v8 =	vld [tilespmem:s26+$0xFFFFFFE0];
	[tilespmem:s19+$0x50] =	vst v6  }
0x135: {  	v7 =	vmax.f32 v7, $0.0e+00;
	v6 =	vld [tilespmem:s16+$0x60]  }
0x136: {  	v59 =	vld [tilespmem:s21+$0x60];
	[tilespmem:s19+$0xFFFFFFD0] =	vst v7  }
0x137: {  	v3 =	vadd.f32 v4, v3;
	v4 =	vld [tilespmem:s16+$0xFFFFFFE0]  }
0x138: {  	v7 =	vld [tilespmem:s21+$0xFFFFFFE0]  }
0x139: {  	v3 =	vmax.f32 v3, $0.0e+00;
	v5 =	vadd.f32 v8, v5  }
0x13a: {  	[tilespmem:s22+$0x60] =	vst v3  }
0x13b: {  	v3 =	vld [tilespmem:s15+$0x70];
	v5 =	vmax.f32 v5, $0.0e+00;
	v6 =	vadd.f32 v59, v6  }
0x13c: {  	v8 =	vld [tilespmem:s26+$0x70];
	[tilespmem:s22+$0xFFFFFFE0] =	vst v5  }
0x13d: {  	v5 =	vld [tilespmem:s15+$0xFFFFFFF0];
	v4 =	vadd.f32 v7, v4;
	v6 =	vmax.f32 v6, $0.0e+00  }
0x13e: {  	v7 =	vld [tilespmem:s26+$0xFFFFFFF0];
	[tilespmem:s19+$0x60] =	vst v6  }
0x13f: {  	v4 =	vmax.f32 v4, $0.0e+00;
	v6 =	vld [tilespmem:s16+$0x70]  }
0x140: {  	v60 =	vld [tilespmem:s21+$0x70];
	[tilespmem:s19+$0xFFFFFFE0] =	vst v4  }
0x141: {  	v4 =	vld [tilespmem:s16+$0xFFFFFFF0]  }
0x142: {  	v10 =	vld [tilespmem:s21+$0xFFFFFFF0]  }
0x143: {  	v1 =	vadd.f32 v2, v1  }
0x144: {  	v2 =	vadd.f32 v8, v3  }
0x145: {  	v1 =	vmax.f32 v1, $0.0e+00;
	v3 =	vadd.f32 v7, v5  }
0x146: {  	[tilespmem:s13+$0xFFFFFFF0] =	vst v1;
	v1 =	vmax.f32 v2, $0.0e+00;
	v2 =	vadd.f32 v60, v6  }
0x147: {  	[tilespmem:s22+$0x70] =	vst v1;
	v1 =	vmax.f32 v3, $0.0e+00;
	v3 =	vadd.f32 v10, v4  }
0x148: {  	[tilespmem:s22+$0xFFFFFFF0] =	vst v1;
	v1 =	vmax.f32 v2, $0.0e+00  }
0x149: {  	[tilespmem:s19+$0x70] =	vst v1;
	v1 =	vmax.f32 v3, $0.0e+00  }
0x14a: {  	[tilespmem:s19+$0xFFFFFFF0] =	vst v1  }
0x14b: {  	_ =	swait.ge [sflag:s8], $0x28  }
0x14c: {  	[sflag:s8] =	ssyncset.done $0x0  }
0x14d: {  	s1 =	simm.s32 $0x5200;
	s2 =	simm.s32 $0x100;
	[sflag:s8] =	ssyncadd.s32 $0xFFFFFFD8  }
0x14e: {  	[spmem:s31] =	stream.indirect.scatter.add.f32 [tilespmem:s1], [sflag:$0x9], $0x80, s2, s25, $0xb8;
	[tilespmem:$0x1BA00] =	vst v63  }
0x14f: {  	_ =	swait.ge [sflag:s24], $0x28  }
0x150: {  	[sflag:s24] =	ssyncset.done $0x0  }
0x151: {  	s22 =	simm.s32 $0x200;
	[sflag:s24] =	ssyncadd.s32 $0xFFFFFFD8  }
0x152: {  	[tilespmem:s22], [sflag:$0x5] =	stream.indirect.gather [hbm4b:s30+s25], $0x80, s3, s25, $0xb8;
	[tilespmem:$0x1BA00] =	vst v63  }
0x153: {  	s28 =	simm.s32 $0x2A00;
	s26 =	rddreg [dreg:$0xb]  }
0x154: {  	[tilespmem:s28], [sflag:$0x7] =	stream.linear.gather [hbm4b:s26+s3], $0x1400, $0x38;
	[tilespmem:$0x1BA00] =	vst v63  }
0x155: {  	_ =	swait.ge [sflag:s9], $0x1400  }
0x156: {  	[sflag:s9] =	ssyncset.done $0x0  }
0x157: {  	[sflag:s9] =	ssyncadd.s32 $0xFFFFEC00  }
0x158: {  	_ =	swait.ge [sflag:s10], $0x1400  }
0x159: {  	[sflag:s10] =	ssyncset.done $0x0  }
0x15a: {  	s15 =	rddreg [dreg:$0xc];
	[sflag:s10] =	ssyncadd.s32 $0xFFFFEC00  }
0x15b: {  	[tilespmem:s18], [sflag:$0x2] =	stream.linear.gather [hbm4b:s15+s3], $0x28, $0x38;
	[tilespmem:$0x1BA00] =	vst v63  }
0x15c: {  	_ =	swait.ge [sflag:s11], $0x1400  }
0x15d: {  	[sflag:s11] =	ssyncset.done $0x0  }
0x15e: {  	s17 =	simm.s32 $0x1680;
	s16 =	rddreg [dreg:$0xd];
	[sflag:s11] =	ssyncadd.s32 $0xFFFFEC00  }
0x15f: {  	[tilespmem:s2], [sflag:$0x3] =	stream.linear.gather [hbm4b:s16+s3], $0x28, $0x38;
	[tilespmem:$0x1BA00] =	vst v63  }
0x160: {  	s28 =	simm.s32 $0x3E80;
	v1 =	vld [tilespmem:s17+$0x0]  }
0x161: {  	v2 =	vld [tilespmem:s28+$0x0];
	_ =	sdelay $0x4  }
0x162: {  	v1 =	vadd.f32 v2, v1;
	_ =	sdelay $0x1  }
0x163: {  	s13 =	simm.s32 $0x6680;
	v3 =	vld [tilespmem:s17+$0xFFFFFF80];
	v1 =	vmax.f32 v1, $0.0e+00  }
0x164: {  	v2 =	vld [tilespmem:s28+$0xFFFFFF80];
	[tilespmem:s13+$0x0] =	vst v1  }
0x165: {  	v1 =	vld [tilespmem:s17+$0x10]  }
0x166: {  	v4 =	vld [tilespmem:s28+$0x10];
	_ =	sdelay $0x2  }
0x167: {  	v2 =	vadd.f32 v2, v3;
	_ =	sdelay $0x1  }
0x168: {  	v2 =	vmax.f32 v2, $0.0e+00;
	v1 =	vadd.f32 v4, v1  }
0x169: {  	[tilespmem:s13+$0xFFFFFF80] =	vst v2  }
0x16a: {  	v2 =	vld [tilespmem:s17+$0xFFFFFF90];
	v1 =	vmax.f32 v1, $0.0e+00  }
0x16b: {  	v3 =	vld [tilespmem:s28+$0xFFFFFF90];
	[tilespmem:s13+$0x10] =	vst v1  }
0x16c: {  	v1 =	vld [tilespmem:s17+$0x20]  }
0x16d: {  	v4 =	vld [tilespmem:s28+$0x20];
	_ =	sdelay $0x2  }
0x16e: {  	v2 =	vadd.f32 v3, v2;
	_ =	sdelay $0x1  }
0x16f: {  	v2 =	vmax.f32 v2, $0.0e+00;
	v1 =	vadd.f32 v4, v1  }
0x170: {  	[tilespmem:s13+$0xFFFFFF90] =	vst v2  }
0x171: {  	v2 =	vld [tilespmem:s17+$0xFFFFFFA0];
	v1 =	vmax.f32 v1, $0.0e+00  }
0x172: {  	v3 =	vld [tilespmem:s28+$0xFFFFFFA0];
	[tilespmem:s13+$0x20] =	vst v1  }
0x173: {  	v1 =	vld [tilespmem:s17+$0x30]  }
0x174: {  	s15 =	simm.s32 $0x1780;
	v4 =	vld [tilespmem:s28+$0x30]  }
0x175: {  	s26 =	simm.s32 $0x3F80;
	v5 =	vld [tilespmem:s15+$0x0]  }
0x176: {  	v6 =	vld [tilespmem:s26+$0x0]  }
0x177: {  	v2 =	vadd.f32 v3, v2;
	_ =	sdelay $0x1  }
0x178: {  	v3 =	vld [tilespmem:s26+$0xFFFFFF80];
	v2 =	vmax.f32 v2, $0.0e+00;
	v1 =	vadd.f32 v4, v1  }
0x179: {  	[tilespmem:s13+$0xFFFFFFA0] =	vst v2;
	v2 =	vld [tilespmem:s15+$0xFFFFFF80]  }
0x17a: {  	v5 =	vadd.f32 v6, v5;
	v4 =	vld [tilespmem:s17+$0xFFFFFFB0];
	v1 =	vmax.f32 v1, $0.0e+00  }
0x17b: {  	v6 =	vld [tilespmem:s28+$0xFFFFFFB0];
	[tilespmem:s13+$0x30] =	vst v1  }
0x17c: {  	s22 =	simm.s32 $0x6780;
	v1 =	vmax.f32 v5, $0.0e+00;
	v5 =	vld [tilespmem:s17+$0x40]  }
0x17d: {  	[tilespmem:s22+$0x0] =	vst v1;
	v1 =	vld [tilespmem:s28+$0x40]  }
0x17e: {  	v2 =	vadd.f32 v3, v2;
	v3 =	vld [tilespmem:s15+$0x10]  }
0x17f: {  	v7 =	vld [tilespmem:s26+$0x10]  }
0x180: {  	v4 =	vadd.f32 v6, v4;
	v2 =	vmax.f32 v2, $0.0e+00  }
0x181: {  	[tilespmem:s22+$0xFFFFFF80] =	vst v2  }
0x182: {  	v4 =	vmax.f32 v4, $0.0e+00;
	v2 =	vld [tilespmem:s15+$0xFFFFFF90];
	v1 =	vadd.f32 v1, v5  }
0x183: {  	[tilespmem:s13+$0xFFFFFFB0] =	vst v4;
	v5 =	vld [tilespmem:s26+$0xFFFFFF90]  }
0x184: {  	v4 =	vld [tilespmem:s17+$0xFFFFFFC0];
	v3 =	vadd.f32 v7, v3;
	v1 =	vmax.f32 v1, $0.0e+00  }
0x185: {  	v6 =	vld [tilespmem:s28+$0xFFFFFFC0];
	[tilespmem:s13+$0x40] =	vst v1  }
0x186: {  	v1 =	vmax.f32 v3, $0.0e+00;
	v3 =	vld [tilespmem:s17+$0x50]  }
0x187: {  	[tilespmem:s22+$0x10] =	vst v1;
	v1 =	vld [tilespmem:s28+$0x50]  }
0x188: {  	v2 =	vadd.f32 v5, v2;
	v5 =	vld [tilespmem:s15+$0x20]  }
0x189: {  	v7 =	vld [tilespmem:s26+$0x20];
	_ =	sdelay $0x1  }
0x18a: {  	s20 =	simm.s32 $0x4080;
	v4 =	vadd.f32 v6, v4;
	v2 =	vmax.f32 v2, $0.0e+00  }
0x18b: {  	v61 =	vld [tilespmem:s20+$0x0];
	[tilespmem:s22+$0xFFFFFF90] =	vst v2;
	v1 =	vadd.f32 v1, v3  }
0x18c: {  	v4 =	vmax.f32 v4, $0.0e+00;
	v2 =	vld [tilespmem:s15+$0xFFFFFFA0]  }
0x18d: {  	[tilespmem:s13+$0xFFFFFFC0] =	vst v4;
	v3 =	vld [tilespmem:s26+$0xFFFFFFA0];
	v5 =	vadd.f32 v7, v5;
	v1 =	vmax.f32 v1, $0.0e+00  }
0x18e: {  	v4 =	vld [tilespmem:s17+$0xFFFFFFD0];
	[tilespmem:s13+$0x50] =	vst v1  }
0x18f: {  	v1 =	vmax.f32 v5, $0.0e+00;
	v5 =	vld [tilespmem:s17+$0x60]  }
0x190: {  	[tilespmem:s22+$0x20] =	vst v1;
	v1 =	vld [tilespmem:s28+$0x60]  }
0x191: {  	v7 =	vld [tilespmem:s15+$0x30]  }
0x192: {  	v8 =	vld [tilespmem:s26+$0x30];
	v2 =	vadd.f32 v3, v2  }
0x193: {  	s16 =	simm.s32 $0x1880;
	v6 =	vld [tilespmem:s28+$0xFFFFFFD0]  }
0x194: {  	v3 =	vld [tilespmem:s16+$0x0];
	v2 =	vmax.f32 v2, $0.0e+00  }
0x195: {  	[tilespmem:s22+$0xFFFFFFA0] =	vst v2;
	v2 =	vld [tilespmem:s16+$0xFFFFFF80];
	v1 =	vadd.f32 v1, v5  }
0x196: {  	v5 =	vld [tilespmem:s20+$0xFFFFFF80]  }
0x197: {  	v7 =	vadd.f32 v8, v7;
	v8 =	vld [tilespmem:s15+$0xFFFFFFB0];
	v1 =	vmax.f32 v1, $0.0e+00  }
0x198: {  	[tilespmem:s13+$0x60] =	vst v1;
	v1 =	vld [tilespmem:s26+$0xFFFFFFB0]  }
0x199: {  	v3 =	vadd.f32 v61, v3;
	v7 =	vmax.f32 v7, $0.0e+00;
	v62 =	vld [tilespmem:s17+$0x70]  }
0x19a: {  	[tilespmem:s22+$0x30] =	vst v7;
	v7 =	vld [tilespmem:s28+$0x70]  }
0x19b: {  	s19 =	simm.s32 $0x6880;
	v3 =	vmax.f32 v3, $0.0e+00;
	v2 =	vadd.f32 v5, v2;
	v5 =	vld [tilespmem:s15+$0x40]  }
0x19c: {  	[tilespmem:s19+$0x0] =	vst v3;
	v3 =	vld [tilespmem:s26+$0x40]  }
0x19d: {  	v2 =	vmax.f32 v2, $0.0e+00;
	v1 =	vadd.f32 v1, v8;
	v8 =	vld [tilespmem:s16+$0x10]  }
0x19e: {  	[tilespmem:s19+$0xFFFFFF80] =	vst v2;
	v2 =	vld [tilespmem:s20+$0x10]  }
0x19f: {  	v4 =	vadd.f32 v6, v4;
	v6 =	vld [tilespmem:s16+$0xFFFFFF90];
	v1 =	vmax.f32 v1, $0.0e+00  }
0x1a0: {  	[tilespmem:s22+$0xFFFFFFB0] =	vst v1;
	v1 =	vld [tilespmem:s20+$0xFFFFFF90]  }
0x1a1: {  	v4 =	vmax.f32 v4, $0.0e+00;
	v3 =	vadd.f32 v3, v5;
	v5 =	vld [tilespmem:s15+$0xFFFFFFC0]  }
0x1a2: {  	[tilespmem:s13+$0xFFFFFFD0] =	vst v4;
	v4 =	vld [tilespmem:s26+$0xFFFFFFC0]  }
0x1a3: {  	v3 =	vmax.f32 v3, $0.0e+00;
	v2 =	vadd.f32 v2, v8;
	v8 =	vld [tilespmem:s17+$0xFFFFFFE0]  }
0x1a4: {  	[tilespmem:s22+$0x40] =	vst v3;
	v3 =	vld [tilespmem:s28+$0xFFFFFFE0]  }
0x1a5: {  	v2 =	vmax.f32 v2, $0.0e+00;
	v1 =	vadd.f32 v1, v6;
	v6 =	vld [tilespmem:s15+$0x50]  }
0x1a6: {  	[tilespmem:s19+$0x10] =	vst v2;
	v2 =	vld [tilespmem:s26+$0x50]  }
0x1a7: {  	v4 =	vadd.f32 v4, v5;
	v5 =	vld [tilespmem:s16+$0x20];
	v1 =	vmax.f32 v1, $0.0e+00  }
0x1a8: {  	[tilespmem:s19+$0xFFFFFF90] =	vst v1;
	v1 =	vld [tilespmem:s20+$0x20]  }
0x1a9: {  	v3 =	vadd.f32 v3, v8;
	v4 =	vmax.f32 v4, $0.0e+00;
	v8 =	vld [tilespmem:s16+$0xFFFFFFA0]  }
0x1aa: {  	[tilespmem:s22+$0xFFFFFFC0] =	vst v4;
	v4 =	vld [tilespmem:s20+$0xFFFFFFA0]  }
0x1ab: {  	v3 =	vmax.f32 v3, $0.0e+00;
	v2 =	vadd.f32 v2, v6;
	v63 =	vld [tilespmem:s15+$0xFFFFFFD0]  }
0x1ac: {  	[tilespmem:s13+$0xFFFFFFE0] =	vst v3;
	v11 =	vld [tilespmem:s26+$0xFFFFFFD0]  }
0x1ad: {  	v2 =	vmax.f32 v2, $0.0e+00;
	v3 =	vadd.f32 v1, v5;
	v1 =	vld [tilespmem:s17+$0xFFFFFFF0]  }
0x1ae: {  	v5 =	vadd.f32 v7, v62;
	[tilespmem:s22+$0x50] =	vst v2;
	v2 =	vld [tilespmem:s28+$0xFFFFFFF0]  }
0x1af: {  	v6 =	vadd.f32 v4, v8;
	v4 =	vmax.f32 v3, $0.0e+00;
	v3 =	vld [tilespmem:s15+$0x60]  }
0x1b0: {  	v5 =	vmax.f32 v5, $0.0e+00;
	[tilespmem:s19+$0x20] =	vst v4;
	v4 =	vld [tilespmem:s26+$0x60]  }
0x1b1: {  	[tilespmem:s13+$0x70] =	vst v5;
	v7 =	vmax.f32 v6, $0.0e+00;
	v5 =	vadd.f32 v11, v63;
	v6 =	vld [tilespmem:s16+$0x30]  }
0x1b2: {  	s21 =	simm.s32 $0x4080;
	s1 =	simm.s32 $0x4;
	s2 =	simm.s32 $0x1980;
	[tilespmem:s19+$0xFFFFFFA0] =	vst v7;
	v7 =	vld [tilespmem:s20+$0x30]  }
.LBB2_6:
0x1b3: {  	v8 =	vld [tilespmem:s2+$0x0];
	s20 =	sadd.s32 $0x100, s20;
	v5 =	vmax.f32 v5, $0.0e+00;
	v1 =	vadd.f32 v2, v1  }
0x1b4: {  	v2 =	vld [tilespmem:s20+$0x0];
	[tilespmem:s22+$0xFFFFFFD0] =	vst v5  }
0x1b5: {  	v5 =	vld [tilespmem:s20+$0xFFFFFF80];
	v3 =	vadd.f32 v4, v3;
	v1 =	vmax.f32 v1, $0.0e+00  }
0x1b6: {  	v4 =	vld [tilespmem:s2+$0xFFFFFF80];
	[tilespmem:s13+$0xFFFFFFF0] =	vst v1;
	s13 =	smov.u32 s22;
	s22 =	smov.u32 s19  }
0x1b7: {  	v1 =	vld [tilespmem:s16+$0xFFFFFFB0];
	v6 =	vadd.f32 v7, v6;
	v3 =	vmax.f32 v3, $0.0e+00  }
0x1b8: {  	v7 =	vld [tilespmem:s21+$0xFFFFFFB0];
	[tilespmem:s13+$0x60] =	vst v3  }
0x1b9: {  	v2 =	vadd.f32 v2, v8;
	v3 =	vmax.f32 v6, $0.0e+00;
	v6 =	vld [tilespmem:s15+$0x70]  }
0x1ba: {  	[tilespmem:s19+$0x30] =	vst v3;
	v3 =	vld [tilespmem:s26+$0x70]  }
0x1bb: {  	s1 =	sadd.s32 $0x2, s1;
	s19 =	sadd.s32 $0x100, s19;
	v4 =	vadd.f32 v5, v4;
	v2 =	vmax.f32 v2, $0.0e+00;
	v5 =	vld [tilespmem:s16+$0x40]  }
0x1bc: {  	p0 =	slt.u32 s1, $0x26;
	[tilespmem:s19+$0x0] =	vst v2;
	v2 =	vld [tilespmem:s21+$0x40]  }
0x1bd: {  	v4 =	vmax.f32 v4, $0.0e+00;
	v8 =	vld [tilespmem:s2+$0x10];
	v1 =	vadd.f32 v7, v1  }
0x1be: {  	[tilespmem:s19+$0xFFFFFF80] =	vst v4;
	v4 =	vld [tilespmem:s20+$0x10]  }
0x1bf: {  	v7 =	vld [tilespmem:s2+$0xFFFFFF90];
	v1 =	vmax.f32 v1, $0.0e+00;
	v3 =	vadd.f32 v3, v6  }
0x1c0: {  	v6 =	vld [tilespmem:s20+$0xFFFFFF90];
	[tilespmem:s22+$0xFFFFFFB0] =	vst v1  }
0x1c1: {  	v1 =	vld [tilespmem:s16+$0xFFFFFFC0];
	v2 =	vadd.f32 v2, v5;
	v3 =	vmax.f32 v3, $0.0e+00  }
0x1c2: {  	v5 =	vld [tilespmem:s21+$0xFFFFFFC0];
	[tilespmem:s13+$0x70] =	vst v3  }
0x1c3: {  	v3 =	vadd.f32 v4, v8;
	v2 =	vmax.f32 v2, $0.0e+00;
	v4 =	vld [tilespmem:s15+$0xFFFFFFE0]  }
0x1c4: {  	[tilespmem:s22+$0x40] =	vst v2;
	v2 =	vld [tilespmem:s26+$0xFFFFFFE0]  }
0x1c5: {  	v6 =	vadd.f32 v6, v7;
	v3 =	vmax.f32 v3, $0.0e+00;
	v7 =	vld [tilespmem:s16+$0x50]  }
0x1c6: {  	[tilespmem:s19+$0x10] =	vst v3;
	v3 =	vld [tilespmem:s21+$0x50]  }
0x1c7: {  	v6 =	vmax.f32 v6, $0.0e+00;
	v8 =	vld [tilespmem:s2+$0x20];
	v1 =	vadd.f32 v5, v1  }
0x1c8: {  	[tilespmem:s19+$0xFFFFFF90] =	vst v6;
	v5 =	vld [tilespmem:s20+$0x20]  }
0x1c9: {  	v6 =	vld [tilespmem:s2+$0xFFFFFFA0];
	v1 =	vmax.f32 v1, $0.0e+00;
	v2 =	vadd.f32 v2, v4  }
0x1ca: {  	v4 =	vld [tilespmem:s20+$0xFFFFFFA0];
	[tilespmem:s22+$0xFFFFFFC0] =	vst v1  }
0x1cb: {  	v9 =	vld [tilespmem:s16+$0xFFFFFFD0];
	v1 =	vadd.f32 v3, v7;
	v2 =	vmax.f32 v2, $0.0e+00  }
0x1cc: {  	v7 =	vld [tilespmem:s21+$0xFFFFFFD0];
	[tilespmem:s13+$0xFFFFFFE0] =	vst v2  }
0x1cd: {  	v3 =	vadd.f32 v5, v8;
	v2 =	vmax.f32 v1, $0.0e+00;
	v1 =	vld [tilespmem:s15+$0xFFFFFFF0];
	s15 =	smov.u32 s16;
	s16 =	smov.u32 s2  }
.Ltmp2:
0x1ce: {  	[tilespmem:s22+$0x50] =	vst v2;
	v2 =	vld [tilespmem:s26+$0xFFFFFFF0];
	s26 =	smov.u32 s21;
	s21 =	smov.u32 s20;
	(pc) =	sbr.rel @p0 .LBB2_6-.Ltmp2, $4  }
0x1cf: {  	v5 =	vadd.f32 v4, v6;
	v4 =	vmax.f32 v3, $0.0e+00;
	v3 =	vld [tilespmem:s15+$0x60]  }
0x1d0: {  	[tilespmem:s19+$0x20] =	vst v4;
	v4 =	vld [tilespmem:s26+$0x60]  }
0x1d1: {  	v8 =	vmax.f32 v5, $0.0e+00;
	v6 =	vld [tilespmem:s2+$0x30];
	v5 =	vadd.f32 v7, v9  }
0x1d2: {  	s2 =	sadd.s32 $0x100, s2;
	[tilespmem:s19+$0xFFFFFFA0] =	vst v8;
	v7 =	vld [tilespmem:s20+$0x30]  }
0x1d3: {  	v8 =	vld [tilespmem:s16+$0xFFFFFFB0]  }
0x1d4: {  	v9 =	vld [tilespmem:s21+$0xFFFFFFB0];
	_ =	sdelay $0x2  }
0x1d5: {  	v6 =	vadd.f32 v7, v6;
	_ =	sdelay $0x1  }
0x1d6: {  	v53 =	vadd.f32 v9, v8;
	v6 =	vmax.f32 v6, $0.0e+00  }
0x1d7: {  	[tilespmem:s19+$0x30] =	vst v6  }
0x1d8: {  	v7 =	vmax.f32 v53, $0.0e+00;
	v6 =	vld [tilespmem:s16+$0x40]  }
0x1d9: {  	v54 =	vld [tilespmem:s21+$0x40];
	[tilespmem:s19+$0xFFFFFFB0] =	vst v7  }
0x1da: {  	v7 =	vld [tilespmem:s16+$0xFFFFFFC0]  }
0x1db: {  	v55 =	vld [tilespmem:s21+$0xFFFFFFC0];
	_ =	sdelay $0x2  }
0x1dc: {  	v6 =	vadd.f32 v54, v6;
	_ =	sdelay $0x1  }
0x1dd: {  	v7 =	vadd.f32 v55, v7;
	v6 =	vmax.f32 v6, $0.0e+00  }
0x1de: {  	[tilespmem:s19+$0x40] =	vst v6  }
0x1df: {  	v7 =	vmax.f32 v7, $0.0e+00;
	v6 =	vld [tilespmem:s16+$0x50]  }
0x1e0: {  	v56 =	vld [tilespmem:s21+$0x50];
	[tilespmem:s19+$0xFFFFFFC0] =	vst v7  }
0x1e1: {  	v7 =	vld [tilespmem:s16+$0xFFFFFFD0]  }
0x1e2: {  	v57 =	vld [tilespmem:s21+$0xFFFFFFD0];
	_ =	sdelay $0x2  }
0x1e3: {  	v5 =	vmax.f32 v5, $0.0e+00;
	v6 =	vadd.f32 v56, v6  }
0x1e4: {  	[tilespmem:s22+$0xFFFFFFD0] =	vst v5  }
0x1e5: {  	v5 =	vld [tilespmem:s15+$0xFFFFFFE0];
	v7 =	vadd.f32 v57, v7;
	v6 =	vmax.f32 v6, $0.0e+00  }
0x1e6: {  	v58 =	vld [tilespmem:s26+$0xFFFFFFE0];
	[tilespmem:s19+$0x50] =	vst v6  }
0x1e7: {  	v7 =	vmax.f32 v7, $0.0e+00;
	v6 =	vld [tilespmem:s16+$0x60]  }
0x1e8: {  	v59 =	vld [tilespmem:s21+$0x60];
	[tilespmem:s19+$0xFFFFFFD0] =	vst v7  }
0x1e9: {  	v3 =	vadd.f32 v4, v3;
	v60 =	vld [tilespmem:s16+$0xFFFFFFE0]  }
0x1ea: {  	v7 =	vld [tilespmem:s21+$0xFFFFFFE0]  }
0x1eb: {  	v3 =	vmax.f32 v3, $0.0e+00;
	v5 =	vadd.f32 v58, v5  }
0x1ec: {  	[tilespmem:s22+$0x60] =	vst v3  }
0x1ed: {  	v3 =	vld [tilespmem:s15+$0x70];
	v5 =	vmax.f32 v5, $0.0e+00;
	v6 =	vadd.f32 v59, v6  }
0x1ee: {  	v61 =	vld [tilespmem:s26+$0x70];
	[tilespmem:s22+$0xFFFFFFE0] =	vst v5  }
0x1ef: {  	v5 =	vld [tilespmem:s15+$0xFFFFFFF0];
	v4 =	vadd.f32 v7, v60;
	v6 =	vmax.f32 v6, $0.0e+00  }
0x1f0: {  	v62 =	vld [tilespmem:s26+$0xFFFFFFF0];
	[tilespmem:s19+$0x60] =	vst v6  }
0x1f1: {  	v4 =	vmax.f32 v4, $0.0e+00;
	v6 =	vld [tilespmem:s16+$0x70]  }
0x1f2: {  	v63 =	vld [tilespmem:s21+$0x70];
	[tilespmem:s19+$0xFFFFFFE0] =	vst v4  }
0x1f3: {  	v4 =	vld [tilespmem:s16+$0xFFFFFFF0]  }
0x1f4: {  	v10 =	vld [tilespmem:s21+$0xFFFFFFF0]  }
0x1f5: {  	v1 =	vadd.f32 v2, v1  }
0x1f6: {  	v2 =	vadd.f32 v61, v3  }
0x1f7: {  	v1 =	vmax.f32 v1, $0.0e+00;
	v3 =	vadd.f32 v62, v5  }
0x1f8: {  	[tilespmem:s13+$0xFFFFFFF0] =	vst v1;
	v1 =	vmax.f32 v2, $0.0e+00;
	v2 =	vadd.f32 v63, v6  }
0x1f9: {  	[tilespmem:s22+$0x70] =	vst v1;
	v1 =	vmax.f32 v3, $0.0e+00;
	v3 =	vadd.f32 v10, v4  }
0x1fa: {  	[tilespmem:s22+$0xFFFFFFF0] =	vst v1;
	v1 =	vmax.f32 v2, $0.0e+00  }
0x1fb: {  	[tilespmem:s19+$0x70] =	vst v1;
	v1 =	vmax.f32 v3, $0.0e+00  }
0x1fc: {  	[tilespmem:s19+$0xFFFFFFF0] =	vst v1  }
0x1fd: {  	_ =	swait.ge [sflag:s12], $0x28  }
0x1fe: {  	[sflag:s12] =	ssyncset.done $0x0  }
0x1ff: {  	s1 =	simm.s32 $0x6600;
	[sflag:s12] =	ssyncadd.s32 $0xFFFFFFD8  }
0x200: {  	[spmem:s31] =	stream.indirect.scatter.add.f32 [tilespmem:s1], [sflag:$0xA], $0x80, s23, s25, $0xb8;
	[tilespmem:$0x1BA00] =	vst v63  }
0x201: {  	_ =	swait.ge [sflag:s29], $0x28  }
0x202: {  	[sflag:s29] =	ssyncset.done $0x0  }
0x203: {  	s26 =	simm.s32 $0x1600;
	[sflag:s29] =	ssyncadd.s32 $0xFFFFFFD8  }
0x204: {  	[tilespmem:s26], [sflag:$0x6] =	stream.indirect.gather [hbm4b:s30+s25], $0x80, s18, s25, $0xb8;
	[tilespmem:$0x1BA00] =	vst v63  }
0x205: {  	s2 =	simm.s32 $0x3E00;
	s22 =	simm.s32 $0x1;
	s28 =	rddreg [dreg:$0xe]  }
0x206: {  	[tilespmem:s2], [sflag:$0x8] =	stream.linear.gather [hbm4b:s28+s3], $0x1400, $0x38;
	[tilespmem:$0x1BA00] =	vst v63  }
.LBB2_8:
0x207: {  	s26 =	sshll.u32 s22, $0x1;
	_ =	swait.ge [sflag:s0], $0x1400  }
0x208: {  	s1 =	smin.u32 s26, $0xF7;
	[sflag:s0] =	ssyncset.done $0x0;
	s2 =	rddreg [dreg:$0xf]  }
0x209: {  	[sflag:s0] =	ssyncadd.s32 $0xFFFFEC00;
	s28 =	sadd.s32 s1, s2  }
0x20a: {  	_ =	swait.ge [sflag:s4], $0x1400;
	s13 =	smul.u32 $0x5, s28  }
0x20b: {  	[sflag:s4] =	ssyncset.done $0x0;
	s21 =	rddreg [dreg:$0x10]  }
0x20c: {  	[sflag:s4] =	ssyncadd.s32 $0xFFFFEC00;
	s20 =	sadd.s32 s6, s13;
	s1 =	sadd.s32 s26, s21  }
0x20d: {  	[tilespmem:s3], [sflag:$0x1] =	stream.linear.gather [hbm4b:s20+s3], $0x28, $0x38;
	[tilespmem:$0x1BA00] =	vst v63  }
0x20e: {  	s1 =	smul.u32 $0x5, s1;
	_ =	swait.ge [sflag:s14], $0x1400  }
0x20f: {  	[sflag:s14] =	ssyncset.done $0x0  }
0x210: {  	s2 =	simm.s32 $0x280;
	s1 =	sadd.s32 s7, s1;
	[sflag:s14] =	ssyncadd.s32 $0xFFFFEC00  }
0x211: {  	[tilespmem:s23], [sflag:$0x4] =	stream.linear.gather [hbm4b:s1+s3], $0x28, $0x38;
	[tilespmem:$0x1BA00] =	vst v63  }
0x212: {  	s23 =	simm.s32 $0x2A80;
	v1 =	vld [tilespmem:s2+$0x0]  }
0x213: {  	v2 =	vld [tilespmem:s23+$0x0];
	_ =	sdelay $0x4  }
0x214: {  	v1 =	vadd.f32 v2, v1;
	_ =	sdelay $0x1  }
0x215: {  	s17 =	smov.u32 s30;
	s30 =	simm.s32 $0x5280;
	v3 =	vld [tilespmem:s2+$0xFFFFFF80];
	v1 =	vmax.f32 v1, $0.0e+00  }
0x216: {  	v2 =	vld [tilespmem:s23+$0xFFFFFF80];
	[tilespmem:s30+$0x0] =	vst v1  }
0x217: {  	v1 =	vld [tilespmem:s2+$0x10]  }
0x218: {  	v4 =	vld [tilespmem:s23+$0x10];
	_ =	sdelay $0x2  }
0x219: {  	v2 =	vadd.f32 v2, v3;
	_ =	sdelay $0x1  }
0x21a: {  	v2 =	vmax.f32 v2, $0.0e+00;
	v1 =	vadd.f32 v4, v1  }
0x21b: {  	[tilespmem:s30+$0xFFFFFF80] =	vst v2  }
0x21c: {  	v2 =	vld [tilespmem:s2+$0xFFFFFF90];
	v1 =	vmax.f32 v1, $0.0e+00  }
0x21d: {  	v3 =	vld [tilespmem:s23+$0xFFFFFF90];
	[tilespmem:s30+$0x10] =	vst v1  }
0x21e: {  	v1 =	vld [tilespmem:s2+$0x20]  }
0x21f: {  	v4 =	vld [tilespmem:s23+$0x20];
	_ =	sdelay $0x2  }
0x220: {  	v2 =	vadd.f32 v3, v2;
	_ =	sdelay $0x1  }
0x221: {  	v2 =	vmax.f32 v2, $0.0e+00;
	v1 =	vadd.f32 v4, v1  }
0x222: {  	[tilespmem:s30+$0xFFFFFF90] =	vst v2  }
0x223: {  	v2 =	vld [tilespmem:s2+$0xFFFFFFA0];
	v1 =	vmax.f32 v1, $0.0e+00  }
0x224: {  	v3 =	vld [tilespmem:s23+$0xFFFFFFA0];
	[tilespmem:s30+$0x20] =	vst v1  }
0x225: {  	v1 =	vld [tilespmem:s2+$0x30]  }
0x226: {  	s16 =	simm.s32 $0x380;
	v4 =	vld [tilespmem:s23+$0x30]  }
0x227: {  	s15 =	simm.s32 $0x2B80;
	v5 =	vld [tilespmem:s16+$0x0]  }
0x228: {  	v6 =	vld [tilespmem:s15+$0x0]  }
0x229: {  	v2 =	vadd.f32 v3, v2;
	_ =	sdelay $0x1  }
0x22a: {  	v3 =	vld [tilespmem:s15+$0xFFFFFF80];
	v2 =	vmax.f32 v2, $0.0e+00;
	v1 =	vadd.f32 v4, v1  }
0x22b: {  	[tilespmem:s30+$0xFFFFFFA0] =	vst v2;
	v2 =	vld [tilespmem:s16+$0xFFFFFF80]  }
0x22c: {  	v5 =	vadd.f32 v6, v5;
	v4 =	vld [tilespmem:s2+$0xFFFFFFB0];
	v1 =	vmax.f32 v1, $0.0e+00  }
0x22d: {  	v6 =	vld [tilespmem:s23+$0xFFFFFFB0];
	[tilespmem:s30+$0x30] =	vst v1  }
0x22e: {  	s18 =	smov.u32 s31;
	s31 =	simm.s32 $0x5380;
	v1 =	vmax.f32 v5, $0.0e+00;
	v5 =	vld [tilespmem:s2+$0x40]  }
0x22f: {  	[tilespmem:s31+$0x0] =	vst v1;
	v1 =	vld [tilespmem:s23+$0x40]  }
0x230: {  	v2 =	vadd.f32 v3, v2;
	v3 =	vld [tilespmem:s16+$0x10]  }
0x231: {  	v7 =	vld [tilespmem:s15+$0x10]  }
0x232: {  	v4 =	vadd.f32 v6, v4;
	v2 =	vmax.f32 v2, $0.0e+00  }
0x233: {  	[tilespmem:s31+$0xFFFFFF80] =	vst v2  }
0x234: {  	v4 =	vmax.f32 v4, $0.0e+00;
	v2 =	vld [tilespmem:s16+$0xFFFFFF90];
	v1 =	vadd.f32 v1, v5  }
0x235: {  	[tilespmem:s30+$0xFFFFFFB0] =	vst v4;
	v5 =	vld [tilespmem:s15+$0xFFFFFF90]  }
0x236: {  	v4 =	vld [tilespmem:s2+$0xFFFFFFC0];
	v3 =	vadd.f32 v7, v3;
	v1 =	vmax.f32 v1, $0.0e+00  }
0x237: {  	v6 =	vld [tilespmem:s23+$0xFFFFFFC0];
	[tilespmem:s30+$0x40] =	vst v1  }
0x238: {  	v1 =	vmax.f32 v3, $0.0e+00;
	v3 =	vld [tilespmem:s2+$0x50]  }
0x239: {  	[tilespmem:s31+$0x10] =	vst v1;
	v1 =	vld [tilespmem:s23+$0x50]  }
0x23a: {  	v2 =	vadd.f32 v5, v2;
	v5 =	vld [tilespmem:s16+$0x20]  }
0x23b: {  	v7 =	vld [tilespmem:s15+$0x20];
	_ =	sdelay $0x1  }
0x23c: {  	s21 =	simm.s32 $0x2C80;
	v4 =	vadd.f32 v6, v4;
	v2 =	vmax.f32 v2, $0.0e+00  }
0x23d: {  	v9 =	vld [tilespmem:s21+$0x0];
	[tilespmem:s31+$0xFFFFFF90] =	vst v2;
	v1 =	vadd.f32 v1, v3  }
0x23e: {  	v4 =	vmax.f32 v4, $0.0e+00;
	v2 =	vld [tilespmem:s16+$0xFFFFFFA0]  }
0x23f: {  	[tilespmem:s30+$0xFFFFFFC0] =	vst v4;
	v3 =	vld [tilespmem:s15+$0xFFFFFFA0];
	v5 =	vadd.f32 v7, v5;
	v1 =	vmax.f32 v1, $0.0e+00  }
0x240: {  	v4 =	vld [tilespmem:s2+$0xFFFFFFD0];
	[tilespmem:s30+$0x50] =	vst v1  }
0x241: {  	v1 =	vmax.f32 v5, $0.0e+00;
	v5 =	vld [tilespmem:s2+$0x60]  }
0x242: {  	[tilespmem:s31+$0x20] =	vst v1;
	v1 =	vld [tilespmem:s23+$0x60]  }
0x243: {  	v7 =	vld [tilespmem:s16+$0x30]  }
0x244: {  	v8 =	vld [tilespmem:s15+$0x30];
	v2 =	vadd.f32 v3, v2  }
0x245: {  	s19 =	simm.s32 $0x480;
	v6 =	vld [tilespmem:s23+$0xFFFFFFD0]  }
0x246: {  	v3 =	vld [tilespmem:s19+$0x0];
	v2 =	vmax.f32 v2, $0.0e+00  }
0x247: {  	[tilespmem:s31+$0xFFFFFFA0] =	vst v2;
	v2 =	vld [tilespmem:s19+$0xFFFFFF80];
	v1 =	vadd.f32 v1, v5  }
0x248: {  	v5 =	vld [tilespmem:s21+$0xFFFFFF80]  }
0x249: {  	v7 =	vadd.f32 v8, v7;
	v8 =	vld [tilespmem:s16+$0xFFFFFFB0];
	v1 =	vmax.f32 v1, $0.0e+00  }
0x24a: {  	[tilespmem:s30+$0x60] =	vst v1;
	v1 =	vld [tilespmem:s15+$0xFFFFFFB0]  }
0x24b: {  	v3 =	vadd.f32 v9, v3;
	v7 =	vmax.f32 v7, $0.0e+00;
	v63 =	vld [tilespmem:s2+$0x70]  }
0x24c: {  	[tilespmem:s31+$0x30] =	vst v7;
	v7 =	vld [tilespmem:s23+$0x70]  }
0x24d: {  	s20 =	simm.s32 $0x5480;
	v3 =	vmax.f32 v3, $0.0e+00;
	v2 =	vadd.f32 v5, v2;
	v5 =	vld [tilespmem:s16+$0x40]  }
0x24e: {  	[tilespmem:s20+$0x0] =	vst v3;
	v3 =	vld [tilespmem:s15+$0x40]  }
0x24f: {  	v2 =	vmax.f32 v2, $0.0e+00;
	v1 =	vadd.f32 v1, v8;
	v8 =	vld [tilespmem:s19+$0x10]  }
0x250: {  	[tilespmem:s20+$0xFFFFFF80] =	vst v2;
	v2 =	vld [tilespmem:s21+$0x10]  }
0x251: {  	v4 =	vadd.f32 v6, v4;
	v6 =	vld [tilespmem:s19+$0xFFFFFF90];
	v1 =	vmax.f32 v1, $0.0e+00  }
0x252: {  	[tilespmem:s31+$0xFFFFFFB0] =	vst v1;
	v1 =	vld [tilespmem:s21+$0xFFFFFF90]  }
0x253: {  	v4 =	vmax.f32 v4, $0.0e+00;
	v3 =	vadd.f32 v3, v5;
	v5 =	vld [tilespmem:s16+$0xFFFFFFC0]  }
0x254: {  	[tilespmem:s30+$0xFFFFFFD0] =	vst v4;
	v4 =	vld [tilespmem:s15+$0xFFFFFFC0]  }
0x255: {  	v3 =	vmax.f32 v3, $0.0e+00;
	v2 =	vadd.f32 v2, v8;
	v8 =	vld [tilespmem:s2+$0xFFFFFFE0]  }
0x256: {  	[tilespmem:s31+$0x40] =	vst v3;
	v3 =	vld [tilespmem:s23+$0xFFFFFFE0]  }
0x257: {  	v2 =	vmax.f32 v2, $0.0e+00;
	v1 =	vadd.f32 v1, v6;
	v6 =	vld [tilespmem:s16+$0x50]  }
0x258: {  	[tilespmem:s20+$0x10] =	vst v2;
	v2 =	vld [tilespmem:s15+$0x50]  }
0x259: {  	v4 =	vadd.f32 v4, v5;
	v5 =	vld [tilespmem:s19+$0x20];
	v1 =	vmax.f32 v1, $0.0e+00  }
0x25a: {  	[tilespmem:s20+$0xFFFFFF90] =	vst v1;
	v1 =	vld [tilespmem:s21+$0x20]  }
0x25b: {  	v3 =	vadd.f32 v3, v8;
	v4 =	vmax.f32 v4, $0.0e+00;
	v8 =	vld [tilespmem:s19+$0xFFFFFFA0]  }
0x25c: {  	[tilespmem:s31+$0xFFFFFFC0] =	vst v4;
	v4 =	vld [tilespmem:s21+$0xFFFFFFA0]  }
0x25d: {  	v3 =	vmax.f32 v3, $0.0e+00;
	v2 =	vadd.f32 v2, v6;
	v10 =	vld [tilespmem:s16+$0xFFFFFFD0]  }
0x25e: {  	[tilespmem:s30+$0xFFFFFFE0] =	vst v3;
	v11 =	vld [tilespmem:s15+$0xFFFFFFD0]  }
0x25f: {  	v2 =	vmax.f32 v2, $0.0e+00;
	v3 =	vadd.f32 v1, v5;
	v1 =	vld [tilespmem:s2+$0xFFFFFFF0]  }
0x260: {  	v5 =	vadd.f32 v7, v63;
	[tilespmem:s31+$0x50] =	vst v2;
	v2 =	vld [tilespmem:s23+$0xFFFFFFF0]  }
0x261: {  	v6 =	vadd.f32 v4, v8;
	v4 =	vmax.f32 v3, $0.0e+00;
	v3 =	vld [tilespmem:s16+$0x60]  }
0x262: {  	v5 =	vmax.f32 v5, $0.0e+00;
	[tilespmem:s20+$0x20] =	vst v4;
	v4 =	vld [tilespmem:s15+$0x60]  }
0x263: {  	[tilespmem:s30+$0x70] =	vst v5;
	v7 =	vmax.f32 v6, $0.0e+00;
	v5 =	vadd.f32 v11, v10;
	v6 =	vld [tilespmem:s19+$0x30]  }
0x264: {  	s1 =	simm.s32 $0x4;
	s23 =	simm.s32 $0x580;
	s2 =	simm.s32 $0x2C80;
	[tilespmem:s20+$0xFFFFFFA0] =	vst v7;
	v7 =	vld [tilespmem:s21+$0x30]  }
.LBB2_9:
0x265: {  	v8 =	vld [tilespmem:s23+$0x0];
	s21 =	sadd.s32 $0x100, s21;
	v5 =	vmax.f32 v5, $0.0e+00;
	v1 =	vadd.f32 v2, v1  }
0x266: {  	v2 =	vld [tilespmem:s21+$0x0];
	[tilespmem:s31+$0xFFFFFFD0] =	vst v5  }
0x267: {  	v5 =	vld [tilespmem:s21+$0xFFFFFF80];
	v3 =	vadd.f32 v4, v3;
	v1 =	vmax.f32 v1, $0.0e+00  }
0x268: {  	v4 =	vld [tilespmem:s23+$0xFFFFFF80];
	[tilespmem:s30+$0xFFFFFFF0] =	vst v1;
	s30 =	smov.u32 s31;
	s31 =	smov.u32 s20  }
0x269: {  	v1 =	vld [tilespmem:s19+$0xFFFFFFB0];
	v6 =	vadd.f32 v7, v6;
	v3 =	vmax.f32 v3, $0.0e+00  }
0x26a: {  	v7 =	vld [tilespmem:s2+$0xFFFFFFB0];
	[tilespmem:s30+$0x60] =	vst v3  }
0x26b: {  	v2 =	vadd.f32 v2, v8;
	v3 =	vmax.f32 v6, $0.0e+00;
	v6 =	vld [tilespmem:s16+$0x70]  }
0x26c: {  	[tilespmem:s20+$0x30] =	vst v3;
	v3 =	vld [tilespmem:s15+$0x70]  }
0x26d: {  	s1 =	sadd.s32 $0x2, s1;
	s20 =	sadd.s32 $0x100, s20;
	v4 =	vadd.f32 v5, v4;
	v2 =	vmax.f32 v2, $0.0e+00;
	v5 =	vld [tilespmem:s19+$0x40]  }
0x26e: {  	p0 =	slt.u32 s1, $0x26;
	[tilespmem:s20+$0x0] =	vst v2;
	v2 =	vld [tilespmem:s2+$0x40]  }
0x26f: {  	v4 =	vmax.f32 v4, $0.0e+00;
	v8 =	vld [tilespmem:s23+$0x10];
	v1 =	vadd.f32 v7, v1  }
0x270: {  	[tilespmem:s20+$0xFFFFFF80] =	vst v4;
	v4 =	vld [tilespmem:s21+$0x10]  }
0x271: {  	v7 =	vld [tilespmem:s23+$0xFFFFFF90];
	v1 =	vmax.f32 v1, $0.0e+00;
	v3 =	vadd.f32 v3, v6  }
0x272: {  	v6 =	vld [tilespmem:s21+$0xFFFFFF90];
	[tilespmem:s31+$0xFFFFFFB0] =	vst v1  }
0x273: {  	v1 =	vld [tilespmem:s19+$0xFFFFFFC0];
	v2 =	vadd.f32 v2, v5;
	v3 =	vmax.f32 v3, $0.0e+00  }
0x274: {  	v5 =	vld [tilespmem:s2+$0xFFFFFFC0];
	[tilespmem:s30+$0x70] =	vst v3  }
0x275: {  	v3 =	vadd.f32 v4, v8;
	v2 =	vmax.f32 v2, $0.0e+00;
	v4 =	vld [tilespmem:s16+$0xFFFFFFE0]  }
0x276: {  	[tilespmem:s31+$0x40] =	vst v2;
	v2 =	vld [tilespmem:s15+$0xFFFFFFE0]  }
0x277: {  	v6 =	vadd.f32 v6, v7;
	v3 =	vmax.f32 v3, $0.0e+00;
	v7 =	vld [tilespmem:s19+$0x50]  }
0x278: {  	[tilespmem:s20+$0x10] =	vst v3;
	v3 =	vld [tilespmem:s2+$0x50]  }
0x279: {  	v6 =	vmax.f32 v6, $0.0e+00;
	v8 =	vld [tilespmem:s23+$0x20];
	v1 =	vadd.f32 v5, v1  }
0x27a: {  	[tilespmem:s20+$0xFFFFFF90] =	vst v6;
	v5 =	vld [tilespmem:s21+$0x20]  }
0x27b: {  	v6 =	vld [tilespmem:s23+$0xFFFFFFA0];
	v1 =	vmax.f32 v1, $0.0e+00;
	v2 =	vadd.f32 v2, v4  }
0x27c: {  	v4 =	vld [tilespmem:s21+$0xFFFFFFA0];
	[tilespmem:s31+$0xFFFFFFC0] =	vst v1  }
0x27d: {  	v9 =	vld [tilespmem:s19+$0xFFFFFFD0];
	v1 =	vadd.f32 v3, v7;
	v2 =	vmax.f32 v2, $0.0e+00  }
0x27e: {  	v7 =	vld [tilespmem:s2+$0xFFFFFFD0];
	[tilespmem:s30+$0xFFFFFFE0] =	vst v2  }
0x27f: {  	v3 =	vadd.f32 v5, v8;
	v2 =	vmax.f32 v1, $0.0e+00;
	v1 =	vld [tilespmem:s16+$0xFFFFFFF0];
	s16 =	smov.u32 s19;
	s19 =	smov.u32 s23  }
.Ltmp3:
0x280: {  	[tilespmem:s31+$0x50] =	vst v2;
	v2 =	vld [tilespmem:s15+$0xFFFFFFF0];
	s15 =	smov.u32 s2;
	s2 =	smov.u32 s21;
	(pc) =	sbr.rel @p0 .LBB2_9-.Ltmp3, $4  }
0x281: {  	v5 =	vadd.f32 v4, v6;
	v4 =	vmax.f32 v3, $0.0e+00;
	v3 =	vld [tilespmem:s16+$0x60]  }
0x282: {  	[tilespmem:s20+$0x20] =	vst v4;
	v4 =	vld [tilespmem:s15+$0x60]  }
0x283: {  	v8 =	vmax.f32 v5, $0.0e+00;
	v6 =	vld [tilespmem:s23+$0x30];
	v5 =	vadd.f32 v7, v9  }
0x284: {  	s23 =	sadd.s32 $0x100, s23;
	[tilespmem:s20+$0xFFFFFFA0] =	vst v8;
	v7 =	vld [tilespmem:s21+$0x30]  }
0x285: {  	v8 =	vld [tilespmem:s19+$0xFFFFFFB0]  }
0x286: {  	v9 =	vld [tilespmem:s2+$0xFFFFFFB0];
	_ =	sdelay $0x2  }
0x287: {  	v6 =	vadd.f32 v7, v6;
	_ =	sdelay $0x1  }
0x288: {  	v7 =	vadd.f32 v9, v8;
	v6 =	vmax.f32 v6, $0.0e+00  }
0x289: {  	[tilespmem:s20+$0x30] =	vst v6  }
0x28a: {  	v7 =	vmax.f32 v7, $0.0e+00;
	v6 =	vld [tilespmem:s19+$0x40]  }
0x28b: {  	v8 =	vld [tilespmem:s2+$0x40];
	[tilespmem:s20+$0xFFFFFFB0] =	vst v7  }
0x28c: {  	v7 =	vld [tilespmem:s19+$0xFFFFFFC0]  }
0x28d: {  	v57 =	vld [tilespmem:s2+$0xFFFFFFC0];
	_ =	sdelay $0x2  }
0x28e: {  	v6 =	vadd.f32 v8, v6;
	_ =	sdelay $0x1  }
0x28f: {  	v7 =	vadd.f32 v57, v7;
	v6 =	vmax.f32 v6, $0.0e+00  }
0x290: {  	[tilespmem:s20+$0x40] =	vst v6  }
0x291: {  	v7 =	vmax.f32 v7, $0.0e+00;
	v6 =	vld [tilespmem:s19+$0x50]  }
0x292: {  	v8 =	vld [tilespmem:s2+$0x50];
	[tilespmem:s20+$0xFFFFFFC0] =	vst v7  }
0x293: {  	v7 =	vld [tilespmem:s19+$0xFFFFFFD0]  }
0x294: {  	v58 =	vld [tilespmem:s2+$0xFFFFFFD0];
	_ =	sdelay $0x2  }
0x295: {  	v5 =	vmax.f32 v5, $0.0e+00;
	v6 =	vadd.f32 v8, v6  }
0x296: {  	[tilespmem:s31+$0xFFFFFFD0] =	vst v5  }
0x297: {  	v5 =	vld [tilespmem:s16+$0xFFFFFFE0];
	v7 =	vadd.f32 v58, v7;
	v6 =	vmax.f32 v6, $0.0e+00  }
0x298: {  	v8 =	vld [tilespmem:s15+$0xFFFFFFE0];
	[tilespmem:s20+$0x50] =	vst v6  }
0x299: {  	v7 =	vmax.f32 v7, $0.0e+00;
	v6 =	vld [tilespmem:s19+$0x60]  }
0x29a: {  	v59 =	vld [tilespmem:s2+$0x60];
	[tilespmem:s20+$0xFFFFFFD0] =	vst v7  }
0x29b: {  	v3 =	vadd.f32 v4, v3;
	v4 =	vld [tilespmem:s19+$0xFFFFFFE0]  }
0x29c: {  	v7 =	vld [tilespmem:s2+$0xFFFFFFE0]  }
0x29d: {  	v3 =	vmax.f32 v3, $0.0e+00;
	v5 =	vadd.f32 v8, v5  }
0x29e: {  	[tilespmem:s31+$0x60] =	vst v3  }
0x29f: {  	v3 =	vld [tilespmem:s16+$0x70];
	v5 =	vmax.f32 v5, $0.0e+00;
	v6 =	vadd.f32 v59, v6  }
0x2a0: {  	v8 =	vld [tilespmem:s15+$0x70];
	[tilespmem:s31+$0xFFFFFFE0] =	vst v5  }
0x2a1: {  	v5 =	vld [tilespmem:s16+$0xFFFFFFF0];
	v4 =	vadd.f32 v7, v4;
	v6 =	vmax.f32 v6, $0.0e+00  }
0x2a2: {  	v7 =	vld [tilespmem:s15+$0xFFFFFFF0];
	[tilespmem:s20+$0x60] =	vst v6  }
0x2a3: {  	v4 =	vmax.f32 v4, $0.0e+00;
	v6 =	vld [tilespmem:s19+$0x70]  }
0x2a4: {  	v60 =	vld [tilespmem:s2+$0x70];
	[tilespmem:s20+$0xFFFFFFE0] =	vst v4  }
0x2a5: {  	v4 =	vld [tilespmem:s19+$0xFFFFFFF0]  }
0x2a6: {  	v10 =	vld [tilespmem:s2+$0xFFFFFFF0]  }
0x2a7: {  	v1 =	vadd.f32 v2, v1  }
0x2a8: {  	v2 =	vadd.f32 v8, v3  }
0x2a9: {  	v1 =	vmax.f32 v1, $0.0e+00;
	v3 =	vadd.f32 v7, v5  }
0x2aa: {  	[tilespmem:s30+$0xFFFFFFF0] =	vst v1;
	v1 =	vmax.f32 v2, $0.0e+00;
	v2 =	vadd.f32 v60, v6  }
0x2ab: {  	[tilespmem:s31+$0x70] =	vst v1;
	v1 =	vmax.f32 v3, $0.0e+00;
	v3 =	vadd.f32 v10, v4  }
0x2ac: {  	[tilespmem:s31+$0xFFFFFFF0] =	vst v1;
	v1 =	vmax.f32 v2, $0.0e+00  }
0x2ad: {  	[tilespmem:s20+$0x70] =	vst v1;
	v1 =	vmax.f32 v3, $0.0e+00  }
0x2ae: {  	[tilespmem:s20+$0xFFFFFFF0] =	vst v1  }
0x2af: {  	_ =	swait.ge [sflag:s8], $0x28  }
0x2b0: {  	[sflag:s8] =	ssyncset.done $0x0  }
0x2b1: {  	s1 =	simm.s32 $0x5200;
	s15 =	simm.s32 $0x100;
	[sflag:s8] =	ssyncadd.s32 $0xFFFFFFD8  }
0x2b2: {  	[spmem:s18] =	stream.indirect.scatter.add.f32 [tilespmem:s1], [sflag:$0x9], $0x80, s15, s25, $0xb8;
	[tilespmem:$0x1BA00] =	vst v63  }
0x2b3: {  	_ =	swait.ge [sflag:s24], $0x28  }
0x2b4: {  	s16 =	smul.u32 $0x280, s28;
	[sflag:s24] =	ssyncset.done $0x0  }
0x2b5: {  	s31 =	smov.u32 s18;
	s18 =	simm.s32 $0x200;
	[sflag:s24] =	ssyncadd.s32 $0xFFFFFFD8  }
0x2b6: {  	[tilespmem:s18], [sflag:$0x5] =	stream.indirect.gather [hbm4b:s17+s25], $0x80, s3, s25, $0xb8;
	[tilespmem:$0x1BA00] =	vst v63  }
0x2b7: {  	s19 =	simm.s32 $0x2A00;
	s1 =	sadd.s32 s5, s16  }
0x2b8: {  	[tilespmem:s19], [sflag:$0x7] =	stream.linear.gather [hbm4b:s1+s3], $0x1400, $0x38;
	[tilespmem:$0x1BA00] =	vst v63  }
0x2b9: {  	_ =	swait.ge [sflag:s9], $0x1400  }
0x2ba: {  	s20 =	smin.u32 s26, $0xF6;
	[sflag:s9] =	ssyncset.done $0x0;
	s21 =	rddreg [dreg:$0x11]  }
0x2bb: {  	[sflag:s9] =	ssyncadd.s32 $0xFFFFEC00;
	s26 =	sadd.s32 s20, s21  }
0x2bc: {  	_ =	swait.ge [sflag:s10], $0x1400;
	s1 =	smul.u32 $0x5, s26  }
0x2bd: {  	[sflag:s10] =	ssyncset.done $0x0  }
0x2be: {  	s18 =	simm.s32 $0x80;
	[sflag:s10] =	ssyncadd.s32 $0xFFFFEC00;
	s1 =	sadd.s32 s6, s1  }
0x2bf: {  	[tilespmem:s18], [sflag:$0x2] =	stream.linear.gather [hbm4b:s1+s3], $0x28, $0x38;
	[tilespmem:$0x1BA00] =	vst v63  }
0x2c0: {  	_ =	swait.ge [sflag:s11], $0x1400  }
0x2c1: {  	[sflag:s11] =	ssyncset.done $0x0  }
0x2c2: {  	s23 =	sadd.s32 s7, s13;
	s2 =	simm.s32 $0x1680;
	[sflag:s11] =	ssyncadd.s32 $0xFFFFEC00  }
0x2c3: {  	[tilespmem:s15], [sflag:$0x3] =	stream.linear.gather [hbm4b:s23+s3], $0x28, $0x38;
	[tilespmem:$0x1BA00] =	vst v63  }
0x2c4: {  	s23 =	simm.s32 $0x3E80;
	v1 =	vld [tilespmem:s2+$0x0]  }
0x2c5: {  	v2 =	vld [tilespmem:s23+$0x0];
	_ =	sdelay $0x4  }
0x2c6: {  	v1 =	vadd.f32 v2, v1;
	_ =	sdelay $0x1  }
0x2c7: {  	s13 =	simm.s32 $0x6680;
	v3 =	vld [tilespmem:s2+$0xFFFFFF80];
	v1 =	vmax.f32 v1, $0.0e+00  }
0x2c8: {  	v2 =	vld [tilespmem:s23+$0xFFFFFF80];
	[tilespmem:s13+$0x0] =	vst v1  }
0x2c9: {  	v1 =	vld [tilespmem:s2+$0x10]  }
0x2ca: {  	v4 =	vld [tilespmem:s23+$0x10];
	_ =	sdelay $0x2  }
0x2cb: {  	v2 =	vadd.f32 v2, v3;
	_ =	sdelay $0x1  }
0x2cc: {  	v2 =	vmax.f32 v2, $0.0e+00;
	v1 =	vadd.f32 v4, v1  }
0x2cd: {  	[tilespmem:s13+$0xFFFFFF80] =	vst v2  }
0x2ce: {  	v2 =	vld [tilespmem:s2+$0xFFFFFF90];
	v1 =	vmax.f32 v1, $0.0e+00  }
0x2cf: {  	v3 =	vld [tilespmem:s23+$0xFFFFFF90];
	[tilespmem:s13+$0x10] =	vst v1  }
0x2d0: {  	v1 =	vld [tilespmem:s2+$0x20]  }
0x2d1: {  	v4 =	vld [tilespmem:s23+$0x20];
	_ =	sdelay $0x2  }
0x2d2: {  	v2 =	vadd.f32 v3, v2;
	_ =	sdelay $0x1  }
0x2d3: {  	v2 =	vmax.f32 v2, $0.0e+00;
	v1 =	vadd.f32 v4, v1  }
0x2d4: {  	[tilespmem:s13+$0xFFFFFF90] =	vst v2  }
0x2d5: {  	v2 =	vld [tilespmem:s2+$0xFFFFFFA0];
	v1 =	vmax.f32 v1, $0.0e+00  }
0x2d6: {  	v3 =	vld [tilespmem:s23+$0xFFFFFFA0];
	[tilespmem:s13+$0x20] =	vst v1  }
0x2d7: {  	v1 =	vld [tilespmem:s2+$0x30]  }
0x2d8: {  	s16 =	simm.s32 $0x1780;
	v4 =	vld [tilespmem:s23+$0x30]  }
0x2d9: {  	s15 =	simm.s32 $0x3F80;
	v5 =	vld [tilespmem:s16+$0x0]  }
0x2da: {  	v6 =	vld [tilespmem:s15+$0x0]  }
0x2db: {  	v2 =	vadd.f32 v3, v2;
	_ =	sdelay $0x1  }
0x2dc: {  	v3 =	vld [tilespmem:s15+$0xFFFFFF80];
	v2 =	vmax.f32 v2, $0.0e+00;
	v1 =	vadd.f32 v4, v1  }
0x2dd: {  	[tilespmem:s13+$0xFFFFFFA0] =	vst v2;
	v2 =	vld [tilespmem:s16+$0xFFFFFF80]  }
0x2de: {  	v5 =	vadd.f32 v6, v5;
	v4 =	vld [tilespmem:s2+$0xFFFFFFB0];
	v1 =	vmax.f32 v1, $0.0e+00  }
0x2df: {  	v6 =	vld [tilespmem:s23+$0xFFFFFFB0];
	[tilespmem:s13+$0x30] =	vst v1  }
0x2e0: {  	s28 =	simm.s32 $0x6780;
	v1 =	vmax.f32 v5, $0.0e+00;
	v5 =	vld [tilespmem:s2+$0x40]  }
0x2e1: {  	[tilespmem:s28+$0x0] =	vst v1;
	v1 =	vld [tilespmem:s23+$0x40]  }
0x2e2: {  	v2 =	vadd.f32 v3, v2;
	v3 =	vld [tilespmem:s16+$0x10]  }
0x2e3: {  	v7 =	vld [tilespmem:s15+$0x10]  }
0x2e4: {  	v4 =	vadd.f32 v6, v4;
	v2 =	vmax.f32 v2, $0.0e+00  }
0x2e5: {  	[tilespmem:s28+$0xFFFFFF80] =	vst v2  }
0x2e6: {  	v4 =	vmax.f32 v4, $0.0e+00;
	v2 =	vld [tilespmem:s16+$0xFFFFFF90];
	v1 =	vadd.f32 v1, v5  }
0x2e7: {  	[tilespmem:s13+$0xFFFFFFB0] =	vst v4;
	v5 =	vld [tilespmem:s15+$0xFFFFFF90]  }
0x2e8: {  	v4 =	vld [tilespmem:s2+$0xFFFFFFC0];
	v3 =	vadd.f32 v7, v3;
	v1 =	vmax.f32 v1, $0.0e+00  }
0x2e9: {  	v6 =	vld [tilespmem:s23+$0xFFFFFFC0];
	[tilespmem:s13+$0x40] =	vst v1  }
0x2ea: {  	v1 =	vmax.f32 v3, $0.0e+00;
	v3 =	vld [tilespmem:s2+$0x50]  }
0x2eb: {  	[tilespmem:s28+$0x10] =	vst v1;
	v1 =	vld [tilespmem:s23+$0x50]  }
0x2ec: {  	v2 =	vadd.f32 v5, v2;
	v5 =	vld [tilespmem:s16+$0x20]  }
0x2ed: {  	v7 =	vld [tilespmem:s15+$0x20];
	_ =	sdelay $0x1  }
0x2ee: {  	s21 =	simm.s32 $0x4080;
	v4 =	vadd.f32 v6, v4;
	v2 =	vmax.f32 v2, $0.0e+00  }
0x2ef: {  	v61 =	vld [tilespmem:s21+$0x0];
	[tilespmem:s28+$0xFFFFFF90] =	vst v2;
	v1 =	vadd.f32 v1, v3  }
0x2f0: {  	v4 =	vmax.f32 v4, $0.0e+00;
	v2 =	vld [tilespmem:s16+$0xFFFFFFA0]  }
0x2f1: {  	[tilespmem:s13+$0xFFFFFFC0] =	vst v4;
	v3 =	vld [tilespmem:s15+$0xFFFFFFA0];
	v5 =	vadd.f32 v7, v5;
	v1 =	vmax.f32 v1, $0.0e+00  }
0x2f2: {  	v4 =	vld [tilespmem:s2+$0xFFFFFFD0];
	[tilespmem:s13+$0x50] =	vst v1  }
0x2f3: {  	v1 =	vmax.f32 v5, $0.0e+00;
	v5 =	vld [tilespmem:s2+$0x60]  }
0x2f4: {  	[tilespmem:s28+$0x20] =	vst v1;
	v1 =	vld [tilespmem:s23+$0x60]  }
0x2f5: {  	v7 =	vld [tilespmem:s16+$0x30]  }
0x2f6: {  	v8 =	vld [tilespmem:s15+$0x30];
	v2 =	vadd.f32 v3, v2  }
0x2f7: {  	s19 =	simm.s32 $0x1880;
	v6 =	vld [tilespmem:s23+$0xFFFFFFD0]  }
0x2f8: {  	v3 =	vld [tilespmem:s19+$0x0];
	v2 =	vmax.f32 v2, $0.0e+00  }
0x2f9: {  	[tilespmem:s28+$0xFFFFFFA0] =	vst v2;
	v2 =	vld [tilespmem:s19+$0xFFFFFF80];
	v1 =	vadd.f32 v1, v5  }
0x2fa: {  	v5 =	vld [tilespmem:s21+$0xFFFFFF80]  }
0x2fb: {  	v7 =	vadd.f32 v8, v7;
	v8 =	vld [tilespmem:s16+$0xFFFFFFB0];
	v1 =	vmax.f32 v1, $0.0e+00  }
0x2fc: {  	[tilespmem:s13+$0x60] =	vst v1;
	v1 =	vld [tilespmem:s15+$0xFFFFFFB0]  }
0x2fd: {  	v3 =	vadd.f32 v61, v3;
	v7 =	vmax.f32 v7, $0.0e+00;
	v62 =	vld [tilespmem:s2+$0x70]  }
0x2fe: {  	[tilespmem:s28+$0x30] =	vst v7;
	v7 =	vld [tilespmem:s23+$0x70]  }
0x2ff: {  	s20 =	simm.s32 $0x6880;
	v3 =	vmax.f32 v3, $0.0e+00;
	v2 =	vadd.f32 v5, v2;
	v5 =	vld [tilespmem:s16+$0x40]  }
0x300: {  	[tilespmem:s20+$0x0] =	vst v3;
	v3 =	vld [tilespmem:s15+$0x40]  }
0x301: {  	v2 =	vmax.f32 v2, $0.0e+00;
	v1 =	vadd.f32 v1, v8;
	v8 =	vld [tilespmem:s19+$0x10]  }
0x302: {  	[tilespmem:s20+$0xFFFFFF80] =	vst v2;
	v2 =	vld [tilespmem:s21+$0x10]  }
0x303: {  	v4 =	vadd.f32 v6, v4;
	v6 =	vld [tilespmem:s19+$0xFFFFFF90];
	v1 =	vmax.f32 v1, $0.0e+00  }
0x304: {  	[tilespmem:s28+$0xFFFFFFB0] =	vst v1;
	v1 =	vld [tilespmem:s21+$0xFFFFFF90]  }
0x305: {  	v4 =	vmax.f32 v4, $0.0e+00;
	v3 =	vadd.f32 v3, v5;
	v5 =	vld [tilespmem:s16+$0xFFFFFFC0]  }
0x306: {  	[tilespmem:s13+$0xFFFFFFD0] =	vst v4;
	v4 =	vld [tilespmem:s15+$0xFFFFFFC0]  }
0x307: {  	v3 =	vmax.f32 v3, $0.0e+00;
	v2 =	vadd.f32 v2, v8;
	v8 =	vld [tilespmem:s2+$0xFFFFFFE0]  }
0x308: {  	[tilespmem:s28+$0x40] =	vst v3;
	v3 =	vld [tilespmem:s23+$0xFFFFFFE0]  }
0x309: {  	v2 =	vmax.f32 v2, $0.0e+00;
	v1 =	vadd.f32 v1, v6;
	v6 =	vld [tilespmem:s16+$0x50]  }
0x30a: {  	[tilespmem:s20+$0x10] =	vst v2;
	v2 =	vld [tilespmem:s15+$0x50]  }
0x30b: {  	v4 =	vadd.f32 v4, v5;
	v5 =	vld [tilespmem:s19+$0x20];
	v1 =	vmax.f32 v1, $0.0e+00  }
0x30c: {  	[tilespmem:s20+$0xFFFFFF90] =	vst v1;
	v1 =	vld [tilespmem:s21+$0x20]  }
0x30d: {  	v3 =	vadd.f32 v3, v8;
	v4 =	vmax.f32 v4, $0.0e+00;
	v8 =	vld [tilespmem:s19+$0xFFFFFFA0]  }
0x30e: {  	[tilespmem:s28+$0xFFFFFFC0] =	vst v4;
	v4 =	vld [tilespmem:s21+$0xFFFFFFA0]  }
0x30f: {  	v3 =	vmax.f32 v3, $0.0e+00;
	v2 =	vadd.f32 v2, v6;
	v63 =	vld [tilespmem:s16+$0xFFFFFFD0]  }
0x310: {  	[tilespmem:s13+$0xFFFFFFE0] =	vst v3;
	v11 =	vld [tilespmem:s15+$0xFFFFFFD0]  }
0x311: {  	v2 =	vmax.f32 v2, $0.0e+00;
	v3 =	vadd.f32 v1, v5;
	v1 =	vld [tilespmem:s2+$0xFFFFFFF0]  }
0x312: {  	v5 =	vadd.f32 v7, v62;
	[tilespmem:s28+$0x50] =	vst v2;
	v2 =	vld [tilespmem:s23+$0xFFFFFFF0]  }
0x313: {  	v6 =	vadd.f32 v4, v8;
	v4 =	vmax.f32 v3, $0.0e+00;
	v3 =	vld [tilespmem:s16+$0x60]  }
0x314: {  	v5 =	vmax.f32 v5, $0.0e+00;
	[tilespmem:s20+$0x20] =	vst v4;
	v4 =	vld [tilespmem:s15+$0x60]  }
0x315: {  	s30 =	smov.u32 s17;
	s17 =	simm.s32 $0x100;
	[tilespmem:s13+$0x70] =	vst v5;
	v7 =	vmax.f32 v6, $0.0e+00;
	v5 =	vadd.f32 v11, v63;
	v6 =	vld [tilespmem:s19+$0x30]  }
0x316: {  	s1 =	simm.s32 $0x4;
	s23 =	simm.s32 $0x1980;
	s2 =	simm.s32 $0x4080;
	[tilespmem:s20+$0xFFFFFFA0] =	vst v7;
	v7 =	vld [tilespmem:s21+$0x30]  }
.LBB2_11:
0x317: {  	v8 =	vld [tilespmem:s23+$0x0];
	s21 =	sadd.s32 $0x100, s21;
	v5 =	vmax.f32 v5, $0.0e+00;
	v1 =	vadd.f32 v2, v1  }
0x318: {  	v2 =	vld [tilespmem:s21+$0x0];
	[tilespmem:s28+$0xFFFFFFD0] =	vst v5  }
0x319: {  	v5 =	vld [tilespmem:s21+$0xFFFFFF80];
	v3 =	vadd.f32 v4, v3;
	v1 =	vmax.f32 v1, $0.0e+00  }
0x31a: {  	v4 =	vld [tilespmem:s23+$0xFFFFFF80];
	[tilespmem:s13+$0xFFFFFFF0] =	vst v1;
	s13 =	smov.u32 s28;
	s28 =	smov.u32 s20  }
0x31b: {  	v1 =	vld [tilespmem:s19+$0xFFFFFFB0];
	v6 =	vadd.f32 v7, v6;
	v3 =	vmax.f32 v3, $0.0e+00  }
0x31c: {  	v7 =	vld [tilespmem:s2+$0xFFFFFFB0];
	[tilespmem:s13+$0x60] =	vst v3  }
0x31d: {  	v2 =	vadd.f32 v2, v8;
	v3 =	vmax.f32 v6, $0.0e+00;
	v6 =	vld [tilespmem:s16+$0x70]  }
0x31e: {  	[tilespmem:s20+$0x30] =	vst v3;
	v3 =	vld [tilespmem:s15+$0x70]  }
0x31f: {  	s1 =	sadd.s32 $0x2, s1;
	s20 =	sadd.s32 $0x100, s20;
	v4 =	vadd.f32 v5, v4;
	v2 =	vmax.f32 v2, $0.0e+00;
	v5 =	vld [tilespmem:s19+$0x40]  }
0x320: {  	p0 =	slt.u32 s1, $0x26;
	[tilespmem:s20+$0x0] =	vst v2;
	v2 =	vld [tilespmem:s2+$0x40]  }
0x321: {  	v4 =	vmax.f32 v4, $0.0e+00;
	v8 =	vld [tilespmem:s23+$0x10];
	v1 =	vadd.f32 v7, v1  }
0x322: {  	[tilespmem:s20+$0xFFFFFF80] =	vst v4;
	v4 =	vld [tilespmem:s21+$0x10]  }
0x323: {  	v7 =	vld [tilespmem:s23+$0xFFFFFF90];
	v1 =	vmax.f32 v1, $0.0e+00;
	v3 =	vadd.f32 v3, v6  }
0x324: {  	v6 =	vld [tilespmem:s21+$0xFFFFFF90];
	[tilespmem:s28+$0xFFFFFFB0] =	vst v1  }
0x325: {  	v1 =	vld [tilespmem:s19+$0xFFFFFFC0];
	v2 =	vadd.f32 v2, v5;
	v3 =	vmax.f32 v3, $0.0e+00  }
0x326: {  	v5 =	vld [tilespmem:s2+$0xFFFFFFC0];
	[tilespmem:s13+$0x70] =	vst v3  }
0x327: {  	v3 =	vadd.f32 v4, v8;
	v2 =	vmax.f32 v2, $0.0e+00;
	v4 =	vld [tilespmem:s16+$0xFFFFFFE0]  }
0x328: {  	[tilespmem:s28+$0x40] =	vst v2;
	v2 =	vld [tilespmem:s15+$0xFFFFFFE0]  }
0x329: {  	v6 =	vadd.f32 v6, v7;
	v3 =	vmax.f32 v3, $0.0e+00;
	v7 =	vld [tilespmem:s19+$0x50]  }
0x32a: {  	[tilespmem:s20+$0x10] =	vst v3;
	v3 =	vld [tilespmem:s2+$0x50]  }
0x32b: {  	v6 =	vmax.f32 v6, $0.0e+00;
	v8 =	vld [tilespmem:s23+$0x20];
	v1 =	vadd.f32 v5, v1  }
0x32c: {  	[tilespmem:s20+$0xFFFFFF90] =	vst v6;
	v5 =	vld [tilespmem:s21+$0x20]  }
0x32d: {  	v6 =	vld [tilespmem:s23+$0xFFFFFFA0];
	v1 =	vmax.f32 v1, $0.0e+00;
	v2 =	vadd.f32 v2, v4  }
0x32e: {  	v4 =	vld [tilespmem:s21+$0xFFFFFFA0];
	[tilespmem:s28+$0xFFFFFFC0] =	vst v1  }
0x32f: {  	v9 =	vld [tilespmem:s19+$0xFFFFFFD0];
	v1 =	vadd.f32 v3, v7;
	v2 =	vmax.f32 v2, $0.0e+00  }
0x330: {  	v7 =	vld [tilespmem:s2+$0xFFFFFFD0];
	[tilespmem:s13+$0xFFFFFFE0] =	vst v2  }
0x331: {  	v3 =	vadd.f32 v5, v8;
	v2 =	vmax.f32 v1, $0.0e+00;
	v1 =	vld [tilespmem:s16+$0xFFFFFFF0];
	s16 =	smov.u32 s19;
	s19 =	smov.u32 s23  }
.Ltmp4:
0x332: {  	[tilespmem:s28+$0x50] =	vst v2;
	v2 =	vld [tilespmem:s15+$0xFFFFFFF0];
	s15 =	smov.u32 s2;
	s2 =	smov.u32 s21;
	(pc) =	sbr.rel @p0 .LBB2_11-.Ltmp4, $4  }
0x333: {  	v5 =	vadd.f32 v4, v6;
	v4 =	vmax.f32 v3, $0.0e+00;
	v3 =	vld [tilespmem:s16+$0x60]  }
0x334: {  	[tilespmem:s20+$0x20] =	vst v4;
	v4 =	vld [tilespmem:s15+$0x60]  }
0x335: {  	v8 =	vmax.f32 v5, $0.0e+00;
	v6 =	vld [tilespmem:s23+$0x30];
	v5 =	vadd.f32 v7, v9  }
0x336: {  	s23 =	sadd.s32 $0x100, s23;
	[tilespmem:s20+$0xFFFFFFA0] =	vst v8;
	v7 =	vld [tilespmem:s21+$0x30]  }
0x337: {  	v8 =	vld [tilespmem:s19+$0xFFFFFFB0]  }
0x338: {  	v9 =	vld [tilespmem:s2+$0xFFFFFFB0];
	_ =	sdelay $0x2  }
0x339: {  	v6 =	vadd.f32 v7, v6;
	_ =	sdelay $0x1  }
0x33a: {  	v53 =	vadd.f32 v9, v8;
	v6 =	vmax.f32 v6, $0.0e+00  }
0x33b: {  	[tilespmem:s20+$0x30] =	vst v6  }
0x33c: {  	v7 =	vmax.f32 v53, $0.0e+00;
	v6 =	vld [tilespmem:s19+$0x40]  }
0x33d: {  	v54 =	vld [tilespmem:s2+$0x40];
	[tilespmem:s20+$0xFFFFFFB0] =	vst v7  }
0x33e: {  	v7 =	vld [tilespmem:s19+$0xFFFFFFC0]  }
0x33f: {  	v55 =	vld [tilespmem:s2+$0xFFFFFFC0];
	_ =	sdelay $0x2  }
0x340: {  	v6 =	vadd.f32 v54, v6;
	_ =	sdelay $0x1  }
0x341: {  	v7 =	vadd.f32 v55, v7;
	v6 =	vmax.f32 v6, $0.0e+00  }
0x342: {  	[tilespmem:s20+$0x40] =	vst v6  }
0x343: {  	v7 =	vmax.f32 v7, $0.0e+00;
	v6 =	vld [tilespmem:s19+$0x50]  }
0x344: {  	v56 =	vld [tilespmem:s2+$0x50];
	[tilespmem:s20+$0xFFFFFFC0] =	vst v7  }
0x345: {  	v7 =	vld [tilespmem:s19+$0xFFFFFFD0]  }
0x346: {  	v57 =	vld [tilespmem:s2+$0xFFFFFFD0];
	_ =	sdelay $0x2  }
0x347: {  	v5 =	vmax.f32 v5, $0.0e+00;
	v6 =	vadd.f32 v56, v6  }
0x348: {  	[tilespmem:s28+$0xFFFFFFD0] =	vst v5  }
0x349: {  	v5 =	vld [tilespmem:s16+$0xFFFFFFE0];
	v7 =	vadd.f32 v57, v7;
	v6 =	vmax.f32 v6, $0.0e+00  }
0x34a: {  	v58 =	vld [tilespmem:s15+$0xFFFFFFE0];
	[tilespmem:s20+$0x50] =	vst v6  }
0x34b: {  	v7 =	vmax.f32 v7, $0.0e+00;
	v6 =	vld [tilespmem:s19+$0x60]  }
0x34c: {  	v59 =	vld [tilespmem:s2+$0x60];
	[tilespmem:s20+$0xFFFFFFD0] =	vst v7  }
0x34d: {  	v3 =	vadd.f32 v4, v3;
	v60 =	vld [tilespmem:s19+$0xFFFFFFE0]  }
0x34e: {  	v7 =	vld [tilespmem:s2+$0xFFFFFFE0]  }
0x34f: {  	v3 =	vmax.f32 v3, $0.0e+00;
	v5 =	vadd.f32 v58, v5  }
0x350: {  	[tilespmem:s28+$0x60] =	vst v3  }
0x351: {  	v3 =	vld [tilespmem:s16+$0x70];
	v5 =	vmax.f32 v5, $0.0e+00;
	v6 =	vadd.f32 v59, v6  }
0x352: {  	v61 =	vld [tilespmem:s15+$0x70];
	[tilespmem:s28+$0xFFFFFFE0] =	vst v5  }
0x353: {  	v5 =	vld [tilespmem:s16+$0xFFFFFFF0];
	v4 =	vadd.f32 v7, v60;
	v6 =	vmax.f32 v6, $0.0e+00  }
0x354: {  	v62 =	vld [tilespmem:s15+$0xFFFFFFF0];
	[tilespmem:s20+$0x60] =	vst v6  }
0x355: {  	v4 =	vmax.f32 v4, $0.0e+00;
	v6 =	vld [tilespmem:s19+$0x70]  }
0x356: {  	v63 =	vld [tilespmem:s2+$0x70];
	[tilespmem:s20+$0xFFFFFFE0] =	vst v4  }
0x357: {  	v4 =	vld [tilespmem:s19+$0xFFFFFFF0]  }
0x358: {  	v10 =	vld [tilespmem:s2+$0xFFFFFFF0]  }
0x359: {  	v1 =	vadd.f32 v2, v1  }
0x35a: {  	v2 =	vadd.f32 v61, v3  }
0x35b: {  	v1 =	vmax.f32 v1, $0.0e+00;
	v3 =	vadd.f32 v62, v5  }
0x35c: {  	[tilespmem:s13+$0xFFFFFFF0] =	vst v1;
	v1 =	vmax.f32 v2, $0.0e+00;
	v2 =	vadd.f32 v63, v6  }
0x35d: {  	[tilespmem:s28+$0x70] =	vst v1;
	v1 =	vmax.f32 v3, $0.0e+00;
	v3 =	vadd.f32 v10, v4  }
0x35e: {  	[tilespmem:s28+$0xFFFFFFF0] =	vst v1;
	v1 =	vmax.f32 v2, $0.0e+00  }
0x35f: {  	[tilespmem:s20+$0x70] =	vst v1;
	v1 =	vmax.f32 v3, $0.0e+00  }
0x360: {  	[tilespmem:s20+$0xFFFFFFF0] =	vst v1  }
0x361: {  	_ =	swait.ge [sflag:s12], $0x28  }
0x362: {  	s23 =	simm.s32 $0x180;
	[sflag:s12] =	ssyncset.done $0x0  }
0x363: {  	s1 =	simm.s32 $0x6600;
	s22 =	sadd.s32 $0x1, s22;
	[sflag:s12] =	ssyncadd.s32 $0xFFFFFFD8  }
0x364: {  	[spmem:s31] =	stream.indirect.scatter.add.f32 [tilespmem:s1], [sflag:$0xA], $0x80, s23, s25, $0xb8;
	[tilespmem:$0x1BA00] =	vst v63  }
0x365: {  	p0 =	sne.s32 s22, $0x7D;
	_ =	swait.ge [sflag:s29], $0x28  }
.Ltmp5:
0x366: {  	[sflag:s29] =	ssyncset.done $0x0;
	(pc) =	sbr.rel @p0 .LBB2_8-.Ltmp5, $4  }
0x367: {  	s21 =	smul.u32 $0x280, s26;
	s26 =	simm.s32 $0x1600;
	[sflag:s29] =	ssyncadd.s32 $0xFFFFFFD8  }
0x368: {  	[tilespmem:s26], [sflag:$0x6] =	stream.indirect.gather [hbm4b:s30+s25], $0x80, s18, s25, $0xb8;
	[tilespmem:$0x1BA00] =	vst v63  }
0x369: {  	s28 =	simm.s32 $0x3E00;
	s1 =	sadd.s32 s5, s21  }
0x36a: {  	[tilespmem:s28], [sflag:$0x8] =	stream.linear.gather [hbm4b:s1+s3], $0x1400, $0x38;
	[tilespmem:$0x1BA00] =	vst v63  }
0x36b: {  	_ =	swait.ge [sflag:s14], $0x1400  }
0x36c: {  	[sflag:s14] =	ssyncset.done $0x0  }
0x36d: {  	[sflag:s14] =	ssyncadd.s32 $0xFFFFEC00  }
0x36e: {  	_ =	swait.ge [sflag:s0], $0x1400  }
0x36f: {  	[sflag:s0] =	ssyncset.done $0x0  }
0x370: {  	[sflag:s0] =	ssyncadd.s32 $0xFFFFEC00  }
0x371: {  	_ =	swait.ge [sflag:s4], $0x1400  }
0x372: {  	[sflag:s4] =	ssyncset.done $0x0  }
0x373: {  	[sflag:s4] =	ssyncadd.s32 $0xFFFFEC00  }
0x374: {  	_ =	swait.ge [sflag:s9], $0x1400  }
0x375: {  	[sflag:s9] =	ssyncset.done $0x0  }
0x376: {  	[sflag:s9] =	ssyncadd.s32 $0xFFFFEC00  }
0x377: {  	_ =	swait.ge [sflag:s10], $0x1400  }
0x378: {  	[sflag:s10] =	ssyncset.done $0x0  }
0x379: {  	[sflag:s10] =	ssyncadd.s32 $0xFFFFEC00  }
0x37a: {  	_ =	swait.ge [sflag:s8], $0x28  }
0x37b: {  	[sflag:s8] =	ssyncset.done $0x0  }
0x37c: {  	[sflag:s8] =	ssyncadd.s32 $0xFFFFFFD8  }
0x37d: {  	s1 =	stileid.u32;
	[bflag:$0x0] =	sbarrier.arrive $0xFFFF  }
0x37e: {  	s1 =	sshll.u32 s1, $0x6;
	s13 =	rddreg [dreg:$0x12]  }
0x37f: {  	s1 =	sor.u32 $0x1C0B, s1;
	s15 =	rddreg [dreg:$0x13];
	s2 =	sshrl.u32 s13, $0x3  }
0x380: {  	[hbm:s15], [sflag:s1] =	dma.local [spmem:s2], $0x2800  }
0x381: {  	s15 =	simm.s32 $0xB  }
0x382: {  	_ =	swait.ge [sflag:s15], $0x2800  }
0x383: {  	s26 =	sld [smem:$0x7F9];
	_ =	sdelay $0x2  }
0x384: {  	s28 =	rddreg [dreg:$0x14];
	s2 =	sadd.s32 $0x1, s26  }
0x385: {  	p0 =	sne.s32 s2, s28  }
.Ltmp6:
0x386: {  	_ = 	snop;
	(pc) =	sbr.rel @p0 .LBB2_1-.Ltmp6, $3  }
0x387: {  	_ =	sdelay $0x1  }
0x388: {  	[sflag:s15] =	ssyncset.done $0x0  }
0x389: {  	[sflag:s15] =	ssyncadd.s32 $0xFFFFD800  }
0x38a: {  	_ =	sfence.sel $0x180000  }
0x38b: {  	[bflag:$0x0] =	sbarrier.arrive $0xFFFF  }
0x38c: {  	_ =	strace $0x90000047  }
0x38d: {  	s0 =	stileid.u32;
	[bflag:$0x2] =	sbarrier.arrive $0xFFFF  }
0x38e: {  	p0 =	sne.s32 s0, $0x0;
	s0 =	rddreg [dreg:$0x3]  }
0x38f: {  	s0 =	sadd.s32 @!p0 $0x100000, s0  }
0x390: {  	[sflag:s0] =	ssyncadd.tile.s32 @!p0 $0x1;
	_ =	shalt  }
.Lfunc_end2:
_tile_overlayer_lowered:
.L_overlay_start_2:
0x391: {  	(tag) =	ssettag $0x2  }
0x392: {  	s0 =	rddreg [dreg:$0x0];
	s2 =	stileid.u32  }
0x393: {  	s1 =	rddreg [dreg:$0x1];
	p0 =	sne.s32 s2, $0x0  }
0x394: {  	s3 =	rddreg [dreg:$0x2];
	[bflag:$0x3] =	sbarrier.arrive $0xFFFF;
	s2 =	simm.s32 @!p0 $0x1C0B  }
0x395: {  	[timem:s3], [sflag:s2] =	dma.local @!p0 [hbm:s0], s1  }
0x396: {  	s0 =	simm.s32 @!p0 $0xB  }
0x397: {  	_ =	swait.ge @!p0 [sflag:s0], s1  }
0x398: {  	s1 =	ssub.s32 @!p0 $0x0, s1;
	[sflag:s0] =	ssyncset.done @!p0 $0x0  }
0x399: {  	[sflag:s0] =	ssyncadd.s32 @!p0 s1  }
0x39a: {  	[bflag:$0x3] =	sbarrier.arrive $0xFFFF  }
0x39b: {  	_ =	shalt  }

</sc_bundles>
